<compile_context>
chip_gen: v7x
topology: tpu7x:2x2x1
jax: 0.10.2.dev20260603
libtpu: 0.0.44.dev20260713+nightly
codegen_flags: <defaults>
</compile_context>

<pallas_src>
import functools

import jax
import jax.numpy as jnp
from jax import lax
from jax.experimental import pallas as pl
from jax.experimental.pallas import tpu as pltpu
from jax.experimental.pallas import tpu_sc as plsc

B, M, N = 8, 1024, 256
H, W = 128, 128
HW = H * W
NCH = 2
CHUNKS = 32


def _sc_body(xt_hbm, locy_hbm, locx_hbm, out_hbm, yv, xv, idxv, maskv,
             dirty_m, dirty_p, xs0, xs1, buf0, buf1, xsem0, xsem1, dsem0,
             dsem1):
    c = lax.axis_index("c")
    s = lax.axis_index("s")
    wid = c * 16 + s
    b = wid // 4
    band = wid % 4

    pltpu.sync_copy(locy_hbm.at[b], yv)
    pltpu.sync_copy(locx_hbm.at[b], xv)

    def idx_body(g, carry):
        ys = yv[pl.ds(g * 16, 16)]
        xcs = xv[pl.ds(g * 16, 16)]
        idxv[pl.ds(g * 16, 16)] = ys * W + xcs
        return carry

    lax.fori_loop(0, M // 16, idx_body, 0)

    lanes = lax.iota(jnp.int32, 16)
    m4 = lanes < NCH
    gat_base = jnp.where(m4, lanes * M, 0)
    sct_base = jnp.where(m4, lanes * HW, 0)
    zeros16 = jnp.zeros((16,), jnp.float32)

    def dup_body(g, nd):
        pv = idxv[pl.ds(g * 16, 16)]
        _, last = plsc.scan_count(pv)
        maskv[pl.ds(g * 16, 16)] = jnp.where(last, -1, 0).astype(jnp.int32)
        dup = ~last
        k = plsc.all_reduce_population_count(dup)[0]
        plsc.store_compressed(dirty_m.at[pl.ds(nd, 16)], g * 16 + lanes,
                              mask=dup)
        plsc.store_compressed(dirty_p.at[pl.ds(nd, 16)], pv, mask=dup)
        return nd + k

    ndirty = lax.fori_loop(0, M // 16, dup_body, 0)

    @plsc.parallel_loop(0, NCH * HW // 16, unroll=16)
    def _zero(i):
        buf0[pl.ds(i * 16, 16)] = zeros16
        buf1[pl.ds(i * 16, 16)] = zeros16

    pltpu.async_copy(xt_hbm.at[b, pl.ds(band * CHUNKS * NCH * M, NCH * M)],
                     xs0, xsem0)

    def super_body(t2, carry):
        for k, xs, buf, xsem, dsem, oxs, oxsem in (
                (0, xs0, buf0, xsem0, dsem0, xs1, xsem1),
                (1, xs1, buf1, xsem1, dsem1, xs0, xsem0)):
            ch_i = t2 * 2 + k
            cg = band * CHUNKS + ch_i
            base = (b * N + cg * NCH) * HW

            nxt = band * CHUNKS + jnp.minimum(ch_i + 1, CHUNKS - 1)
            pltpu.async_copy(xt_hbm.at[b, pl.ds(nxt * NCH * M, NCH * M)],
                             oxs, oxsem)

            @pl.when(t2 > 0)
            def _():
                pltpu.make_async_copy(
                    buf, out_hbm.at[pl.ds(0, NCH * HW)], dsem).wait()

            @plsc.parallel_loop(0, M // 16, unroll=8)
            def _rezero(g):
                pv = idxv[pl.ds(g * 16, 16)]
                for ch in range(NCH):
                    plsc.store_scatter(buf, [pv + ch * HW], zeros16)

            pltpu.make_async_copy(xt_hbm.at[b, pl.ds(0, NCH * M)], xs,
                                  xsem).wait()

            @plsc.parallel_loop(0, M // 16, unroll=4)
            def _accum(g):
                lastm = maskv[pl.ds(g * 16, 16)] != 0
                pv = idxv[pl.ds(g * 16, 16)]
                for ch in range(NCH):
                    vals = xs[pl.ds(ch * M + g * 16, 16)]
                    plsc.addupdate_scatter(buf, [pv + ch * HW], vals,
                                           mask=lastm)

            @pl.when(ndirty > 0)
            def _():
                def dirty_body(blk, carry2):
                    dmv = dirty_m[pl.ds(blk * 16, 16)]
                    dpv = dirty_p[pl.ds(blk * 16, 16)]
                    for j in range(16):
                        ok = blk * 16 + j < ndirty
                        mj = m4 & ok
                        vals = plsc.load_gather(
                            xs, [gat_base + dmv[j]], mask=mj)
                        plsc.addupdate_scatter(
                            buf, [sct_base + dpv[j]], vals, mask=mj)
                    return carry2

                lax.fori_loop(0, (ndirty + 15) // 16, dirty_body, 0)

            pltpu.async_copy(buf, out_hbm.at[pl.ds(base, NCH * HW)], dsem)
        return carry

    lax.fori_loop(0, CHUNKS // 2, super_body, 0)

    pltpu.make_async_copy(buf0, out_hbm.at[pl.ds(0, NCH * HW)], dsem0).wait()
    pltpu.make_async_copy(buf1, out_hbm.at[pl.ds(0, NCH * HW)], dsem1).wait()
    pltpu.make_async_copy(xt_hbm.at[b, pl.ds(0, NCH * M)], xs0, xsem0).wait()


def kernel(x, spatial_size, location):
    del spatial_size
    loc = location.astype(jnp.int32)
    locy = loc[:, :, 0]
    locx = loc[:, :, 1]
    xt = jnp.transpose(x, (0, 2, 1)).reshape(B, N * M)

    sc = functools.partial(
        pl.kernel,
        out_type=jax.ShapeDtypeStruct((B * N * HW,), jnp.float32),
        mesh=plsc.VectorSubcoreMesh(core_axis_name="c", subcore_axis_name="s"),
        compiler_params=pltpu.CompilerParams(needs_layout_passes=False),
        scratch_types=[
            pltpu.VMEM((M,), jnp.int32),
            pltpu.VMEM((M,), jnp.int32),
            pltpu.VMEM((M,), jnp.int32),
            pltpu.VMEM((M,), jnp.int32),
            pltpu.VMEM((M + 16,), jnp.int32),
            pltpu.VMEM((M + 16,), jnp.int32),
            pltpu.VMEM((NCH * M,), jnp.float32),
            pltpu.VMEM((NCH * M,), jnp.float32),
            pltpu.VMEM((NCH * HW,), jnp.float32),
            pltpu.VMEM((NCH * HW,), jnp.float32),
            pltpu.SemaphoreType.DMA,
            pltpu.SemaphoreType.DMA,
            pltpu.SemaphoreType.DMA,
            pltpu.SemaphoreType.DMA,
        ],
    )(_sc_body)
    out = sc(xt, locy, locx)
    return out.reshape(B, N, H, W)

# --- scband reference (transcript-rebuilt; emitter-appended) ---
"""Pipeline reference for scband-scatter-connection-55336358642232 (READ-ONLY COPY).

The authoritative reference and input builder live on the scoring server;
editing this copy changes nothing except your own understanding.
"""

import jax, jax.numpy as jnp
import numpy as np

B, M, N = 8, 1024, 256
H, W = 128, 128


def setup_inputs(seed: int = 0) -> dict:
    key = jax.random.key(seed)
    k1, k2 = jax.random.split(key)
    x = jax.random.normal(k1, (B, M, N), dtype=jnp.float32)
    # location[b, m] = (y, x) coordinates, each in [0, H) / [0, W)
    location = jax.random.randint(k2, (B, M, 2), 0, 128).astype(jnp.int64)
    spatial_size = (H, W)
    return {"x": x, "spatial_size": spatial_size, "location": location}


def reference(x, spatial_size, location):
    # Faithful translation of ScatterConnection.forward with scatter_type='add'.
    # x: (B, M, N) float32; location: (B, M, 2) int (y, x); spatial_size: (H, W)
    Bx, Mx, Nx = x.shape
    Hs, Ws = H, W
    # flat index over H*W: y * W + x
    index = location[:, :, 1] + location[:, :, 0] * spatial_size[1]  # (B, M)
    # scatter-add x[b, m, :] into output[b, index[b, m], :]
    b_idx = jnp.broadcast_to(jnp.arange(Bx)[:, None], (Bx, Mx))  # (B, M)
    out = jnp.zeros((Bx, Hs * Ws, Nx), dtype=x.dtype)
    out = out.at[b_idx, index].add(x)  # scatter_add along flattened spatial dim
    # reshape to (B, N, H, W)
    out = out.reshape(Bx, Hs, Ws, Nx)
    out = jnp.transpose(out, (0, 3, 1, 2))
    return out

if __name__ == "__main__":
    import jax
    _d = setup_inputs()
    print(jax.jit(kernel)(*tuple(_d.values())))

</pallas_src>

<mosaic_0001>
#map = affine_map<(d0, d1) -> (0, 0)>
#map1 = affine_map<(d0, d1) -> (0)>
module attributes {stable_mosaic.version = 14 : i64} {
  func.func @_sc_body(%arg0: i32, %arg1: i32, %arg2: memref<8x262144xf32, #tpu.memory_space<hbm>>, %arg3: memref<8x1024xi32, #tpu.memory_space<hbm>>, %arg4: memref<8x1024xi32, #tpu.memory_space<hbm>>, %arg5: memref<33554432xf32, #tpu.memory_space<hbm>>, %arg6: memref<1024xi32, #tpu.memory_space<vmem>>, %arg7: memref<1024xi32, #tpu.memory_space<vmem>>, %arg8: memref<1024xi32, #tpu.memory_space<vmem>>, %arg9: memref<1024xi32, #tpu.memory_space<vmem>>, %arg10: memref<1040xi32, #tpu.memory_space<vmem>>, %arg11: memref<1040xi32, #tpu.memory_space<vmem>>, %arg12: memref<2048xf32, #tpu.memory_space<vmem>>, %arg13: memref<2048xf32, #tpu.memory_space<vmem>>, %arg14: memref<32768xf32, #tpu.memory_space<vmem>>, %arg15: memref<32768xf32, #tpu.memory_space<vmem>>, %arg16: memref<!tpu.dma_semaphore, #tpu.memory_space<semaphore_mem>>, %arg17: memref<!tpu.dma_semaphore, #tpu.memory_space<semaphore_mem>>, %arg18: memref<!tpu.dma_semaphore, #tpu.memory_space<semaphore_mem>>, %arg19: memref<!tpu.dma_semaphore, #tpu.memory_space<semaphore_mem>>) attributes {dimension_semantics = [#tpu.dimension_semantics<core_parallel>, #tpu.dimension_semantics<subcore_parallel>], iteration_bounds = array<i64: 2, 16>, scalar_prefetch = 0 : i64, scratch_operands = 14 : i64, tpu.core_type = #tpu.core_type<sc_vector_subcore>, window_params = [{transform_indices = #map}, {transform_indices = #map}, {transform_indices = #map}, {transform_indices = #map1}]} {
    %mul3A = arith.constant 16 : i32
    %mul3A_0 = arith.muli %arg0, %mul3A : i32
    %add3A = arith.addi %mul3A_0, %arg1 : i32
    %jit3A = arith.constant 4 : i32
    %div3A = arith.divsi %add3A, %jit3A : i32
    %sign3A = arith.constant 0 : i32
    %sign3A_1 = arith.cmpi sgt, %add3A, %sign3A : i32
    %sign3A_2 = arith.extui %sign3A_1 : i1 to i32
    %sign3A_3 = arith.constant 0 : i32
    %sign3A_4 = arith.cmpi slt, %add3A, %sign3A_3 : i32
    %sign3A_5 = arith.extui %sign3A_4 : i1 to i32
    %sign3A_6 = arith.subi %sign3A_2, %sign3A_5 : i32
    %sign3A_7 = arith.constant 0 : i32
    %sign3A_8 = arith.cmpi sgt, %jit3A, %sign3A_7 : i32
    %sign3A_9 = arith.extui %sign3A_8 : i1 to i32
    %sign3A_10 = arith.constant 0 : i32
    %sign3A_11 = arith.cmpi slt, %jit3A, %sign3A_10 : i32
    %sign3A_12 = arith.extui %sign3A_11 : i1 to i32
    %sign3A_13 = arith.subi %sign3A_9, %sign3A_12 : i32
    %ne3A = arith.cmpi ne, %sign3A_6, %sign3A_13 : i32
    %rem3A = arith.remsi %add3A, %jit3A : i32
    %ne3A_14 = arith.constant 0 : i32
    %ne3A_15 = arith.cmpi ne, %rem3A, %ne3A_14 : i32
    %and3A = arith.andi %ne3A, %ne3A_15 : i1
    %sub3A = arith.constant 1 : i32
    %sub3A_16 = arith.subi %div3A, %sub3A : i32
    %select_n3A = arith.select %and3A, %sub3A_16, %div3A : i32
    %jit3A_17 = arith.constant 4 : i32
    %eq3A = arith.constant 0 : i32
    %eq3A_18 = arith.cmpi eq, %jit3A_17, %eq3A : i32
    %jit3A_19 = arith.constant 1 : i32
    %select_n3A_20 = arith.select %eq3A_18, %jit3A_19, %jit3A_17 : i32
    %rem3A_21 = arith.remsi %add3A, %select_n3A_20 : i32
    %ne3A_22 = arith.constant 0 : i32
    %ne3A_23 = arith.cmpi ne, %rem3A_21, %ne3A_22 : i32
    %lt3A = arith.constant 0 : i32
    %lt3A_24 = arith.cmpi slt, %rem3A_21, %lt3A : i32
    %lt3A_25 = arith.constant 0 : i32
    %lt3A_26 = arith.cmpi slt, %select_n3A_20, %lt3A_25 : i32
    %ne3A_27 = arith.xori %lt3A_24, %lt3A_26 : i1
    %and3A_28 = arith.andi %ne3A_27, %ne3A_23 : i1
    %add3A_29 = arith.addi %rem3A_21, %select_n3A_20 : i32
    %select_n3A_30 = arith.select %and3A_28, %add3A_29, %rem3A_21 : i32
    "tpu.region"() ({
      %run_scoped3A = tpu.sem_alloc : memref<!tpu.dma_semaphore, #tpu.memory_space<semaphore_mem>>
      %dma_start3A_89 = arith.constant 0 : i32
      %dma_start3A_90 = tpu.memref_slice %arg3[%select_n3A, %dma_start3A_89] : memref<8x1024xi32, #tpu.memory_space<hbm>> -> memref<1x1024xi32, #tpu.memory_space<hbm>>
      %dma_start3A_91 = tpu.memref_squeeze %dma_start3A_90 : memref<1x1024xi32, #tpu.memory_space<hbm>> -> memref<1024xi32, #tpu.memory_space<hbm>>
      %dma_start3A_92 = arith.constant 0 : i32
      %dma_start3A_93 = tpu.memref_slice %arg3[%select_n3A, %dma_start3A_92] : memref<8x1024xi32, #tpu.memory_space<hbm>> -> memref<1x1024xi32, #tpu.memory_space<hbm>>
      %dma_start3A_94 = tpu.memref_squeeze %dma_start3A_93 : memref<1x1024xi32, #tpu.memory_space<hbm>> -> memref<1024xi32, #tpu.memory_space<hbm>>
      tpu.enqueue_dma source(%dma_start3A_94 : memref<1024xi32, #tpu.memory_space<hbm>>) target(%arg6 : memref<1024xi32, #tpu.memory_space<vmem>>) target_semaphore(%run_scoped3A : memref<!tpu.dma_semaphore, #tpu.memory_space<semaphore_mem>>)
      %dma_wait3A_95 = arith.constant 0 : i32
      %dma_wait3A_96 = tpu.memref_slice %arg3[%select_n3A, %dma_wait3A_95] : memref<8x1024xi32, #tpu.memory_space<hbm>> -> memref<1x1024xi32, #tpu.memory_space<hbm>>
      %dma_wait3A_97 = tpu.memref_squeeze %dma_wait3A_96 : memref<1x1024xi32, #tpu.memory_space<hbm>> -> memref<1024xi32, #tpu.memory_space<hbm>>
      %dma_wait3A_98 = arith.constant 0 : i32
      %dma_wait3A_99 = tpu.memref_slice %arg3[%select_n3A, %dma_wait3A_98] : memref<8x1024xi32, #tpu.memory_space<hbm>> -> memref<1x1024xi32, #tpu.memory_space<hbm>>
      %dma_wait3A_100 = tpu.memref_squeeze %dma_wait3A_99 : memref<1x1024xi32, #tpu.memory_space<hbm>> -> memref<1024xi32, #tpu.memory_space<hbm>>
      tpu.wait_dma2 semaphore(%run_scoped3A : memref<!tpu.dma_semaphore, #tpu.memory_space<semaphore_mem>>) src(%dma_wait3A_100 : memref<1024xi32, #tpu.memory_space<hbm>>) dst(%arg6 : memref<1024xi32, #tpu.memory_space<vmem>>)
      tpu.yield
    }) : () -> ()
    "tpu.region"() ({
      %run_scoped3A = tpu.sem_alloc : memref<!tpu.dma_semaphore, #tpu.memory_space<semaphore_mem>>
      %dma_start3A_89 = arith.constant 0 : i32
      %dma_start3A_90 = tpu.memref_slice %arg4[%select_n3A, %dma_start3A_89] : memref<8x1024xi32, #tpu.memory_space<hbm>> -> memref<1x1024xi32, #tpu.memory_space<hbm>>
      %dma_start3A_91 = tpu.memref_squeeze %dma_start3A_90 : memref<1x1024xi32, #tpu.memory_space<hbm>> -> memref<1024xi32, #tpu.memory_space<hbm>>
      %dma_start3A_92 = arith.constant 0 : i32
      %dma_start3A_93 = tpu.memref_slice %arg4[%select_n3A, %dma_start3A_92] : memref<8x1024xi32, #tpu.memory_space<hbm>> -> memref<1x1024xi32, #tpu.memory_space<hbm>>
      %dma_start3A_94 = tpu.memref_squeeze %dma_start3A_93 : memref<1x1024xi32, #tpu.memory_space<hbm>> -> memref<1024xi32, #tpu.memory_space<hbm>>
      tpu.enqueue_dma source(%dma_start3A_94 : memref<1024xi32, #tpu.memory_space<hbm>>) target(%arg7 : memref<1024xi32, #tpu.memory_space<vmem>>) target_semaphore(%run_scoped3A : memref<!tpu.dma_semaphore, #tpu.memory_space<semaphore_mem>>)
      %dma_wait3A_95 = arith.constant 0 : i32
      %dma_wait3A_96 = tpu.memref_slice %arg4[%select_n3A, %dma_wait3A_95] : memref<8x1024xi32, #tpu.memory_space<hbm>> -> memref<1x1024xi32, #tpu.memory_space<hbm>>
      %dma_wait3A_97 = tpu.memref_squeeze %dma_wait3A_96 : memref<1x1024xi32, #tpu.memory_space<hbm>> -> memref<1024xi32, #tpu.memory_space<hbm>>
      %dma_wait3A_98 = arith.constant 0 : i32
      %dma_wait3A_99 = tpu.memref_slice %arg4[%select_n3A, %dma_wait3A_98] : memref<8x1024xi32, #tpu.memory_space<hbm>> -> memref<1x1024xi32, #tpu.memory_space<hbm>>
      %dma_wait3A_100 = tpu.memref_squeeze %dma_wait3A_99 : memref<1x1024xi32, #tpu.memory_space<hbm>> -> memref<1024xi32, #tpu.memory_space<hbm>>
      tpu.wait_dma2 semaphore(%run_scoped3A : memref<!tpu.dma_semaphore, #tpu.memory_space<semaphore_mem>>) src(%dma_wait3A_100 : memref<1024xi32, #tpu.memory_space<hbm>>) dst(%arg7 : memref<1024xi32, #tpu.memory_space<vmem>>)
      tpu.yield
    }) : () -> ()
    %scan3A = arith.constant 0 : i32
    %scan3A_31 = arith.constant 0 : i32
    %scan3A_32 = arith.constant 64 : i32
    %scan3A_33 = arith.addi %scan3A_31, %scan3A_32 : i32
    %scan3A_34 = arith.constant 1 : i32
    scf.for %scan3A_89 = %scan3A_31 to %scan3A_33 step %scan3A_34  : i32 {
      %mul3A_90 = arith.constant 16 : i32
      %mul3A_91 = arith.muli %scan3A_89, %mul3A_90 : i32
      %get3A = arith.index_cast %mul3A_91 : i32 to index
      %get3A_92 = tpu.vector_load %arg6[%get3A] {strides = array<i32>} : memref<1024xi32, #tpu.memory_space<vmem>>, vector<16xi32>,
      %mul3A_93 = arith.constant 16 : i32
      %mul3A_94 = arith.muli %scan3A_89, %mul3A_93 : i32
      %get3A_95 = arith.index_cast %mul3A_94 : i32 to index
      %get3A_96 = tpu.vector_load %arg7[%get3A_95] {strides = array<i32>} : memref<1024xi32, #tpu.memory_space<vmem>>, vector<16xi32>,
      %mul3A_97 = arith.constant 128 : i32
      %mul3A_98 = vector.broadcast %mul3A_97 : i32 to vector<16xi32>
      %mul3A_99 = arith.muli %get3A_92, %mul3A_98 : vector<16xi32>
      %add3A_100 = arith.addi %mul3A_99, %get3A_96 : vector<16xi32>
      %mul3A_101 = arith.constant 16 : i32
      %mul3A_102 = arith.muli %scan3A_89, %mul3A_101 : i32
      %swap3A = arith.index_cast %mul3A_102 : i32 to index
      %swap3A_103 = tpu.vector_load %arg8[%swap3A] {strides = array<i32>} : memref<1024xi32, #tpu.memory_space<vmem>>, vector<16xi32>,
      tpu.vector_store %arg8[%swap3A], %add3A_100 {strides = array<i32>} : memref<1024xi32, #tpu.memory_space<vmem>>, vector<16xi32>,
    }
    %scan3A_35 = arith.constant 64 : i32
    %iota3A = tpu.iota {dimensions = array<i32: 0>} : vector<16xi32>
    %lt3A_36 = arith.constant 2 : i32
    %lt3A_37 = vector.broadcast %lt3A_36 : i32 to vector<16xi32>
    %lt3A_38 = arith.cmpi slt, %iota3A, %lt3A_37 : vector<16xi32>
    %mul3A_39 = arith.constant 1024 : i32
    %mul3A_40 = vector.broadcast %mul3A_39 : i32 to vector<16xi32>
    %mul3A_41 = arith.muli %iota3A, %mul3A_40 : vector<16xi32>
    %jit3A_42 = arith.constant 0 : i32
    %broadcast_in_dim3A = vector.broadcast %jit3A_42 : i32 to vector<16xi32>
    %select_n3A_43 = arith.select %lt3A_38, %mul3A_41, %broadcast_in_dim3A : vector<16xi1>, vector<16xi32>
    %mul3A_44 = arith.constant 16384 : i32
    %mul3A_45 = vector.broadcast %mul3A_44 : i32 to vector<16xi32>
    %mul3A_46 = arith.muli %iota3A, %mul3A_45 : vector<16xi32>
    %jit3A_47 = arith.constant 0 : i32
    %broadcast_in_dim3A_48 = vector.broadcast %jit3A_47 : i32 to vector<16xi32>
    %select_n3A_49 = arith.select %lt3A_38, %mul3A_46, %broadcast_in_dim3A_48 : vector<16xi1>, vector<16xi32>
    %broadcast_in_dim3A_50 = arith.constant 0.000000e+00 : f32
    %broadcast_in_dim3A_51 = vector.broadcast %broadcast_in_dim3A_50 : f32 to vector<16xf32>
    %scan3A_52 = arith.constant 0 : i32
    %scan3A_53 = arith.constant 0 : i32
    %scan3A_54 = arith.constant 64 : i32
    %scan3A_55 = arith.addi %scan3A_53, %scan3A_54 : i32
    %scan3A_56 = arith.constant 1 : i32
    %scan3A_57 = scf.for %scan3A_89 = %scan3A_53 to %scan3A_55 step %scan3A_56 iter_args(%scan3A_90 = %scan3A_52) -> (i32)  : i32 {
      %mul3A_91 = arith.constant 16 : i32
      %mul3A_92 = arith.muli %scan3A_89, %mul3A_91 : i32
      %get3A = arith.index_cast %mul3A_92 : i32 to index
      %get3A_93 = tpu.vector_load %arg8[%get3A] {strides = array<i32>} : memref<1024xi32, #tpu.memory_space<vmem>>, vector<16xi32>,
      %broadcast_in_dim3A_94 = arith.constant true
      %broadcast_in_dim3A_95 = vector.broadcast %broadcast_in_dim3A_94 : i1 to vector<16xi1>
      %unique3A, %unique3A_96 = tpu.scan_count mask(%broadcast_in_dim3A_95 : vector<16xi1>) value(%get3A_93 : vector<16xi32>) : vector<16xi1>, vector<16xi32>
      %jit3A_97 = arith.constant -1 : i32
      %jit3A_98 = arith.constant 0 : i32
      %broadcast_in_dim3A_99 = vector.broadcast %jit3A_97 : i32 to vector<16xi32>
      %broadcast_in_dim3A_100 = vector.broadcast %jit3A_98 : i32 to vector<16xi32>
      %select_n3A_101 = arith.select %unique3A, %broadcast_in_dim3A_99, %broadcast_in_dim3A_100 : vector<16xi1>, vector<16xi32>
      %mul3A_102 = arith.constant 16 : i32
      %mul3A_103 = arith.muli %scan3A_89, %mul3A_102 : i32
      %swap3A = arith.index_cast %mul3A_103 : i32 to index
      %swap3A_104 = tpu.vector_load %arg9[%swap3A] {strides = array<i32>} : memref<1024xi32, #tpu.memory_space<vmem>>, vector<16xi32>,
      tpu.vector_store %arg9[%swap3A], %select_n3A_101 {strides = array<i32>} : memref<1024xi32, #tpu.memory_space<vmem>>, vector<16xi32>,
      %not3A = arith.constant dense<true> : vector<16xi1>
      %not3A_105 = arith.xori %unique3A, %not3A : vector<16xi1>
      %all_reduce_population_count3A = tpu.all_reduce %not3A_105 {dim = 0 : i64, kind = #tpu.reduction_kind<sum>} : vector<16xi1> -> vector<16xi32>
      %slice3A = vector.extract_strided_slice %all_reduce_population_count3A {offsets = [0], sizes = [1], strides = [1]} : vector<16xi32> to vector<1xi32>
      %squeeze3A = vector.extract %slice3A[0] : i32 from vector<1xi32>
      %mul3A_106 = arith.constant 16 : i32
      %mul3A_107 = arith.muli %scan3A_89, %mul3A_106 : i32
      %add3A_108 = vector.broadcast %mul3A_107 : i32 to vector<16xi32>
      %add3A_109 = arith.addi %add3A_108, %iota3A : vector<16xi32>
      %swap3A_110 = arith.index_cast %scan3A_90 : i32 to index
      %swap3A_111 = tpu.vector_load %arg10[%swap3A_110] masked %not3A_105 {strides = array<i32>} : memref<1040xi32, #tpu.memory_space<vmem>>, vector<16xi32>, vector<16xi1>
      tpu.vector_store %arg10[%swap3A_110], %add3A_109 masked %not3A_105 {strides = array<i32>} : memref<1040xi32, #tpu.memory_space<vmem>>, vector<16xi32>, vector<16xi1>
      %swap3A_112 = arith.index_cast %scan3A_90 : i32 to index
      %swap3A_113 = tpu.vector_load %arg11[%swap3A_112] masked %not3A_105 {strides = array<i32>} : memref<1040xi32, #tpu.memory_space<vmem>>, vector<16xi32>, vector<16xi1>
      tpu.vector_store %arg11[%swap3A_112], %get3A_93 masked %not3A_105 {strides = array<i32>} : memref<1040xi32, #tpu.memory_space<vmem>>, vector<16xi32>, vector<16xi1>
      %add3A_114 = arith.addi %scan3A_90, %squeeze3A : i32
      scf.yield %add3A_114 : i32
    }
    %scan3A_58 = arith.constant 64 : i32
    %parallel_loop3A = arith.constant 0 : i32
    %parallel_loop3A_59 = arith.constant 2048 : i32
    %parallel_loop3A_60 = arith.constant 1 : i32
    scf.for %parallel_loop3A_89 = %parallel_loop3A to %parallel_loop3A_59 step %parallel_loop3A_60  : i32 {
      %parallel_loop3A_90 = arith.constant 16 : i32
      %parallel_loop3A_91 = arith.muli %parallel_loop3A_89, %parallel_loop3A_90 : i32
      %parallel_loop3A_92 = arith.index_cast %parallel_loop3A_91 : i32 to index
      %parallel_loop3A_93 = tpu.vector_load %arg14[%parallel_loop3A_92] {strides = array<i32>} : memref<32768xf32, #tpu.memory_space<vmem>>, vector<16xf32>,
      tpu.vector_store %arg14[%parallel_loop3A_92], %broadcast_in_dim3A_51 {strides = array<i32>} : memref<32768xf32, #tpu.memory_space<vmem>>, vector<16xf32>,
      %parallel_loop3A_94 = arith.constant 16 : i32
      %parallel_loop3A_95 = arith.muli %parallel_loop3A_89, %parallel_loop3A_94 : i32
      %parallel_loop3A_96 = arith.index_cast %parallel_loop3A_95 : i32 to index
      %parallel_loop3A_97 = tpu.vector_load %arg15[%parallel_loop3A_96] {strides = array<i32>} : memref<32768xf32, #tpu.memory_space<vmem>>, vector<16xf32>,
      tpu.vector_store %arg15[%parallel_loop3A_96], %broadcast_in_dim3A_51 {strides = array<i32>} : memref<32768xf32, #tpu.memory_space<vmem>>, vector<16xf32>,
    } {sc.loop_unroll_factor = 16 : i64, sc.parallel_access}
    %mul3A_61 = arith.constant 32 : i32
    %mul3A_62 = arith.muli %select_n3A_30, %mul3A_61 : i32
    %mul3A_63 = arith.constant 2 : i32
    %mul3A_64 = arith.muli %mul3A_62, %mul3A_63 : i32
    %mul3A_65 = arith.constant 1024 : i32
    %mul3A_66 = arith.muli %mul3A_64, %mul3A_65 : i32
    %dma_start3A = tpu.memref_slice %arg2[%select_n3A, %mul3A_66] : memref<8x262144xf32, #tpu.memory_space<hbm>> -> memref<1x2048xf32, #tpu.memory_space<hbm>>
    %dma_start3A_67 = tpu.memref_squeeze %dma_start3A : memref<1x2048xf32, #tpu.memory_space<hbm>> -> memref<2048xf32, #tpu.memory_space<hbm>>
    %dma_start3A_68 = tpu.memref_slice %arg2[%select_n3A, %mul3A_66] : memref<8x262144xf32, #tpu.memory_space<hbm>> -> memref<1x2048xf32, #tpu.memory_space<hbm>>
    %dma_start3A_69 = tpu.memref_squeeze %dma_start3A_68 : memref<1x2048xf32, #tpu.memory_space<hbm>> -> memref<2048xf32, #tpu.memory_space<hbm>>
    tpu.enqueue_dma source(%dma_start3A_69 : memref<2048xf32, #tpu.memory_space<hbm>>) target(%arg12 : memref<2048xf32, #tpu.memory_space<vmem>>) target_semaphore(%arg16 : memref<!tpu.dma_semaphore, #tpu.memory_space<semaphore_mem>>)
    %scan3A_70 = arith.constant 0 : i32
    %scan3A_71 = arith.constant 0 : i32
    %scan3A_72 = arith.constant 16 : i32
    %scan3A_73 = arith.addi %scan3A_71, %scan3A_72 : i32
    %scan3A_74 = arith.constant 1 : i32
    scf.for %scan3A_89 = %scan3A_71 to %scan3A_73 step %scan3A_74  : i32 {
      %mul3A_90 = arith.constant 2 : i32
      %mul3A_91 = arith.muli %scan3A_89, %mul3A_90 : i32
      %add3A_92 = arith.constant 0 : i32
      %add3A_93 = arith.addi %mul3A_91, %add3A_92 : i32
      %mul3A_94 = arith.constant 32 : i32
      %mul3A_95 = arith.muli %select_n3A_30, %mul3A_94 : i32
      %add3A_96 = arith.addi %mul3A_95, %add3A_93 : i32
      %mul3A_97 = arith.constant 256 : i32
      %mul3A_98 = arith.muli %select_n3A, %mul3A_97 : i32
      %mul3A_99 = arith.constant 2 : i32
      %mul3A_100 = arith.muli %add3A_96, %mul3A_99 : i32
      %add3A_101 = arith.addi %mul3A_98, %mul3A_100 : i32
      %mul3A_102 = arith.constant 16384 : i32
      %mul3A_103 = arith.muli %add3A_101, %mul3A_102 : i32
      %mul3A_104 = arith.constant 32 : i32
      %mul3A_105 = arith.muli %select_n3A_30, %mul3A_104 : i32
      %add3A_106 = arith.constant 1 : i32
      %add3A_107 = arith.addi %add3A_93, %add3A_106 : i32
      %min3A = arith.constant 31 : i32
      %min3A_108 = arith.minsi %add3A_107, %min3A : i32
      %add3A_109 = arith.addi %mul3A_105, %min3A_108 : i32
      %mul3A_110 = arith.constant 2 : i32
      %mul3A_111 = arith.muli %add3A_109, %mul3A_110 : i32
      %mul3A_112 = arith.constant 1024 : i32
      %mul3A_113 = arith.muli %mul3A_111, %mul3A_112 : i32
      %dma_start3A_114 = tpu.memref_slice %arg2[%select_n3A, %mul3A_113] : memref<8x262144xf32, #tpu.memory_space<hbm>> -> memref<1x2048xf32, #tpu.memory_space<hbm>>
      %dma_start3A_115 = tpu.memref_squeeze %dma_start3A_114 : memref<1x2048xf32, #tpu.memory_space<hbm>> -> memref<2048xf32, #tpu.memory_space<hbm>>
      %dma_start3A_116 = tpu.memref_slice %arg2[%select_n3A, %mul3A_113] : memref<8x262144xf32, #tpu.memory_space<hbm>> -> memref<1x2048xf32, #tpu.memory_space<hbm>>
      %dma_start3A_117 = tpu.memref_squeeze %dma_start3A_116 : memref<1x2048xf32, #tpu.memory_space<hbm>> -> memref<2048xf32, #tpu.memory_space<hbm>>
      tpu.enqueue_dma source(%dma_start3A_117 : memref<2048xf32, #tpu.memory_space<hbm>>) target(%arg13 : memref<2048xf32, #tpu.memory_space<vmem>>) target_semaphore(%arg17 : memref<!tpu.dma_semaphore, #tpu.memory_space<semaphore_mem>>)
      %gt3A = arith.constant 0 : i32
      %gt3A_118 = arith.cmpi sgt, %scan3A_89, %gt3A : i32
      %convert_element_type3A = arith.extui %gt3A_118 : i1 to i32
      %cond3A = arith.constant 0 : i32
      %cond3A_119 = arith.cmpi ne, %convert_element_type3A, %cond3A : i32
      scf.if %cond3A_119 {
        %dma_wait3A_192 = arith.constant 0 : i32
        %dma_wait3A_193 = tpu.memref_slice %arg5[%dma_wait3A_192] : memref<33554432xf32, #tpu.memory_space<hbm>> -> memref<32768xf32, #tpu.memory_space<hbm>>
        %dma_wait3A_194 = arith.constant 0 : i32
        %dma_wait3A_195 = tpu.memref_slice %arg5[%dma_wait3A_194] : memref<33554432xf32, #tpu.memory_space<hbm>> -> memref<32768xf32, #tpu.memory_space<hbm>>
        tpu.wait_dma2 semaphore(%arg18 : memref<!tpu.dma_semaphore, #tpu.memory_space<semaphore_mem>>) src(%arg14 : memref<32768xf32, #tpu.memory_space<vmem>>) dst(%dma_wait3A_195 : memref<32768xf32, #tpu.memory_space<hbm>>)
      } else {
      }
      %parallel_loop3A_120 = arith.constant 0 : i32
      %parallel_loop3A_121 = arith.constant 64 : i32
      %parallel_loop3A_122 = arith.constant 1 : i32
      scf.for %parallel_loop3A_192 = %parallel_loop3A_120 to %parallel_loop3A_121 step %parallel_loop3A_122  : i32 {
        %parallel_loop3A_193 = arith.constant 16 : i32
        %parallel_loop3A_194 = arith.muli %parallel_loop3A_192, %parallel_loop3A_193 : i32
        %parallel_loop3A_195 = arith.index_cast %parallel_loop3A_194 : i32 to index
        %parallel_loop3A_196 = tpu.vector_load %arg8[%parallel_loop3A_195] {strides = array<i32>} : memref<1024xi32, #tpu.memory_space<vmem>>, vector<16xi32>,
        %parallel_loop3A_197 = arith.constant 0 : i32
        %parallel_loop3A_198 = vector.broadcast %parallel_loop3A_197 : i32 to vector<16xi32>
        %parallel_loop3A_199 = arith.addi %parallel_loop3A_196, %parallel_loop3A_198 : vector<16xi32>
        tpu.vector_store_idx %arg14[%parallel_loop3A_199], %broadcast_in_dim3A_51 : memref<32768xf32, #tpu.memory_space<vmem>>[vector<16xi32>], vector<16xf32>,
        %parallel_loop3A_200 = arith.constant 16384 : i32
        %parallel_loop3A_201 = vector.broadcast %parallel_loop3A_200 : i32 to vector<16xi32>
        %parallel_loop3A_202 = arith.addi %parallel_loop3A_196, %parallel_loop3A_201 : vector<16xi32>
        tpu.vector_store_idx %arg14[%parallel_loop3A_202], %broadcast_in_dim3A_51 : memref<32768xf32, #tpu.memory_space<vmem>>[vector<16xi32>], vector<16xf32>,
      } {sc.loop_unroll_factor = 8 : i64, sc.parallel_access}
      %dma_wait3A_123 = arith.constant 0 : i32
      %dma_wait3A_124 = tpu.memref_slice %arg2[%select_n3A, %dma_wait3A_123] : memref<8x262144xf32, #tpu.memory_space<hbm>> -> memref<1x2048xf32, #tpu.memory_space<hbm>>
      %dma_wait3A_125 = tpu.memref_squeeze %dma_wait3A_124 : memref<1x2048xf32, #tpu.memory_space<hbm>> -> memref<2048xf32, #tpu.memory_space<hbm>>
      %dma_wait3A_126 = arith.constant 0 : i32
      %dma_wait3A_127 = tpu.memref_slice %arg2[%select_n3A, %dma_wait3A_126] : memref<8x262144xf32, #tpu.memory_space<hbm>> -> memref<1x2048xf32, #tpu.memory_space<hbm>>
      %dma_wait3A_128 = tpu.memref_squeeze %dma_wait3A_127 : memref<1x2048xf32, #tpu.memory_space<hbm>> -> memref<2048xf32, #tpu.memory_space<hbm>>
      tpu.wait_dma2 semaphore(%arg16 : memref<!tpu.dma_semaphore, #tpu.memory_space<semaphore_mem>>) src(%dma_wait3A_128 : memref<2048xf32, #tpu.memory_space<hbm>>) dst(%arg12 : memref<2048xf32, #tpu.memory_space<vmem>>)
      %parallel_loop3A_129 = arith.constant 0 : i32
      %parallel_loop3A_130 = arith.constant 64 : i32
      %parallel_loop3A_131 = arith.constant 1 : i32
      scf.for %parallel_loop3A_192 = %parallel_loop3A_129 to %parallel_loop3A_130 step %parallel_loop3A_131  : i32 {
        %parallel_loop3A_193 = arith.constant 16 : i32
        %parallel_loop3A_194 = arith.muli %parallel_loop3A_192, %parallel_loop3A_193 : i32
        %parallel_loop3A_195 = arith.index_cast %parallel_loop3A_194 : i32 to index
        %parallel_loop3A_196 = tpu.vector_load %arg9[%parallel_loop3A_195] {strides = array<i32>} : memref<1024xi32, #tpu.memory_space<vmem>>, vector<16xi32>,
        %parallel_loop3A_197 = arith.constant 0 : i32
        %parallel_loop3A_198 = vector.broadcast %parallel_loop3A_197 : i32 to vector<16xi32>
        %parallel_loop3A_199 = arith.cmpi ne, %parallel_loop3A_196, %parallel_loop3A_198 : vector<16xi32>
        %parallel_loop3A_200 = arith.constant 16 : i32
        %parallel_loop3A_201 = arith.muli %parallel_loop3A_192, %parallel_loop3A_200 : i32
        %parallel_loop3A_202 = arith.index_cast %parallel_loop3A_201 : i32 to index
        %parallel_loop3A_203 = tpu.vector_load %arg8[%parallel_loop3A_202] {strides = array<i32>} : memref<1024xi32, #tpu.memory_space<vmem>>, vector<16xi32>,
        %parallel_loop3A_204 = arith.constant 16 : i32
        %parallel_loop3A_205 = arith.muli %parallel_loop3A_192, %parallel_loop3A_204 : i32
        %parallel_loop3A_206 = arith.constant 0 : i32
        %parallel_loop3A_207 = arith.addi %parallel_loop3A_206, %parallel_loop3A_205 : i32
        %parallel_loop3A_208 = arith.index_cast %parallel_loop3A_207 : i32 to index
        %parallel_loop3A_209 = tpu.vector_load %arg12[%parallel_loop3A_208] {strides = array<i32>} : memref<2048xf32, #tpu.memory_space<vmem>>, vector<16xf32>,
        %parallel_loop3A_210 = arith.constant 0 : i32
        %parallel_loop3A_211 = vector.broadcast %parallel_loop3A_210 : i32 to vector<16xi32>
        %parallel_loop3A_212 = arith.addi %parallel_loop3A_203, %parallel_loop3A_211 : vector<16xi32>
        tpu.vector_store_idx %arg14[%parallel_loop3A_212], %parallel_loop3A_209 masked %parallel_loop3A_199 {add = true} : memref<32768xf32, #tpu.memory_space<vmem>>[vector<16xi32>], vector<16xf32>, vector<16xi1>
        %parallel_loop3A_213 = arith.constant 16 : i32
        %parallel_loop3A_214 = arith.muli %parallel_loop3A_192, %parallel_loop3A_213 : i32
        %parallel_loop3A_215 = arith.constant 1024 : i32
        %parallel_loop3A_216 = arith.addi %parallel_loop3A_215, %parallel_loop3A_214 : i32
        %parallel_loop3A_217 = arith.index_cast %parallel_loop3A_216 : i32 to index
        %parallel_loop3A_218 = tpu.vector_load %arg12[%parallel_loop3A_217] {strides = array<i32>} : memref<2048xf32, #tpu.memory_space<vmem>>, vector<16xf32>,
        %parallel_loop3A_219 = arith.constant 16384 : i32
        %parallel_loop3A_220 = vector.broadcast %parallel_loop3A_219 : i32 to vector<16xi32>
        %parallel_loop3A_221 = arith.addi %parallel_loop3A_203, %parallel_loop3A_220 : vector<16xi32>
        tpu.vector_store_idx %arg14[%parallel_loop3A_221], %parallel_loop3A_218 masked %parallel_loop3A_199 {add = true} : memref<32768xf32, #tpu.memory_space<vmem>>[vector<16xi32>], vector<16xf32>, vector<16xi1>
      } {sc.loop_unroll_factor = 4 : i64, sc.parallel_access}
      %gt3A_132 = arith.constant 0 : i32
      %gt3A_133 = arith.cmpi sgt, %scan3A_57, %gt3A_132 : i32
      %convert_element_type3A_134 = arith.extui %gt3A_133 : i1 to i32
      %cond3A_135 = arith.constant 0 : i32
      %cond3A_136 = arith.cmpi ne, %convert_element_type3A_134, %cond3A_135 : i32
      scf.if %cond3A_136 {
        %add3A_192 = arith.constant 15 : i32
        %add3A_193 = arith.addi %scan3A_57, %add3A_192 : i32
        %jit3A_194 = arith.constant 16 : i32
        %div3A_195 = arith.divsi %add3A_193, %jit3A_194 : i32
        %sign3A_196 = arith.constant 0 : i32
        %sign3A_197 = arith.cmpi sgt, %add3A_193, %sign3A_196 : i32
        %sign3A_198 = arith.extui %sign3A_197 : i1 to i32
        %sign3A_199 = arith.constant 0 : i32
        %sign3A_200 = arith.cmpi slt, %add3A_193, %sign3A_199 : i32
        %sign3A_201 = arith.extui %sign3A_200 : i1 to i32
        %sign3A_202 = arith.subi %sign3A_198, %sign3A_201 : i32
        %sign3A_203 = arith.constant 0 : i32
        %sign3A_204 = arith.cmpi sgt, %jit3A_194, %sign3A_203 : i32
        %sign3A_205 = arith.extui %sign3A_204 : i1 to i32
        %sign3A_206 = arith.constant 0 : i32
        %sign3A_207 = arith.cmpi slt, %jit3A_194, %sign3A_206 : i32
        %sign3A_208 = arith.extui %sign3A_207 : i1 to i32
        %sign3A_209 = arith.subi %sign3A_205, %sign3A_208 : i32
        %ne3A_210 = arith.cmpi ne, %sign3A_202, %sign3A_209 : i32
        %rem3A_211 = arith.remsi %add3A_193, %jit3A_194 : i32
        %ne3A_212 = arith.constant 0 : i32
        %ne3A_213 = arith.cmpi ne, %rem3A_211, %ne3A_212 : i32
        %and3A_214 = arith.andi %ne3A_210, %ne3A_213 : i1
        %sub3A_215 = arith.constant 1 : i32
        %sub3A_216 = arith.subi %div3A_195, %sub3A_215 : i32
        %select_n3A_217 = arith.select %and3A_214, %sub3A_216, %div3A_195 : i32
        %while3A = arith.constant 0 : i32
        %while3A_218 = arith.constant 0 : i32
        %while3A_219 = arith.subi %select_n3A_217, %while3A_218 : i32
        %while3A_220 = arith.addi %while3A_218, %while3A_219 : i32
        %while3A_221 = arith.constant 1 : i32
        %while3A_222 = arith.divsi %while3A_219, %while3A_221 : i32
        %while3A_223 = arith.muli %while3A_222, %while3A_221 : i32
        %while3A_224 = arith.addi %while3A_218, %while3A_223 : i32
        %while3A_225 = arith.constant 1 : i32
        scf.for %while3A_227 = %while3A_218 to %while3A_224 step %while3A_225  : i32 {
          %mul3A_228 = arith.constant 16 : i32
          %mul3A_229 = arith.muli %while3A_227, %mul3A_228 : i32
          %get3A = arith.index_cast %mul3A_229 : i32 to index
          %get3A_230 = tpu.vector_load %arg10[%get3A] {strides = array<i32>} : memref<1040xi32, #tpu.memory_space<vmem>>, vector<16xi32>,
          %mul3A_231 = arith.constant 16 : i32
          %mul3A_232 = arith.muli %while3A_227, %mul3A_231 : i32
          %get3A_233 = arith.index_cast %mul3A_232 : i32 to index
          %get3A_234 = tpu.vector_load %arg11[%get3A_233] {strides = array<i32>} : memref<1040xi32, #tpu.memory_space<vmem>>, vector<16xi32>,
          %mul3A_235 = arith.constant 16 : i32
          %mul3A_236 = arith.muli %while3A_227, %mul3A_235 : i32
          %add3A_237 = arith.constant 0 : i32
          %add3A_238 = arith.addi %mul3A_236, %add3A_237 : i32
          %lt3A_239 = arith.cmpi slt, %add3A_238, %scan3A_57 : i32
          %and3A_240 = vector.broadcast %lt3A_239 : i1 to vector<16xi1>
          %and3A_241 = arith.andi %lt3A_38, %and3A_240 : vector<16xi1>
          %slice3A = vector.extract_strided_slice %get3A_230 {offsets = [0], sizes = [1], strides = [1]} : vector<16xi32> to vector<1xi32>
          %squeeze3A = vector.extract %slice3A[0] : i32 from vector<1xi32>
          %add3A_242 = vector.broadcast %squeeze3A : i32 to vector<16xi32>
          %add3A_243 = arith.addi %select_n3A_43, %add3A_242 : vector<16xi32>
          %gather3A = tpu.vector_load_idx %arg12[%add3A_243] masked %and3A_241 : memref<2048xf32, #tpu.memory_space<vmem>>[vector<16xi32>], vector<16xf32>, vector<16xi1>
          %slice3A_244 = vector.extract_strided_slice %get3A_234 {offsets = [0], sizes = [1], strides = [1]} : vector<16xi32> to vector<1xi32>
          %squeeze3A_245 = vector.extract %slice3A_244[0] : i32 from vector<1xi32>
          %add3A_246 = vector.broadcast %squeeze3A_245 : i32 to vector<16xi32>
          %add3A_247 = arith.addi %select_n3A_49, %add3A_246 : vector<16xi32>
          tpu.vector_store_idx %arg14[%add3A_247], %gather3A masked %and3A_241 {add = true} : memref<32768xf32, #tpu.memory_space<vmem>>[vector<16xi32>], vector<16xf32>, vector<16xi1>
          %mul3A_248 = arith.constant 16 : i32
          %mul3A_249 = arith.muli %while3A_227, %mul3A_248 : i32
          %add3A_250 = arith.constant 1 : i32
          %add3A_251 = arith.addi %mul3A_249, %add3A_250 : i32
          %lt3A_252 = arith.cmpi slt, %add3A_251, %scan3A_57 : i32
          %and3A_253 = vector.broadcast %lt3A_252 : i1 to vector<16xi1>
          %and3A_254 = arith.andi %lt3A_38, %and3A_253 : vector<16xi1>
          %slice3A_255 = vector.extract_strided_slice %get3A_230 {offsets = [1], sizes = [1], strides = [1]} : vector<16xi32> to vector<1xi32>
          %squeeze3A_256 = vector.extract %slice3A_255[0] : i32 from vector<1xi32>
          %add3A_257 = vector.broadcast %squeeze3A_256 : i32 to vector<16xi32>
          %add3A_258 = arith.addi %select_n3A_43, %add3A_257 : vector<16xi32>
          %gather3A_259 = tpu.vector_load_idx %arg12[%add3A_258] masked %and3A_254 : memref<2048xf32, #tpu.memory_space<vmem>>[vector<16xi32>], vector<16xf32>, vector<16xi1>
          %slice3A_260 = vector.extract_strided_slice %get3A_234 {offsets = [1], sizes = [1], strides = [1]} : vector<16xi32> to vector<1xi32>
          %squeeze3A_261 = vector.extract %slice3A_260[0] : i32 from vector<1xi32>
          %add3A_262 = vector.broadcast %squeeze3A_261 : i32 to vector<16xi32>
          %add3A_263 = arith.addi %select_n3A_49, %add3A_262 : vector<16xi32>
          tpu.vector_store_idx %arg14[%add3A_263], %gather3A_259 masked %and3A_254 {add = true} : memref<32768xf32, #tpu.memory_space<vmem>>[vector<16xi32>], vector<16xf32>, vector<16xi1>
          %mul3A_264 = arith.constant 16 : i32
          %mul3A_265 = arith.muli %while3A_227, %mul3A_264 : i32
          %add3A_266 = arith.constant 2 : i32
          %add3A_267 = arith.addi %mul3A_265, %add3A_266 : i32
          %lt3A_268 = arith.cmpi slt, %add3A_267, %scan3A_57 : i32
          %and3A_269 = vector.broadcast %lt3A_268 : i1 to vector<16xi1>
          %and3A_270 = arith.andi %lt3A_38, %and3A_269 : vector<16xi1>
          %slice3A_271 = vector.extract_strided_slice %get3A_230 {offsets = [2], sizes = [1], strides = [1]} : vector<16xi32> to vector<1xi32>
          %squeeze3A_272 = vector.extract %slice3A_271[0] : i32 from vector<1xi32>
          %add3A_273 = vector.broadcast %squeeze3A_272 : i32 to vector<16xi32>
          %add3A_274 = arith.addi %select_n3A_43, %add3A_273 : vector<16xi32>
          %gather3A_275 = tpu.vector_load_idx %arg12[%add3A_274] masked %and3A_270 : memref<2048xf32, #tpu.memory_space<vmem>>[vector<16xi32>], vector<16xf32>, vector<16xi1>
          %slice3A_276 = vector.extract_strided_slice %get3A_234 {offsets = [2], sizes = [1], strides = [1]} : vector<16xi32> to vector<1xi32>
          %squeeze3A_277 = vector.extract %slice3A_276[0] : i32 from vector<1xi32>
          %add3A_278 = vector.broadcast %squeeze3A_277 : i32 to vector<16xi32>
          %add3A_279 = arith.addi %select_n3A_49, %add3A_278 : vector<16xi32>
          tpu.vector_store_idx %arg14[%add3A_279], %gather3A_275 masked %and3A_270 {add = true} : memref<32768xf32, #tpu.memory_space<vmem>>[vector<16xi32>], vector<16xf32>, vector<16xi1>
          %mul3A_280 = arith.constant 16 : i32
          %mul3A_281 = arith.muli %while3A_227, %mul3A_280 : i32
          %add3A_282 = arith.constant 3 : i32
          %add3A_283 = arith.addi %mul3A_281, %add3A_282 : i32
          %lt3A_284 = arith.cmpi slt, %add3A_283, %scan3A_57 : i32
          %and3A_285 = vector.broadcast %lt3A_284 : i1 to vector<16xi1>
          %and3A_286 = arith.andi %lt3A_38, %and3A_285 : vector<16xi1>
          %slice3A_287 = vector.extract_strided_slice %get3A_230 {offsets = [3], sizes = [1], strides = [1]} : vector<16xi32> to vector<1xi32>
          %squeeze3A_288 = vector.extract %slice3A_287[0] : i32 from vector<1xi32>
          %add3A_289 = vector.broadcast %squeeze3A_288 : i32 to vector<16xi32>
          %add3A_290 = arith.addi %select_n3A_43, %add3A_289 : vector<16xi32>
          %gather3A_291 = tpu.vector_load_idx %arg12[%add3A_290] masked %and3A_286 : memref<2048xf32, #tpu.memory_space<vmem>>[vector<16xi32>], vector<16xf32>, vector<16xi1>
          %slice3A_292 = vector.extract_strided_slice %get3A_234 {offsets = [3], sizes = [1], strides = [1]} : vector<16xi32> to vector<1xi32>
          %squeeze3A_293 = vector.extract %slice3A_292[0] : i32 from vector<1xi32>
          %add3A_294 = vector.broadcast %squeeze3A_293 : i32 to vector<16xi32>
          %add3A_295 = arith.addi %select_n3A_49, %add3A_294 : vector<16xi32>
          tpu.vector_store_idx %arg14[%add3A_295], %gather3A_291 masked %and3A_286 {add = true} : memref<32768xf32, #tpu.memory_space<vmem>>[vector<16xi32>], vector<16xf32>, vector<16xi1>
          %mul3A_296 = arith.constant 16 : i32
          %mul3A_297 = arith.muli %while3A_227, %mul3A_296 : i32
          %add3A_298 = arith.constant 4 : i32
          %add3A_299 = arith.addi %mul3A_297, %add3A_298 : i32
          %lt3A_300 = arith.cmpi slt, %add3A_299, %scan3A_57 : i32
          %and3A_301 = vector.broadcast %lt3A_300 : i1 to vector<16xi1>
          %and3A_302 = arith.andi %lt3A_38, %and3A_301 : vector<16xi1>
          %slice3A_303 = vector.extract_strided_slice %get3A_230 {offsets = [4], sizes = [1], strides = [1]} : vector<16xi32> to vector<1xi32>
          %squeeze3A_304 = vector.extract %slice3A_303[0] : i32 from vector<1xi32>
          %add3A_305 = vector.broadcast %squeeze3A_304 : i32 to vector<16xi32>
          %add3A_306 = arith.addi %select_n3A_43, %add3A_305 : vector<16xi32>
          %gather3A_307 = tpu.vector_load_idx %arg12[%add3A_306] masked %and3A_302 : memref<2048xf32, #tpu.memory_space<vmem>>[vector<16xi32>], vector<16xf32>, vector<16xi1>
          %slice3A_308 = vector.extract_strided_slice %get3A_234 {offsets = [4], sizes = [1], strides = [1]} : vector<16xi32> to vector<1xi32>
          %squeeze3A_309 = vector.extract %slice3A_308[0] : i32 from vector<1xi32>
          %add3A_310 = vector.broadcast %squeeze3A_309 : i32 to vector<16xi32>
          %add3A_311 = arith.addi %select_n3A_49, %add3A_310 : vector<16xi32>
          tpu.vector_store_idx %arg14[%add3A_311], %gather3A_307 masked %and3A_302 {add = true} : memref<32768xf32, #tpu.memory_space<vmem>>[vector<16xi32>], vector<16xf32>, vector<16xi1>
          %mul3A_312 = arith.constant 16 : i32
          %mul3A_313 = arith.muli %while3A_227, %mul3A_312 : i32
          %add3A_314 = arith.constant 5 : i32
          %add3A_315 = arith.addi %mul3A_313, %add3A_314 : i32
          %lt3A_316 = arith.cmpi slt, %add3A_315, %scan3A_57 : i32
          %and3A_317 = vector.broadcast %lt3A_316 : i1 to vector<16xi1>
          %and3A_318 = arith.andi %lt3A_38, %and3A_317 : vector<16xi1>
          %slice3A_319 = vector.extract_strided_slice %get3A_230 {offsets = [5], sizes = [1], strides = [1]} : vector<16xi32> to vector<1xi32>
          %squeeze3A_320 = vector.extract %slice3A_319[0] : i32 from vector<1xi32>
          %add3A_321 = vector.broadcast %squeeze3A_320 : i32 to vector<16xi32>
          %add3A_322 = arith.addi %select_n3A_43, %add3A_321 : vector<16xi32>
          %gather3A_323 = tpu.vector_load_idx %arg12[%add3A_322] masked %and3A_318 : memref<2048xf32, #tpu.memory_space<vmem>>[vector<16xi32>], vector<16xf32>, vector<16xi1>
          %slice3A_324 = vector.extract_strided_slice %get3A_234 {offsets = [5], sizes = [1], strides = [1]} : vector<16xi32> to vector<1xi32>
          %squeeze3A_325 = vector.extract %slice3A_324[0] : i32 from vector<1xi32>
          %add3A_326 = vector.broadcast %squeeze3A_325 : i32 to vector<16xi32>
          %add3A_327 = arith.addi %select_n3A_49, %add3A_326 : vector<16xi32>
          tpu.vector_store_idx %arg14[%add3A_327], %gather3A_323 masked %and3A_318 {add = true} : memref<32768xf32, #tpu.memory_space<vmem>>[vector<16xi32>], vector<16xf32>, vector<16xi1>
          %mul3A_328 = arith.constant 16 : i32
          %mul3A_329 = arith.muli %while3A_227, %mul3A_328 : i32
          %add3A_330 = arith.constant 6 : i32
          %add3A_331 = arith.addi %mul3A_329, %add3A_330 : i32
          %lt3A_332 = arith.cmpi slt, %add3A_331, %scan3A_57 : i32
          %and3A_333 = vector.broadcast %lt3A_332 : i1 to vector<16xi1>
          %and3A_334 = arith.andi %lt3A_38, %and3A_333 : vector<16xi1>
          %slice3A_335 = vector.extract_strided_slice %get3A_230 {offsets = [6], sizes = [1], strides = [1]} : vector<16xi32> to vector<1xi32>
          %squeeze3A_336 = vector.extract %slice3A_335[0] : i32 from vector<1xi32>
          %add3A_337 = vector.broadcast %squeeze3A_336 : i32 to vector<16xi32>
          %add3A_338 = arith.addi %select_n3A_43, %add3A_337 : vector<16xi32>
          %gather3A_339 = tpu.vector_load_idx %arg12[%add3A_338] masked %and3A_334 : memref<2048xf32, #tpu.memory_space<vmem>>[vector<16xi32>], vector<16xf32>, vector<16xi1>
          %slice3A_340 = vector.extract_strided_slice %get3A_234 {offsets = [6], sizes = [1], strides = [1]} : vector<16xi32> to vector<1xi32>
          %squeeze3A_341 = vector.extract %slice3A_340[0] : i32 from vector<1xi32>
          %add3A_342 = vector.broadcast %squeeze3A_341 : i32 to vector<16xi32>
          %add3A_343 = arith.addi %select_n3A_49, %add3A_342 : vector<16xi32>
          tpu.vector_store_idx %arg14[%add3A_343], %gather3A_339 masked %and3A_334 {add = true} : memref<32768xf32, #tpu.memory_space<vmem>>[vector<16xi32>], vector<16xf32>, vector<16xi1>
          %mul3A_344 = arith.constant 16 : i32
          %mul3A_345 = arith.muli %while3A_227, %mul3A_344 : i32
          %add3A_346 = arith.constant 7 : i32
          %add3A_347 = arith.addi %mul3A_345, %add3A_346 : i32
          %lt3A_348 = arith.cmpi slt, %add3A_347, %scan3A_57 : i32
          %and3A_349 = vector.broadcast %lt3A_348 : i1 to vector<16xi1>
          %and3A_350 = arith.andi %lt3A_38, %and3A_349 : vector<16xi1>
          %slice3A_351 = vector.extract_strided_slice %get3A_230 {offsets = [7], sizes = [1], strides = [1]} : vector<16xi32> to vector<1xi32>
          %squeeze3A_352 = vector.extract %slice3A_351[0] : i32 from vector<1xi32>
          %add3A_353 = vector.broadcast %squeeze3A_352 : i32 to vector<16xi32>
          %add3A_354 = arith.addi %select_n3A_43, %add3A_353 : vector<16xi32>
          %gather3A_355 = tpu.vector_load_idx %arg12[%add3A_354] masked %and3A_350 : memref<2048xf32, #tpu.memory_space<vmem>>[vector<16xi32>], vector<16xf32>, vector<16xi1>
          %slice3A_356 = vector.extract_strided_slice %get3A_234 {offsets = [7], sizes = [1], strides = [1]} : vector<16xi32> to vector<1xi32>
          %squeeze3A_357 = vector.extract %slice3A_356[0] : i32 from vector<1xi32>
          %add3A_358 = vector.broadcast %squeeze3A_357 : i32 to vector<16xi32>
          %add3A_359 = arith.addi %select_n3A_49, %add3A_358 : vector<16xi32>
          tpu.vector_store_idx %arg14[%add3A_359], %gather3A_355 masked %and3A_350 {add = true} : memref<32768xf32, #tpu.memory_space<vmem>>[vector<16xi32>], vector<16xf32>, vector<16xi1>
          %mul3A_360 = arith.constant 16 : i32
          %mul3A_361 = arith.muli %while3A_227, %mul3A_360 : i32
          %add3A_362 = arith.constant 8 : i32
          %add3A_363 = arith.addi %mul3A_361, %add3A_362 : i32
          %lt3A_364 = arith.cmpi slt, %add3A_363, %scan3A_57 : i32
          %and3A_365 = vector.broadcast %lt3A_364 : i1 to vector<16xi1>
          %and3A_366 = arith.andi %lt3A_38, %and3A_365 : vector<16xi1>
          %slice3A_367 = vector.extract_strided_slice %get3A_230 {offsets = [8], sizes = [1], strides = [1]} : vector<16xi32> to vector<1xi32>
          %squeeze3A_368 = vector.extract %slice3A_367[0] : i32 from vector<1xi32>
          %add3A_369 = vector.broadcast %squeeze3A_368 : i32 to vector<16xi32>
          %add3A_370 = arith.addi %select_n3A_43, %add3A_369 : vector<16xi32>
          %gather3A_371 = tpu.vector_load_idx %arg12[%add3A_370] masked %and3A_366 : memref<2048xf32, #tpu.memory_space<vmem>>[vector<16xi32>], vector<16xf32>, vector<16xi1>
          %slice3A_372 = vector.extract_strided_slice %get3A_234 {offsets = [8], sizes = [1], strides = [1]} : vector<16xi32> to vector<1xi32>
          %squeeze3A_373 = vector.extract %slice3A_372[0] : i32 from vector<1xi32>
          %add3A_374 = vector.broadcast %squeeze3A_373 : i32 to vector<16xi32>
          %add3A_375 = arith.addi %select_n3A_49, %add3A_374 : vector<16xi32>
          tpu.vector_store_idx %arg14[%add3A_375], %gather3A_371 masked %and3A_366 {add = true} : memref<32768xf32, #tpu.memory_space<vmem>>[vector<16xi32>], vector<16xf32>, vector<16xi1>
          %mul3A_376 = arith.constant 16 : i32
          %mul3A_377 = arith.muli %while3A_227, %mul3A_376 : i32
          %add3A_378 = arith.constant 9 : i32
          %add3A_379 = arith.addi %mul3A_377, %add3A_378 : i32
          %lt3A_380 = arith.cmpi slt, %add3A_379, %scan3A_57 : i32
          %and3A_381 = vector.broadcast %lt3A_380 : i1 to vector<16xi1>
          %and3A_382 = arith.andi %lt3A_38, %and3A_381 : vector<16xi1>
          %slice3A_383 = vector.extract_strided_slice %get3A_230 {offsets = [9], sizes = [1], strides = [1]} : vector<16xi32> to vector<1xi32>
          %squeeze3A_384 = vector.extract %slice3A_383[0] : i32 from vector<1xi32>
          %add3A_385 = vector.broadcast %squeeze3A_384 : i32 to vector<16xi32>
          %add3A_386 = arith.addi %select_n3A_43, %add3A_385 : vector<16xi32>
          %gather3A_387 = tpu.vector_load_idx %arg12[%add3A_386] masked %and3A_382 : memref<2048xf32, #tpu.memory_space<vmem>>[vector<16xi32>], vector<16xf32>, vector<16xi1>
          %slice3A_388 = vector.extract_strided_slice %get3A_234 {offsets = [9], sizes = [1], strides = [1]} : vector<16xi32> to vector<1xi32>
          %squeeze3A_389 = vector.extract %slice3A_388[0] : i32 from vector<1xi32>
          %add3A_390 = vector.broadcast %squeeze3A_389 : i32 to vector<16xi32>
          %add3A_391 = arith.addi %select_n3A_49, %add3A_390 : vector<16xi32>
          tpu.vector_store_idx %arg14[%add3A_391], %gather3A_387 masked %and3A_382 {add = true} : memref<32768xf32, #tpu.memory_space<vmem>>[vector<16xi32>], vector<16xf32>, vector<16xi1>
          %mul3A_392 = arith.constant 16 : i32
          %mul3A_393 = arith.muli %while3A_227, %mul3A_392 : i32
          %add3A_394 = arith.constant 10 : i32
          %add3A_395 = arith.addi %mul3A_393, %add3A_394 : i32
          %lt3A_396 = arith.cmpi slt, %add3A_395, %scan3A_57 : i32
          %and3A_397 = vector.broadcast %lt3A_396 : i1 to vector<16xi1>
          %and3A_398 = arith.andi %lt3A_38, %and3A_397 : vector<16xi1>
          %slice3A_399 = vector.extract_strided_slice %get3A_230 {offsets = [10], sizes = [1], strides = [1]} : vector<16xi32> to vector<1xi32>
          %squeeze3A_400 = vector.extract %slice3A_399[0] : i32 from vector<1xi32>
          %add3A_401 = vector.broadcast %squeeze3A_400 : i32 to vector<16xi32>
          %add3A_402 = arith.addi %select_n3A_43, %add3A_401 : vector<16xi32>
          %gather3A_403 = tpu.vector_load_idx %arg12[%add3A_402] masked %and3A_398 : memref<2048xf32, #tpu.memory_space<vmem>>[vector<16xi32>], vector<16xf32>, vector<16xi1>
          %slice3A_404 = vector.extract_strided_slice %get3A_234 {offsets = [10], sizes = [1], strides = [1]} : vector<16xi32> to vector<1xi32>
          %squeeze3A_405 = vector.extract %slice3A_404[0] : i32 from vector<1xi32>
          %add3A_406 = vector.broadcast %squeeze3A_405 : i32 to vector<16xi32>
          %add3A_407 = arith.addi %select_n3A_49, %add3A_406 : vector<16xi32>
          tpu.vector_store_idx %arg14[%add3A_407], %gather3A_403 masked %and3A_398 {add = true} : memref<32768xf32, #tpu.memory_space<vmem>>[vector<16xi32>], vector<16xf32>, vector<16xi1>
          %mul3A_408 = arith.constant 16 : i32
          %mul3A_409 = arith.muli %while3A_227, %mul3A_408 : i32
          %add3A_410 = arith.constant 11 : i32
          %add3A_411 = arith.addi %mul3A_409, %add3A_410 : i32
          %lt3A_412 = arith.cmpi slt, %add3A_411, %scan3A_57 : i32
          %and3A_413 = vector.broadcast %lt3A_412 : i1 to vector<16xi1>
          %and3A_414 = arith.andi %lt3A_38, %and3A_413 : vector<16xi1>
          %slice3A_415 = vector.extract_strided_slice %get3A_230 {offsets = [11], sizes = [1], strides = [1]} : vector<16xi32> to vector<1xi32>
          %squeeze3A_416 = vector.extract %slice3A_415[0] : i32 from vector<1xi32>
          %add3A_417 = vector.broadcast %squeeze3A_416 : i32 to vector<16xi32>
          %add3A_418 = arith.addi %select_n3A_43, %add3A_417 : vector<16xi32>
          %gather3A_419 = tpu.vector_load_idx %arg12[%add3A_418] masked %and3A_414 : memref<2048xf32, #tpu.memory_space<vmem>>[vector<16xi32>], vector<16xf32>, vector<16xi1>
          %slice3A_420 = vector.extract_strided_slice %get3A_234 {offsets = [11], sizes = [1], strides = [1]} : vector<16xi32> to vector<1xi32>
          %squeeze3A_421 = vector.extract %slice3A_420[0] : i32 from vector<1xi32>
          %add3A_422 = vector.broadcast %squeeze3A_421 : i32 to vector<16xi32>
          %add3A_423 = arith.addi %select_n3A_49, %add3A_422 : vector<16xi32>
          tpu.vector_store_idx %arg14[%add3A_423], %gather3A_419 masked %and3A_414 {add = true} : memref<32768xf32, #tpu.memory_space<vmem>>[vector<16xi32>], vector<16xf32>, vector<16xi1>
          %mul3A_424 = arith.constant 16 : i32
          %mul3A_425 = arith.muli %while3A_227, %mul3A_424 : i32
          %add3A_426 = arith.constant 12 : i32
          %add3A_427 = arith.addi %mul3A_425, %add3A_426 : i32
          %lt3A_428 = arith.cmpi slt, %add3A_427, %scan3A_57 : i32
          %and3A_429 = vector.broadcast %lt3A_428 : i1 to vector<16xi1>
          %and3A_430 = arith.andi %lt3A_38, %and3A_429 : vector<16xi1>
          %slice3A_431 = vector.extract_strided_slice %get3A_230 {offsets = [12], sizes = [1], strides = [1]} : vector<16xi32> to vector<1xi32>
          %squeeze3A_432 = vector.extract %slice3A_431[0] : i32 from vector<1xi32>
          %add3A_433 = vector.broadcast %squeeze3A_432 : i32 to vector<16xi32>
          %add3A_434 = arith.addi %select_n3A_43, %add3A_433 : vector<16xi32>
          %gather3A_435 = tpu.vector_load_idx %arg12[%add3A_434] masked %and3A_430 : memref<2048xf32, #tpu.memory_space<vmem>>[vector<16xi32>], vector<16xf32>, vector<16xi1>
          %slice3A_436 = vector.extract_strided_slice %get3A_234 {offsets = [12], sizes = [1], strides = [1]} : vector<16xi32> to vector<1xi32>
          %squeeze3A_437 = vector.extract %slice3A_436[0] : i32 from vector<1xi32>
          %add3A_438 = vector.broadcast %squeeze3A_437 : i32 to vector<16xi32>
          %add3A_439 = arith.addi %select_n3A_49, %add3A_438 : vector<16xi32>
          tpu.vector_store_idx %arg14[%add3A_439], %gather3A_435 masked %and3A_430 {add = true} : memref<32768xf32, #tpu.memory_space<vmem>>[vector<16xi32>], vector<16xf32>, vector<16xi1>
          %mul3A_440 = arith.constant 16 : i32
          %mul3A_441 = arith.muli %while3A_227, %mul3A_440 : i32
          %add3A_442 = arith.constant 13 : i32
          %add3A_443 = arith.addi %mul3A_441, %add3A_442 : i32
          %lt3A_444 = arith.cmpi slt, %add3A_443, %scan3A_57 : i32
          %and3A_445 = vector.broadcast %lt3A_444 : i1 to vector<16xi1>
          %and3A_446 = arith.andi %lt3A_38, %and3A_445 : vector<16xi1>
          %slice3A_447 = vector.extract_strided_slice %get3A_230 {offsets = [13], sizes = [1], strides = [1]} : vector<16xi32> to vector<1xi32>
          %squeeze3A_448 = vector.extract %slice3A_447[0] : i32 from vector<1xi32>
          %add3A_449 = vector.broadcast %squeeze3A_448 : i32 to vector<16xi32>
          %add3A_450 = arith.addi %select_n3A_43, %add3A_449 : vector<16xi32>
          %gather3A_451 = tpu.vector_load_idx %arg12[%add3A_450] masked %and3A_446 : memref<2048xf32, #tpu.memory_space<vmem>>[vector<16xi32>], vector<16xf32>, vector<16xi1>
          %slice3A_452 = vector.extract_strided_slice %get3A_234 {offsets = [13], sizes = [1], strides = [1]} : vector<16xi32> to vector<1xi32>
          %squeeze3A_453 = vector.extract %slice3A_452[0] : i32 from vector<1xi32>
          %add3A_454 = vector.broadcast %squeeze3A_453 : i32 to vector<16xi32>
          %add3A_455 = arith.addi %select_n3A_49, %add3A_454 : vector<16xi32>
          tpu.vector_store_idx %arg14[%add3A_455], %gather3A_451 masked %and3A_446 {add = true} : memref<32768xf32, #tpu.memory_space<vmem>>[vector<16xi32>], vector<16xf32>, vector<16xi1>
          %mul3A_456 = arith.constant 16 : i32
          %mul3A_457 = arith.muli %while3A_227, %mul3A_456 : i32
          %add3A_458 = arith.constant 14 : i32
          %add3A_459 = arith.addi %mul3A_457, %add3A_458 : i32
          %lt3A_460 = arith.cmpi slt, %add3A_459, %scan3A_57 : i32
          %and3A_461 = vector.broadcast %lt3A_460 : i1 to vector<16xi1>
          %and3A_462 = arith.andi %lt3A_38, %and3A_461 : vector<16xi1>
          %slice3A_463 = vector.extract_strided_slice %get3A_230 {offsets = [14], sizes = [1], strides = [1]} : vector<16xi32> to vector<1xi32>
          %squeeze3A_464 = vector.extract %slice3A_463[0] : i32 from vector<1xi32>
          %add3A_465 = vector.broadcast %squeeze3A_464 : i32 to vector<16xi32>
          %add3A_466 = arith.addi %select_n3A_43, %add3A_465 : vector<16xi32>
          %gather3A_467 = tpu.vector_load_idx %arg12[%add3A_466] masked %and3A_462 : memref<2048xf32, #tpu.memory_space<vmem>>[vector<16xi32>], vector<16xf32>, vector<16xi1>
          %slice3A_468 = vector.extract_strided_slice %get3A_234 {offsets = [14], sizes = [1], strides = [1]} : vector<16xi32> to vector<1xi32>
          %squeeze3A_469 = vector.extract %slice3A_468[0] : i32 from vector<1xi32>
          %add3A_470 = vector.broadcast %squeeze3A_469 : i32 to vector<16xi32>
          %add3A_471 = arith.addi %select_n3A_49, %add3A_470 : vector<16xi32>
          tpu.vector_store_idx %arg14[%add3A_471], %gather3A_467 masked %and3A_462 {add = true} : memref<32768xf32, #tpu.memory_space<vmem>>[vector<16xi32>], vector<16xf32>, vector<16xi1>
          %mul3A_472 = arith.constant 16 : i32
          %mul3A_473 = arith.muli %while3A_227, %mul3A_472 : i32
          %add3A_474 = arith.constant 15 : i32
          %add3A_475 = arith.addi %mul3A_473, %add3A_474 : i32
          %lt3A_476 = arith.cmpi slt, %add3A_475, %scan3A_57 : i32
          %and3A_477 = vector.broadcast %lt3A_476 : i1 to vector<16xi1>
          %and3A_478 = arith.andi %lt3A_38, %and3A_477 : vector<16xi1>
          %slice3A_479 = vector.extract_strided_slice %get3A_230 {offsets = [15], sizes = [1], strides = [1]} : vector<16xi32> to vector<1xi32>
          %squeeze3A_480 = vector.extract %slice3A_479[0] : i32 from vector<1xi32>
          %add3A_481 = vector.broadcast %squeeze3A_480 : i32 to vector<16xi32>
          %add3A_482 = arith.addi %select_n3A_43, %add3A_481 : vector<16xi32>
          %gather3A_483 = tpu.vector_load_idx %arg12[%add3A_482] masked %and3A_478 : memref<2048xf32, #tpu.memory_space<vmem>>[vector<16xi32>], vector<16xf32>, vector<16xi1>
          %slice3A_484 = vector.extract_strided_slice %get3A_234 {offsets = [15], sizes = [1], strides = [1]} : vector<16xi32> to vector<1xi32>
          %squeeze3A_485 = vector.extract %slice3A_484[0] : i32 from vector<1xi32>
          %add3A_486 = vector.broadcast %squeeze3A_485 : i32 to vector<16xi32>
          %add3A_487 = arith.addi %select_n3A_49, %add3A_486 : vector<16xi32>
          tpu.vector_store_idx %arg14[%add3A_487], %gather3A_483 masked %and3A_478 {add = true} : memref<32768xf32, #tpu.memory_space<vmem>>[vector<16xi32>], vector<16xf32>, vector<16xi1>
        }
        %while3A_226 = arith.constant 1 : i32
        scf.for %while3A_227 = %while3A_224 to %while3A_220 step %while3A_226  : i32 {
          %mul3A_228 = arith.constant 16 : i32
          %mul3A_229 = arith.muli %while3A_227, %mul3A_228 : i32
          %get3A = arith.index_cast %mul3A_229 : i32 to index
          %get3A_230 = tpu.vector_load %arg10[%get3A] {strides = array<i32>} : memref<1040xi32, #tpu.memory_space<vmem>>, vector<16xi32>,
          %mul3A_231 = arith.constant 16 : i32
          %mul3A_232 = arith.muli %while3A_227, %mul3A_231 : i32
          %get3A_233 = arith.index_cast %mul3A_232 : i32 to index
          %get3A_234 = tpu.vector_load %arg11[%get3A_233] {strides = array<i32>} : memref<1040xi32, #tpu.memory_space<vmem>>, vector<16xi32>,
          %mul3A_235 = arith.constant 16 : i32
          %mul3A_236 = arith.muli %while3A_227, %mul3A_235 : i32
          %add3A_237 = arith.constant 0 : i32
          %add3A_238 = arith.addi %mul3A_236, %add3A_237 : i32
          %lt3A_239 = arith.cmpi slt, %add3A_238, %scan3A_57 : i32
          %and3A_240 = vector.broadcast %lt3A_239 : i1 to vector<16xi1>
          %and3A_241 = arith.andi %lt3A_38, %and3A_240 : vector<16xi1>
          %slice3A = vector.extract_strided_slice %get3A_230 {offsets = [0], sizes = [1], strides = [1]} : vector<16xi32> to vector<1xi32>
          %squeeze3A = vector.extract %slice3A[0] : i32 from vector<1xi32>
          %add3A_242 = vector.broadcast %squeeze3A : i32 to vector<16xi32>
          %add3A_243 = arith.addi %select_n3A_43, %add3A_242 : vector<16xi32>
          %gather3A = tpu.vector_load_idx %arg12[%add3A_243] masked %and3A_241 : memref<2048xf32, #tpu.memory_space<vmem>>[vector<16xi32>], vector<16xf32>, vector<16xi1>
          %slice3A_244 = vector.extract_strided_slice %get3A_234 {offsets = [0], sizes = [1], strides = [1]} : vector<16xi32> to vector<1xi32>
          %squeeze3A_245 = vector.extract %slice3A_244[0] : i32 from vector<1xi32>
          %add3A_246 = vector.broadcast %squeeze3A_245 : i32 to vector<16xi32>
          %add3A_247 = arith.addi %select_n3A_49, %add3A_246 : vector<16xi32>
          tpu.vector_store_idx %arg14[%add3A_247], %gather3A masked %and3A_241 {add = true} : memref<32768xf32, #tpu.memory_space<vmem>>[vector<16xi32>], vector<16xf32>, vector<16xi1>
          %mul3A_248 = arith.constant 16 : i32
          %mul3A_249 = arith.muli %while3A_227, %mul3A_248 : i32
          %add3A_250 = arith.constant 1 : i32
          %add3A_251 = arith.addi %mul3A_249, %add3A_250 : i32
          %lt3A_252 = arith.cmpi slt, %add3A_251, %scan3A_57 : i32
          %and3A_253 = vector.broadcast %lt3A_252 : i1 to vector<16xi1>
          %and3A_254 = arith.andi %lt3A_38, %and3A_253 : vector<16xi1>
          %slice3A_255 = vector.extract_strided_slice %get3A_230 {offsets = [1], sizes = [1], strides = [1]} : vector<16xi32> to vector<1xi32>
          %squeeze3A_256 = vector.extract %slice3A_255[0] : i32 from vector<1xi32>
          %add3A_257 = vector.broadcast %squeeze3A_256 : i32 to vector<16xi32>
          %add3A_258 = arith.addi %select_n3A_43, %add3A_257 : vector<16xi32>
          %gather3A_259 = tpu.vector_load_idx %arg12[%add3A_258] masked %and3A_254 : memref<2048xf32, #tpu.memory_space<vmem>>[vector<16xi32>], vector<16xf32>, vector<16xi1>
          %slice3A_260 = vector.extract_strided_slice %get3A_234 {offsets = [1], sizes = [1], strides = [1]} : vector<16xi32> to vector<1xi32>
          %squeeze3A_261 = vector.extract %slice3A_260[0] : i32 from vector<1xi32>
          %add3A_262 = vector.broadcast %squeeze3A_261 : i32 to vector<16xi32>
          %add3A_263 = arith.addi %select_n3A_49, %add3A_262 : vector<16xi32>
          tpu.vector_store_idx %arg14[%add3A_263], %gather3A_259 masked %and3A_254 {add = true} : memref<32768xf32, #tpu.memory_space<vmem>>[vector<16xi32>], vector<16xf32>, vector<16xi1>
          %mul3A_264 = arith.constant 16 : i32
          %mul3A_265 = arith.muli %while3A_227, %mul3A_264 : i32
          %add3A_266 = arith.constant 2 : i32
          %add3A_267 = arith.addi %mul3A_265, %add3A_266 : i32
          %lt3A_268 = arith.cmpi slt, %add3A_267, %scan3A_57 : i32
          %and3A_269 = vector.broadcast %lt3A_268 : i1 to vector<16xi1>
          %and3A_270 = arith.andi %lt3A_38, %and3A_269 : vector<16xi1>
          %slice3A_271 = vector.extract_strided_slice %get3A_230 {offsets = [2], sizes = [1], strides = [1]} : vector<16xi32> to vector<1xi32>
          %squeeze3A_272 = vector.extract %slice3A_271[0] : i32 from vector<1xi32>
          %add3A_273 = vector.broadcast %squeeze3A_272 : i32 to vector<16xi32>
          %add3A_274 = arith.addi %select_n3A_43, %add3A_273 : vector<16xi32>
          %gather3A_275 = tpu.vector_load_idx %arg12[%add3A_274] masked %and3A_270 : memref<2048xf32, #tpu.memory_space<vmem>>[vector<16xi32>], vector<16xf32>, vector<16xi1>
          %slice3A_276 = vector.extract_strided_slice %get3A_234 {offsets = [2], sizes = [1], strides = [1]} : vector<16xi32> to vector<1xi32>
          %squeeze3A_277 = vector.extract %slice3A_276[0] : i32 from vector<1xi32>
          %add3A_278 = vector.broadcast %squeeze3A_277 : i32 to vector<16xi32>
          %add3A_279 = arith.addi %select_n3A_49, %add3A_278 : vector<16xi32>
          tpu.vector_store_idx %arg14[%add3A_279], %gather3A_275 masked %and3A_270 {add = true} : memref<32768xf32, #tpu.memory_space<vmem>>[vector<16xi32>], vector<16xf32>, vector<16xi1>
          %mul3A_280 = arith.constant 16 : i32
          %mul3A_281 = arith.muli %while3A_227, %mul3A_280 : i32
          %add3A_282 = arith.constant 3 : i32
          %add3A_283 = arith.addi %mul3A_281, %add3A_282 : i32
          %lt3A_284 = arith.cmpi slt, %add3A_283, %scan3A_57 : i32
          %and3A_285 = vector.broadcast %lt3A_284 : i1 to vector<16xi1>
          %and3A_286 = arith.andi %lt3A_38, %and3A_285 : vector<16xi1>
          %slice3A_287 = vector.extract_strided_slice %get3A_230 {offsets = [3], sizes = [1], strides = [1]} : vector<16xi32> to vector<1xi32>
          %squeeze3A_288 = vector.extract %slice3A_287[0] : i32 from vector<1xi32>
          %add3A_289 = vector.broadcast %squeeze3A_288 : i32 to vector<16xi32>
          %add3A_290 = arith.addi %select_n3A_43, %add3A_289 : vector<16xi32>
          %gather3A_291 = tpu.vector_load_idx %arg12[%add3A_290] masked %and3A_286 : memref<2048xf32, #tpu.memory_space<vmem>>[vector<16xi32>], vector<16xf32>, vector<16xi1>
          %slice3A_292 = vector.extract_strided_slice %get3A_234 {offsets = [3], sizes = [1], strides = [1]} : vector<16xi32> to vector<1xi32>
          %squeeze3A_293 = vector.extract %slice3A_292[0] : i32 from vector<1xi32>
          %add3A_294 = vector.broadcast %squeeze3A_293 : i32 to vector<16xi32>
          %add3A_295 = arith.addi %select_n3A_49, %add3A_294 : vector<16xi32>
          tpu.vector_store_idx %arg14[%add3A_295], %gather3A_291 masked %and3A_286 {add = true} : memref<32768xf32, #tpu.memory_space<vmem>>[vector<16xi32>], vector<16xf32>, vector<16xi1>
          %mul3A_296 = arith.constant 16 : i32
          %mul3A_297 = arith.muli %while3A_227, %mul3A_296 : i32
          %add3A_298 = arith.constant 4 : i32
          %add3A_299 = arith.addi %mul3A_297, %add3A_298 : i32
          %lt3A_300 = arith.cmpi slt, %add3A_299, %scan3A_57 : i32
          %and3A_301 = vector.broadcast %lt3A_300 : i1 to vector<16xi1>
          %and3A_302 = arith.andi %lt3A_38, %and3A_301 : vector<16xi1>
          %slice3A_303 = vector.extract_strided_slice %get3A_230 {offsets = [4], sizes = [1], strides = [1]} : vector<16xi32> to vector<1xi32>
          %squeeze3A_304 = vector.extract %slice3A_303[0] : i32 from vector<1xi32>
          %add3A_305 = vector.broadcast %squeeze3A_304 : i32 to vector<16xi32>
          %add3A_306 = arith.addi %select_n3A_43, %add3A_305 : vector<16xi32>
          %gather3A_307 = tpu.vector_load_idx %arg12[%add3A_306] masked %and3A_302 : memref<2048xf32, #tpu.memory_space<vmem>>[vector<16xi32>], vector<16xf32>, vector<16xi1>
          %slice3A_308 = vector.extract_strided_slice %get3A_234 {offsets = [4], sizes = [1], strides = [1]} : vector<16xi32> to vector<1xi32>
          %squeeze3A_309 = vector.extract %slice3A_308[0] : i32 from vector<1xi32>
          %add3A_310 = vector.broadcast %squeeze3A_309 : i32 to vector<16xi32>
          %add3A_311 = arith.addi %select_n3A_49, %add3A_310 : vector<16xi32>
          tpu.vector_store_idx %arg14[%add3A_311], %gather3A_307 masked %and3A_302 {add = true} : memref<32768xf32, #tpu.memory_space<vmem>>[vector<16xi32>], vector<16xf32>, vector<16xi1>
          %mul3A_312 = arith.constant 16 : i32
          %mul3A_313 = arith.muli %while3A_227, %mul3A_312 : i32
          %add3A_314 = arith.constant 5 : i32
          %add3A_315 = arith.addi %mul3A_313, %add3A_314 : i32
          %lt3A_316 = arith.cmpi slt, %add3A_315, %scan3A_57 : i32
          %and3A_317 = vector.broadcast %lt3A_316 : i1 to vector<16xi1>
          %and3A_318 = arith.andi %lt3A_38, %and3A_317 : vector<16xi1>
          %slice3A_319 = vector.extract_strided_slice %get3A_230 {offsets = [5], sizes = [1], strides = [1]} : vector<16xi32> to vector<1xi32>
          %squeeze3A_320 = vector.extract %slice3A_319[0] : i32 from vector<1xi32>
          %add3A_321 = vector.broadcast %squeeze3A_320 : i32 to vector<16xi32>
          %add3A_322 = arith.addi %select_n3A_43, %add3A_321 : vector<16xi32>
          %gather3A_323 = tpu.vector_load_idx %arg12[%add3A_322] masked %and3A_318 : memref<2048xf32, #tpu.memory_space<vmem>>[vector<16xi32>], vector<16xf32>, vector<16xi1>
          %slice3A_324 = vector.extract_strided_slice %get3A_234 {offsets = [5], sizes = [1], strides = [1]} : vector<16xi32> to vector<1xi32>
          %squeeze3A_325 = vector.extract %slice3A_324[0] : i32 from vector<1xi32>
          %add3A_326 = vector.broadcast %squeeze3A_325 : i32 to vector<16xi32>
          %add3A_327 = arith.addi %select_n3A_49, %add3A_326 : vector<16xi32>
          tpu.vector_store_idx %arg14[%add3A_327], %gather3A_323 masked %and3A_318 {add = true} : memref<32768xf32, #tpu.memory_space<vmem>>[vector<16xi32>], vector<16xf32>, vector<16xi1>
          %mul3A_328 = arith.constant 16 : i32
          %mul3A_329 = arith.muli %while3A_227, %mul3A_328 : i32
          %add3A_330 = arith.constant 6 : i32
          %add3A_331 = arith.addi %mul3A_329, %add3A_330 : i32
          %lt3A_332 = arith.cmpi slt, %add3A_331, %scan3A_57 : i32
          %and3A_333 = vector.broadcast %lt3A_332 : i1 to vector<16xi1>
          %and3A_334 = arith.andi %lt3A_38, %and3A_333 : vector<16xi1>
          %slice3A_335 = vector.extract_strided_slice %get3A_230 {offsets = [6], sizes = [1], strides = [1]} : vector<16xi32> to vector<1xi32>
          %squeeze3A_336 = vector.extract %slice3A_335[0] : i32 from vector<1xi32>
          %add3A_337 = vector.broadcast %squeeze3A_336 : i32 to vector<16xi32>
          %add3A_338 = arith.addi %select_n3A_43, %add3A_337 : vector<16xi32>
          %gather3A_339 = tpu.vector_load_idx %arg12[%add3A_338] masked %and3A_334 : memref<2048xf32, #tpu.memory_space<vmem>>[vector<16xi32>], vector<16xf32>, vector<16xi1>
          %slice3A_340 = vector.extract_strided_slice %get3A_234 {offsets = [6], sizes = [1], strides = [1]} : vector<16xi32> to vector<1xi32>
          %squeeze3A_341 = vector.extract %slice3A_340[0] : i32 from vector<1xi32>
          %add3A_342 = vector.broadcast %squeeze3A_341 : i32 to vector<16xi32>
          %add3A_343 = arith.addi %select_n3A_49, %add3A_342 : vector<16xi32>
          tpu.vector_store_idx %arg14[%add3A_343], %gather3A_339 masked %and3A_334 {add = true} : memref<32768xf32, #tpu.memory_space<vmem>>[vector<16xi32>], vector<16xf32>, vector<16xi1>
          %mul3A_344 = arith.constant 16 : i32
          %mul3A_345 = arith.muli %while3A_227, %mul3A_344 : i32
          %add3A_346 = arith.constant 7 : i32
          %add3A_347 = arith.addi %mul3A_345, %add3A_346 : i32
          %lt3A_348 = arith.cmpi slt, %add3A_347, %scan3A_57 : i32
          %and3A_349 = vector.broadcast %lt3A_348 : i1 to vector<16xi1>
          %and3A_350 = arith.andi %lt3A_38, %and3A_349 : vector<16xi1>
          %slice3A_351 = vector.extract_strided_slice %get3A_230 {offsets = [7], sizes = [1], strides = [1]} : vector<16xi32> to vector<1xi32>
          %squeeze3A_352 = vector.extract %slice3A_351[0] : i32 from vector<1xi32>
          %add3A_353 = vector.broadcast %squeeze3A_352 : i32 to vector<16xi32>
          %add3A_354 = arith.addi %select_n3A_43, %add3A_353 : vector<16xi32>
          %gather3A_355 = tpu.vector_load_idx %arg12[%add3A_354] masked %and3A_350 : memref<2048xf32, #tpu.memory_space<vmem>>[vector<16xi32>], vector<16xf32>, vector<16xi1>
          %slice3A_356 = vector.extract_strided_slice %get3A_234 {offsets = [7], sizes = [1], strides = [1]} : vector<16xi32> to vector<1xi32>
          %squeeze3A_357 = vector.extract %slice3A_356[0] : i32 from vector<1xi32>
          %add3A_358 = vector.broadcast %squeeze3A_357 : i32 to vector<16xi32>
          %add3A_359 = arith.addi %select_n3A_49, %add3A_358 : vector<16xi32>
          tpu.vector_store_idx %arg14[%add3A_359], %gather3A_355 masked %and3A_350 {add = true} : memref<32768xf32, #tpu.memory_space<vmem>>[vector<16xi32>], vector<16xf32>, vector<16xi1>
          %mul3A_360 = arith.constant 16 : i32
          %mul3A_361 = arith.muli %while3A_227, %mul3A_360 : i32
          %add3A_362 = arith.constant 8 : i32
          %add3A_363 = arith.addi %mul3A_361, %add3A_362 : i32
          %lt3A_364 = arith.cmpi slt, %add3A_363, %scan3A_57 : i32
          %and3A_365 = vector.broadcast %lt3A_364 : i1 to vector<16xi1>
          %and3A_366 = arith.andi %lt3A_38, %and3A_365 : vector<16xi1>
          %slice3A_367 = vector.extract_strided_slice %get3A_230 {offsets = [8], sizes = [1], strides = [1]} : vector<16xi32> to vector<1xi32>
          %squeeze3A_368 = vector.extract %slice3A_367[0] : i32 from vector<1xi32>
          %add3A_369 = vector.broadcast %squeeze3A_368 : i32 to vector<16xi32>
          %add3A_370 = arith.addi %select_n3A_43, %add3A_369 : vector<16xi32>
          %gather3A_371 = tpu.vector_load_idx %arg12[%add3A_370] masked %and3A_366 : memref<2048xf32, #tpu.memory_space<vmem>>[vector<16xi32>], vector<16xf32>, vector<16xi1>
          %slice3A_372 = vector.extract_strided_slice %get3A_234 {offsets = [8], sizes = [1], strides = [1]} : vector<16xi32> to vector<1xi32>
          %squeeze3A_373 = vector.extract %slice3A_372[0] : i32 from vector<1xi32>
          %add3A_374 = vector.broadcast %squeeze3A_373 : i32 to vector<16xi32>
          %add3A_375 = arith.addi %select_n3A_49, %add3A_374 : vector<16xi32>
          tpu.vector_store_idx %arg14[%add3A_375], %gather3A_371 masked %and3A_366 {add = true} : memref<32768xf32, #tpu.memory_space<vmem>>[vector<16xi32>], vector<16xf32>, vector<16xi1>
          %mul3A_376 = arith.constant 16 : i32
          %mul3A_377 = arith.muli %while3A_227, %mul3A_376 : i32
          %add3A_378 = arith.constant 9 : i32
          %add3A_379 = arith.addi %mul3A_377, %add3A_378 : i32
          %lt3A_380 = arith.cmpi slt, %add3A_379, %scan3A_57 : i32
          %and3A_381 = vector.broadcast %lt3A_380 : i1 to vector<16xi1>
          %and3A_382 = arith.andi %lt3A_38, %and3A_381 : vector<16xi1>
          %slice3A_383 = vector.extract_strided_slice %get3A_230 {offsets = [9], sizes = [1], strides = [1]} : vector<16xi32> to vector<1xi32>
          %squeeze3A_384 = vector.extract %slice3A_383[0] : i32 from vector<1xi32>
          %add3A_385 = vector.broadcast %squeeze3A_384 : i32 to vector<16xi32>
          %add3A_386 = arith.addi %select_n3A_43, %add3A_385 : vector<16xi32>
          %gather3A_387 = tpu.vector_load_idx %arg12[%add3A_386] masked %and3A_382 : memref<2048xf32, #tpu.memory_space<vmem>>[vector<16xi32>], vector<16xf32>, vector<16xi1>
          %slice3A_388 = vector.extract_strided_slice %get3A_234 {offsets = [9], sizes = [1], strides = [1]} : vector<16xi32> to vector<1xi32>
          %squeeze3A_389 = vector.extract %slice3A_388[0] : i32 from vector<1xi32>
          %add3A_390 = vector.broadcast %squeeze3A_389 : i32 to vector<16xi32>
          %add3A_391 = arith.addi %select_n3A_49, %add3A_390 : vector<16xi32>
          tpu.vector_store_idx %arg14[%add3A_391], %gather3A_387 masked %and3A_382 {add = true} : memref<32768xf32, #tpu.memory_space<vmem>>[vector<16xi32>], vector<16xf32>, vector<16xi1>
          %mul3A_392 = arith.constant 16 : i32
          %mul3A_393 = arith.muli %while3A_227, %mul3A_392 : i32
          %add3A_394 = arith.constant 10 : i32
          %add3A_395 = arith.addi %mul3A_393, %add3A_394 : i32
          %lt3A_396 = arith.cmpi slt, %add3A_395, %scan3A_57 : i32
          %and3A_397 = vector.broadcast %lt3A_396 : i1 to vector<16xi1>
          %and3A_398 = arith.andi %lt3A_38, %and3A_397 : vector<16xi1>
          %slice3A_399 = vector.extract_strided_slice %get3A_230 {offsets = [10], sizes = [1], strides = [1]} : vector<16xi32> to vector<1xi32>
          %squeeze3A_400 = vector.extract %slice3A_399[0] : i32 from vector<1xi32>
          %add3A_401 = vector.broadcast %squeeze3A_400 : i32 to vector<16xi32>
          %add3A_402 = arith.addi %select_n3A_43, %add3A_401 : vector<16xi32>
          %gather3A_403 = tpu.vector_load_idx %arg12[%add3A_402] masked %and3A_398 : memref<2048xf32, #tpu.memory_space<vmem>>[vector<16xi32>], vector<16xf32>, vector<16xi1>
          %slice3A_404 = vector.extract_strided_slice %get3A_234 {offsets = [10], sizes = [1], strides = [1]} : vector<16xi32> to vector<1xi32>
          %squeeze3A_405 = vector.extract %slice3A_404[0] : i32 from vector<1xi32>
          %add3A_406 = vector.broadcast %squeeze3A_405 : i32 to vector<16xi32>
          %add3A_407 = arith.addi %select_n3A_49, %add3A_406 : vector<16xi32>
          tpu.vector_store_idx %arg14[%add3A_407], %gather3A_403 masked %and3A_398 {add = true} : memref<32768xf32, #tpu.memory_space<vmem>>[vector<16xi32>], vector<16xf32>, vector<16xi1>
          %mul3A_408 = arith.constant 16 : i32
          %mul3A_409 = arith.muli %while3A_227, %mul3A_408 : i32
          %add3A_410 = arith.constant 11 : i32
          %add3A_411 = arith.addi %mul3A_409, %add3A_410 : i32
          %lt3A_412 = arith.cmpi slt, %add3A_411, %scan3A_57 : i32
          %and3A_413 = vector.broadcast %lt3A_412 : i1 to vector<16xi1>
          %and3A_414 = arith.andi %lt3A_38, %and3A_413 : vector<16xi1>
          %slice3A_415 = vector.extract_strided_slice %get3A_230 {offsets = [11], sizes = [1], strides = [1]} : vector<16xi32> to vector<1xi32>
          %squeeze3A_416 = vector.extract %slice3A_415[0] : i32 from vector<1xi32>
          %add3A_417 = vector.broadcast %squeeze3A_416 : i32 to vector<16xi32>
          %add3A_418 = arith.addi %select_n3A_43, %add3A_417 : vector<16xi32>
          %gather3A_419 = tpu.vector_load_idx %arg12[%add3A_418] masked %and3A_414 : memref<2048xf32, #tpu.memory_space<vmem>>[vector<16xi32>], vector<16xf32>, vector<16xi1>
          %slice3A_420 = vector.extract_strided_slice %get3A_234 {offsets = [11], sizes = [1], strides = [1]} : vector<16xi32> to vector<1xi32>
          %squeeze3A_421 = vector.extract %slice3A_420[0] : i32 from vector<1xi32>
          %add3A_422 = vector.broadcast %squeeze3A_421 : i32 to vector<16xi32>
          %add3A_423 = arith.addi %select_n3A_49, %add3A_422 : vector<16xi32>
          tpu.vector_store_idx %arg14[%add3A_423], %gather3A_419 masked %and3A_414 {add = true} : memref<32768xf32, #tpu.memory_space<vmem>>[vector<16xi32>], vector<16xf32>, vector<16xi1>
          %mul3A_424 = arith.constant 16 : i32
          %mul3A_425 = arith.muli %while3A_227, %mul3A_424 : i32
          %add3A_426 = arith.constant 12 : i32
          %add3A_427 = arith.addi %mul3A_425, %add3A_426 : i32
          %lt3A_428 = arith.cmpi slt, %add3A_427, %scan3A_57 : i32
          %and3A_429 = vector.broadcast %lt3A_428 : i1 to vector<16xi1>
          %and3A_430 = arith.andi %lt3A_38, %and3A_429 : vector<16xi1>
          %slice3A_431 = vector.extract_strided_slice %get3A_230 {offsets = [12], sizes = [1], strides = [1]} : vector<16xi32> to vector<1xi32>
          %squeeze3A_432 = vector.extract %slice3A_431[0] : i32 from vector<1xi32>
          %add3A_433 = vector.broadcast %squeeze3A_432 : i32 to vector<16xi32>
          %add3A_434 = arith.addi %select_n3A_43, %add3A_433 : vector<16xi32>
          %gather3A_435 = tpu.vector_load_idx %arg12[%add3A_434] masked %and3A_430 : memref<2048xf32, #tpu.memory_space<vmem>>[vector<16xi32>], vector<16xf32>, vector<16xi1>
          %slice3A_436 = vector.extract_strided_slice %get3A_234 {offsets = [12], sizes = [1], strides = [1]} : vector<16xi32> to vector<1xi32>
          %squeeze3A_437 = vector.extract %slice3A_436[0] : i32 from vector<1xi32>
          %add3A_438 = vector.broadcast %squeeze3A_437 : i32 to vector<16xi32>
          %add3A_439 = arith.addi %select_n3A_49, %add3A_438 : vector<16xi32>
          tpu.vector_store_idx %arg14[%add3A_439], %gather3A_435 masked %and3A_430 {add = true} : memref<32768xf32, #tpu.memory_space<vmem>>[vector<16xi32>], vector<16xf32>, vector<16xi1>
          %mul3A_440 = arith.constant 16 : i32
          %mul3A_441 = arith.muli %while3A_227, %mul3A_440 : i32
          %add3A_442 = arith.constant 13 : i32
          %add3A_443 = arith.addi %mul3A_441, %add3A_442 : i32
          %lt3A_444 = arith.cmpi slt, %add3A_443, %scan3A_57 : i32
          %and3A_445 = vector.broadcast %lt3A_444 : i1 to vector<16xi1>
          %and3A_446 = arith.andi %lt3A_38, %and3A_445 : vector<16xi1>
          %slice3A_447 = vector.extract_strided_slice %get3A_230 {offsets = [13], sizes = [1], strides = [1]} : vector<16xi32> to vector<1xi32>
          %squeeze3A_448 = vector.extract %slice3A_447[0] : i32 from vector<1xi32>
          %add3A_449 = vector.broadcast %squeeze3A_448 : i32 to vector<16xi32>
          %add3A_450 = arith.addi %select_n3A_43, %add3A_449 : vector<16xi32>
          %gather3A_451 = tpu.vector_load_idx %arg12[%add3A_450] masked %and3A_446 : memref<2048xf32, #tpu.memory_space<vmem>>[vector<16xi32>], vector<16xf32>, vector<16xi1>
          %slice3A_452 = vector.extract_strided_slice %get3A_234 {offsets = [13], sizes = [1], strides = [1]} : vector<16xi32> to vector<1xi32>
          %squeeze3A_453 = vector.extract %slice3A_452[0] : i32 from vector<1xi32>
          %add3A_454 = vector.broadcast %squeeze3A_453 : i32 to vector<16xi32>
          %add3A_455 = arith.addi %select_n3A_49, %add3A_454 : vector<16xi32>
          tpu.vector_store_idx %arg14[%add3A_455], %gather3A_451 masked %and3A_446 {add = true} : memref<32768xf32, #tpu.memory_space<vmem>>[vector<16xi32>], vector<16xf32>, vector<16xi1>
          %mul3A_456 = arith.constant 16 : i32
          %mul3A_457 = arith.muli %while3A_227, %mul3A_456 : i32
          %add3A_458 = arith.constant 14 : i32
          %add3A_459 = arith.addi %mul3A_457, %add3A_458 : i32
          %lt3A_460 = arith.cmpi slt, %add3A_459, %scan3A_57 : i32
          %and3A_461 = vector.broadcast %lt3A_460 : i1 to vector<16xi1>
          %and3A_462 = arith.andi %lt3A_38, %and3A_461 : vector<16xi1>
          %slice3A_463 = vector.extract_strided_slice %get3A_230 {offsets = [14], sizes = [1], strides = [1]} : vector<16xi32> to vector<1xi32>
          %squeeze3A_464 = vector.extract %slice3A_463[0] : i32 from vector<1xi32>
          %add3A_465 = vector.broadcast %squeeze3A_464 : i32 to vector<16xi32>
          %add3A_466 = arith.addi %select_n3A_43, %add3A_465 : vector<16xi32>
          %gather3A_467 = tpu.vector_load_idx %arg12[%add3A_466] masked %and3A_462 : memref<2048xf32, #tpu.memory_space<vmem>>[vector<16xi32>], vector<16xf32>, vector<16xi1>
          %slice3A_468 = vector.extract_strided_slice %get3A_234 {offsets = [14], sizes = [1], strides = [1]} : vector<16xi32> to vector<1xi32>
          %squeeze3A_469 = vector.extract %slice3A_468[0] : i32 from vector<1xi32>
          %add3A_470 = vector.broadcast %squeeze3A_469 : i32 to vector<16xi32>
          %add3A_471 = arith.addi %select_n3A_49, %add3A_470 : vector<16xi32>
          tpu.vector_store_idx %arg14[%add3A_471], %gather3A_467 masked %and3A_462 {add = true} : memref<32768xf32, #tpu.memory_space<vmem>>[vector<16xi32>], vector<16xf32>, vector<16xi1>
          %mul3A_472 = arith.constant 16 : i32
          %mul3A_473 = arith.muli %while3A_227, %mul3A_472 : i32
          %add3A_474 = arith.constant 15 : i32
          %add3A_475 = arith.addi %mul3A_473, %add3A_474 : i32
          %lt3A_476 = arith.cmpi slt, %add3A_475, %scan3A_57 : i32
          %and3A_477 = vector.broadcast %lt3A_476 : i1 to vector<16xi1>
          %and3A_478 = arith.andi %lt3A_38, %and3A_477 : vector<16xi1>
          %slice3A_479 = vector.extract_strided_slice %get3A_230 {offsets = [15], sizes = [1], strides = [1]} : vector<16xi32> to vector<1xi32>
          %squeeze3A_480 = vector.extract %slice3A_479[0] : i32 from vector<1xi32>
          %add3A_481 = vector.broadcast %squeeze3A_480 : i32 to vector<16xi32>
          %add3A_482 = arith.addi %select_n3A_43, %add3A_481 : vector<16xi32>
          %gather3A_483 = tpu.vector_load_idx %arg12[%add3A_482] masked %and3A_478 : memref<2048xf32, #tpu.memory_space<vmem>>[vector<16xi32>], vector<16xf32>, vector<16xi1>
          %slice3A_484 = vector.extract_strided_slice %get3A_234 {offsets = [15], sizes = [1], strides = [1]} : vector<16xi32> to vector<1xi32>
          %squeeze3A_485 = vector.extract %slice3A_484[0] : i32 from vector<1xi32>
          %add3A_486 = vector.broadcast %squeeze3A_485 : i32 to vector<16xi32>
          %add3A_487 = arith.addi %select_n3A_49, %add3A_486 : vector<16xi32>
          tpu.vector_store_idx %arg14[%add3A_487], %gather3A_483 masked %and3A_478 {add = true} : memref<32768xf32, #tpu.memory_space<vmem>>[vector<16xi32>], vector<16xf32>, vector<16xi1>
        }
      } else {
      }
      %dma_start3A_137 = tpu.memref_slice %arg5[%mul3A_103] : memref<33554432xf32, #tpu.memory_space<hbm>> -> memref<32768xf32, #tpu.memory_space<hbm>>
      %dma_start3A_138 = tpu.memref_slice %arg5[%mul3A_103] : memref<33554432xf32, #tpu.memory_space<hbm>> -> memref<32768xf32, #tpu.memory_space<hbm>>
      tpu.enqueue_dma source(%arg14 : memref<32768xf32, #tpu.memory_space<vmem>>) target(%dma_start3A_138 : memref<32768xf32, #tpu.memory_space<hbm>>) target_semaphore(%arg18 : memref<!tpu.dma_semaphore, #tpu.memory_space<semaphore_mem>>)
      %mul3A_139 = arith.constant 2 : i32
      %mul3A_140 = arith.muli %scan3A_89, %mul3A_139 : i32
      %add3A_141 = arith.constant 1 : i32
      %add3A_142 = arith.addi %mul3A_140, %add3A_141 : i32
      %mul3A_143 = arith.constant 32 : i32
      %mul3A_144 = arith.muli %select_n3A_30, %mul3A_143 : i32
      %add3A_145 = arith.addi %mul3A_144, %add3A_142 : i32
      %mul3A_146 = arith.constant 256 : i32
      %mul3A_147 = arith.muli %select_n3A, %mul3A_146 : i32
      %mul3A_148 = arith.constant 2 : i32
      %mul3A_149 = arith.muli %add3A_145, %mul3A_148 : i32
      %add3A_150 = arith.addi %mul3A_147, %mul3A_149 : i32
      %mul3A_151 = arith.constant 16384 : i32
      %mul3A_152 = arith.muli %add3A_150, %mul3A_151 : i32
      %mul3A_153 = arith.constant 32 : i32
      %mul3A_154 = arith.muli %select_n3A_30, %mul3A_153 : i32
      %add3A_155 = arith.constant 1 : i32
      %add3A_156 = arith.addi %add3A_142, %add3A_155 : i32
      %min3A_157 = arith.constant 31 : i32
      %min3A_158 = arith.minsi %add3A_156, %min3A_157 : i32
      %add3A_159 = arith.addi %mul3A_154, %min3A_158 : i32
      %mul3A_160 = arith.constant 2 : i32
      %mul3A_161 = arith.muli %add3A_159, %mul3A_160 : i32
      %mul3A_162 = arith.constant 1024 : i32
      %mul3A_163 = arith.muli %mul3A_161, %mul3A_162 : i32
      %dma_start3A_164 = tpu.memref_slice %arg2[%select_n3A, %mul3A_163] : memref<8x262144xf32, #tpu.memory_space<hbm>> -> memref<1x2048xf32, #tpu.memory_space<hbm>>
      %dma_start3A_165 = tpu.memref_squeeze %dma_start3A_164 : memref<1x2048xf32, #tpu.memory_space<hbm>> -> memref<2048xf32, #tpu.memory_space<hbm>>
      %dma_start3A_166 = tpu.memref_slice %arg2[%select_n3A, %mul3A_163] : memref<8x262144xf32, #tpu.memory_space<hbm>> -> memref<1x2048xf32, #tpu.memory_space<hbm>>
      %dma_start3A_167 = tpu.memref_squeeze %dma_start3A_166 : memref<1x2048xf32, #tpu.memory_space<hbm>> -> memref<2048xf32, #tpu.memory_space<hbm>>
      tpu.enqueue_dma source(%dma_start3A_167 : memref<2048xf32, #tpu.memory_space<hbm>>) target(%arg12 : memref<2048xf32, #tpu.memory_space<vmem>>) target_semaphore(%arg16 : memref<!tpu.dma_semaphore, #tpu.memory_space<semaphore_mem>>)
      %gt3A_168 = arith.constant 0 : i32
      %gt3A_169 = arith.cmpi sgt, %scan3A_89, %gt3A_168 : i32
      %convert_element_type3A_170 = arith.extui %gt3A_169 : i1 to i32
      %cond3A_171 = arith.constant 0 : i32
      %cond3A_172 = arith.cmpi ne, %convert_element_type3A_170, %cond3A_171 : i32
      scf.if %cond3A_172 {
        %dma_wait3A_192 = arith.constant 0 : i32
        %dma_wait3A_193 = tpu.memref_slice %arg5[%dma_wait3A_192] : memref<33554432xf32, #tpu.memory_space<hbm>> -> memref<32768xf32, #tpu.memory_space<hbm>>
        %dma_wait3A_194 = arith.constant 0 : i32
        %dma_wait3A_195 = tpu.memref_slice %arg5[%dma_wait3A_194] : memref<33554432xf32, #tpu.memory_space<hbm>> -> memref<32768xf32, #tpu.memory_space<hbm>>
        tpu.wait_dma2 semaphore(%arg19 : memref<!tpu.dma_semaphore, #tpu.memory_space<semaphore_mem>>) src(%arg15 : memref<32768xf32, #tpu.memory_space<vmem>>) dst(%dma_wait3A_195 : memref<32768xf32, #tpu.memory_space<hbm>>)
      } else {
      }
      %parallel_loop3A_173 = arith.constant 0 : i32
      %parallel_loop3A_174 = arith.constant 64 : i32
      %parallel_loop3A_175 = arith.constant 1 : i32
      scf.for %parallel_loop3A_192 = %parallel_loop3A_173 to %parallel_loop3A_174 step %parallel_loop3A_175  : i32 {
        %parallel_loop3A_193 = arith.constant 16 : i32
        %parallel_loop3A_194 = arith.muli %parallel_loop3A_192, %parallel_loop3A_193 : i32
        %parallel_loop3A_195 = arith.index_cast %parallel_loop3A_194 : i32 to index
        %parallel_loop3A_196 = tpu.vector_load %arg8[%parallel_loop3A_195] {strides = array<i32>} : memref<1024xi32, #tpu.memory_space<vmem>>, vector<16xi32>,
        %parallel_loop3A_197 = arith.constant 0 : i32
        %parallel_loop3A_198 = vector.broadcast %parallel_loop3A_197 : i32 to vector<16xi32>
        %parallel_loop3A_199 = arith.addi %parallel_loop3A_196, %parallel_loop3A_198 : vector<16xi32>
        tpu.vector_store_idx %arg15[%parallel_loop3A_199], %broadcast_in_dim3A_51 : memref<32768xf32, #tpu.memory_space<vmem>>[vector<16xi32>], vector<16xf32>,
        %parallel_loop3A_200 = arith.constant 16384 : i32
        %parallel_loop3A_201 = vector.broadcast %parallel_loop3A_200 : i32 to vector<16xi32>
        %parallel_loop3A_202 = arith.addi %parallel_loop3A_196, %parallel_loop3A_201 : vector<16xi32>
        tpu.vector_store_idx %arg15[%parallel_loop3A_202], %broadcast_in_dim3A_51 : memref<32768xf32, #tpu.memory_space<vmem>>[vector<16xi32>], vector<16xf32>,
      } {sc.loop_unroll_factor = 8 : i64, sc.parallel_access}
      %dma_wait3A_176 = arith.constant 0 : i32
      %dma_wait3A_177 = tpu.memref_slice %arg2[%select_n3A, %dma_wait3A_176] : memref<8x262144xf32, #tpu.memory_space<hbm>> -> memref<1x2048xf32, #tpu.memory_space<hbm>>
      %dma_wait3A_178 = tpu.memref_squeeze %dma_wait3A_177 : memref<1x2048xf32, #tpu.memory_space<hbm>> -> memref<2048xf32, #tpu.memory_space<hbm>>
      %dma_wait3A_179 = arith.constant 0 : i32
      %dma_wait3A_180 = tpu.memref_slice %arg2[%select_n3A, %dma_wait3A_179] : memref<8x262144xf32, #tpu.memory_space<hbm>> -> memref<1x2048xf32, #tpu.memory_space<hbm>>
      %dma_wait3A_181 = tpu.memref_squeeze %dma_wait3A_180 : memref<1x2048xf32, #tpu.memory_space<hbm>> -> memref<2048xf32, #tpu.memory_space<hbm>>
      tpu.wait_dma2 semaphore(%arg17 : memref<!tpu.dma_semaphore, #tpu.memory_space<semaphore_mem>>) src(%dma_wait3A_181 : memref<2048xf32, #tpu.memory_space<hbm>>) dst(%arg13 : memref<2048xf32, #tpu.memory_space<vmem>>)
      %parallel_loop3A_182 = arith.constant 0 : i32
      %parallel_loop3A_183 = arith.constant 64 : i32
      %parallel_loop3A_184 = arith.constant 1 : i32
      scf.for %parallel_loop3A_192 = %parallel_loop3A_182 to %parallel_loop3A_183 step %parallel_loop3A_184  : i32 {
        %parallel_loop3A_193 = arith.constant 16 : i32
        %parallel_loop3A_194 = arith.muli %parallel_loop3A_192, %parallel_loop3A_193 : i32
        %parallel_loop3A_195 = arith.index_cast %parallel_loop3A_194 : i32 to index
        %parallel_loop3A_196 = tpu.vector_load %arg9[%parallel_loop3A_195] {strides = array<i32>} : memref<1024xi32, #tpu.memory_space<vmem>>, vector<16xi32>,
        %parallel_loop3A_197 = arith.constant 0 : i32
        %parallel_loop3A_198 = vector.broadcast %parallel_loop3A_197 : i32 to vector<16xi32>
        %parallel_loop3A_199 = arith.cmpi ne, %parallel_loop3A_196, %parallel_loop3A_198 : vector<16xi32>
        %parallel_loop3A_200 = arith.constant 16 : i32
        %parallel_loop3A_201 = arith.muli %parallel_loop3A_192, %parallel_loop3A_200 : i32
        %parallel_loop3A_202 = arith.index_cast %parallel_loop3A_201 : i32 to index
        %parallel_loop3A_203 = tpu.vector_load %arg8[%parallel_loop3A_202] {strides = array<i32>} : memref<1024xi32, #tpu.memory_space<vmem>>, vector<16xi32>,
        %parallel_loop3A_204 = arith.constant 16 : i32
        %parallel_loop3A_205 = arith.muli %parallel_loop3A_192, %parallel_loop3A_204 : i32
        %parallel_loop3A_206 = arith.constant 0 : i32
        %parallel_loop3A_207 = arith.addi %parallel_loop3A_206, %parallel_loop3A_205 : i32
        %parallel_loop3A_208 = arith.index_cast %parallel_loop3A_207 : i32 to index
        %parallel_loop3A_209 = tpu.vector_load %arg13[%parallel_loop3A_208] {strides = array<i32>} : memref<2048xf32, #tpu.memory_space<vmem>>, vector<16xf32>,
        %parallel_loop3A_210 = arith.constant 0 : i32
        %parallel_loop3A_211 = vector.broadcast %parallel_loop3A_210 : i32 to vector<16xi32>
        %parallel_loop3A_212 = arith.addi %parallel_loop3A_203, %parallel_loop3A_211 : vector<16xi32>
        tpu.vector_store_idx %arg15[%parallel_loop3A_212], %parallel_loop3A_209 masked %parallel_loop3A_199 {add = true} : memref<32768xf32, #tpu.memory_space<vmem>>[vector<16xi32>], vector<16xf32>, vector<16xi1>
        %parallel_loop3A_213 = arith.constant 16 : i32
        %parallel_loop3A_214 = arith.muli %parallel_loop3A_192, %parallel_loop3A_213 : i32
        %parallel_loop3A_215 = arith.constant 1024 : i32
        %parallel_loop3A_216 = arith.addi %parallel_loop3A_215, %parallel_loop3A_214 : i32
        %parallel_loop3A_217 = arith.index_cast %parallel_loop3A_216 : i32 to index
        %parallel_loop3A_218 = tpu.vector_load %arg13[%parallel_loop3A_217] {strides = array<i32>} : memref<2048xf32, #tpu.memory_space<vmem>>, vector<16xf32>,
        %parallel_loop3A_219 = arith.constant 16384 : i32
        %parallel_loop3A_220 = vector.broadcast %parallel_loop3A_219 : i32 to vector<16xi32>
        %parallel_loop3A_221 = arith.addi %parallel_loop3A_203, %parallel_loop3A_220 : vector<16xi32>
        tpu.vector_store_idx %arg15[%parallel_loop3A_221], %parallel_loop3A_218 masked %parallel_loop3A_199 {add = true} : memref<32768xf32, #tpu.memory_space<vmem>>[vector<16xi32>], vector<16xf32>, vector<16xi1>
      } {sc.loop_unroll_factor = 4 : i64, sc.parallel_access}
      %gt3A_185 = arith.constant 0 : i32
      %gt3A_186 = arith.cmpi sgt, %scan3A_57, %gt3A_185 : i32
      %convert_element_type3A_187 = arith.extui %gt3A_186 : i1 to i32
      %cond3A_188 = arith.constant 0 : i32
      %cond3A_189 = arith.cmpi ne, %convert_element_type3A_187, %cond3A_188 : i32
      scf.if %cond3A_189 {
        %add3A_192 = arith.constant 15 : i32
        %add3A_193 = arith.addi %scan3A_57, %add3A_192 : i32
        %jit3A_194 = arith.constant 16 : i32
        %div3A_195 = arith.divsi %add3A_193, %jit3A_194 : i32
        %sign3A_196 = arith.constant 0 : i32
        %sign3A_197 = arith.cmpi sgt, %add3A_193, %sign3A_196 : i32
        %sign3A_198 = arith.extui %sign3A_197 : i1 to i32
        %sign3A_199 = arith.constant 0 : i32
        %sign3A_200 = arith.cmpi slt, %add3A_193, %sign3A_199 : i32
        %sign3A_201 = arith.extui %sign3A_200 : i1 to i32
        %sign3A_202 = arith.subi %sign3A_198, %sign3A_201 : i32
        %sign3A_203 = arith.constant 0 : i32
        %sign3A_204 = arith.cmpi sgt, %jit3A_194, %sign3A_203 : i32
        %sign3A_205 = arith.extui %sign3A_204 : i1 to i32
        %sign3A_206 = arith.constant 0 : i32
        %sign3A_207 = arith.cmpi slt, %jit3A_194, %sign3A_206 : i32
        %sign3A_208 = arith.extui %sign3A_207 : i1 to i32
        %sign3A_209 = arith.subi %sign3A_205, %sign3A_208 : i32
        %ne3A_210 = arith.cmpi ne, %sign3A_202, %sign3A_209 : i32
        %rem3A_211 = arith.remsi %add3A_193, %jit3A_194 : i32
        %ne3A_212 = arith.constant 0 : i32
        %ne3A_213 = arith.cmpi ne, %rem3A_211, %ne3A_212 : i32
        %and3A_214 = arith.andi %ne3A_210, %ne3A_213 : i1
        %sub3A_215 = arith.constant 1 : i32
        %sub3A_216 = arith.subi %div3A_195, %sub3A_215 : i32
        %select_n3A_217 = arith.select %and3A_214, %sub3A_216, %div3A_195 : i32
        %while3A = arith.constant 0 : i32
        %while3A_218 = arith.constant 0 : i32
        %while3A_219 = arith.subi %select_n3A_217, %while3A_218 : i32
        %while3A_220 = arith.addi %while3A_218, %while3A_219 : i32
        %while3A_221 = arith.constant 1 : i32
        %while3A_222 = arith.divsi %while3A_219, %while3A_221 : i32
        %while3A_223 = arith.muli %while3A_222, %while3A_221 : i32
        %while3A_224 = arith.addi %while3A_218, %while3A_223 : i32
        %while3A_225 = arith.constant 1 : i32
        scf.for %while3A_227 = %while3A_218 to %while3A_224 step %while3A_225  : i32 {
          %mul3A_228 = arith.constant 16 : i32
          %mul3A_229 = arith.muli %while3A_227, %mul3A_228 : i32
          %get3A = arith.index_cast %mul3A_229 : i32 to index
          %get3A_230 = tpu.vector_load %arg10[%get3A] {strides = array<i32>} : memref<1040xi32, #tpu.memory_space<vmem>>, vector<16xi32>,
          %mul3A_231 = arith.constant 16 : i32
          %mul3A_232 = arith.muli %while3A_227, %mul3A_231 : i32
          %get3A_233 = arith.index_cast %mul3A_232 : i32 to index
          %get3A_234 = tpu.vector_load %arg11[%get3A_233] {strides = array<i32>} : memref<1040xi32, #tpu.memory_space<vmem>>, vector<16xi32>,
          %mul3A_235 = arith.constant 16 : i32
          %mul3A_236 = arith.muli %while3A_227, %mul3A_235 : i32
          %add3A_237 = arith.constant 0 : i32
          %add3A_238 = arith.addi %mul3A_236, %add3A_237 : i32
          %lt3A_239 = arith.cmpi slt, %add3A_238, %scan3A_57 : i32
          %and3A_240 = vector.broadcast %lt3A_239 : i1 to vector<16xi1>
          %and3A_241 = arith.andi %lt3A_38, %and3A_240 : vector<16xi1>
          %slice3A = vector.extract_strided_slice %get3A_230 {offsets = [0], sizes = [1], strides = [1]} : vector<16xi32> to vector<1xi32>
          %squeeze3A = vector.extract %slice3A[0] : i32 from vector<1xi32>
          %add3A_242 = vector.broadcast %squeeze3A : i32 to vector<16xi32>
          %add3A_243 = arith.addi %select_n3A_43, %add3A_242 : vector<16xi32>
          %gather3A = tpu.vector_load_idx %arg13[%add3A_243] masked %and3A_241 : memref<2048xf32, #tpu.memory_space<vmem>>[vector<16xi32>], vector<16xf32>, vector<16xi1>
          %slice3A_244 = vector.extract_strided_slice %get3A_234 {offsets = [0], sizes = [1], strides = [1]} : vector<16xi32> to vector<1xi32>
          %squeeze3A_245 = vector.extract %slice3A_244[0] : i32 from vector<1xi32>
          %add3A_246 = vector.broadcast %squeeze3A_245 : i32 to vector<16xi32>
          %add3A_247 = arith.addi %select_n3A_49, %add3A_246 : vector<16xi32>
          tpu.vector_store_idx %arg15[%add3A_247], %gather3A masked %and3A_241 {add = true} : memref<32768xf32, #tpu.memory_space<vmem>>[vector<16xi32>], vector<16xf32>, vector<16xi1>
          %mul3A_248 = arith.constant 16 : i32
          %mul3A_249 = arith.muli %while3A_227, %mul3A_248 : i32
          %add3A_250 = arith.constant 1 : i32
          %add3A_251 = arith.addi %mul3A_249, %add3A_250 : i32
          %lt3A_252 = arith.cmpi slt, %add3A_251, %scan3A_57 : i32
          %and3A_253 = vector.broadcast %lt3A_252 : i1 to vector<16xi1>
          %and3A_254 = arith.andi %lt3A_38, %and3A_253 : vector<16xi1>
          %slice3A_255 = vector.extract_strided_slice %get3A_230 {offsets = [1], sizes = [1], strides = [1]} : vector<16xi32> to vector<1xi32>
          %squeeze3A_256 = vector.extract %slice3A_255[0] : i32 from vector<1xi32>
          %add3A_257 = vector.broadcast %squeeze3A_256 : i32 to vector<16xi32>
          %add3A_258 = arith.addi %select_n3A_43, %add3A_257 : vector<16xi32>
          %gather3A_259 = tpu.vector_load_idx %arg13[%add3A_258] masked %and3A_254 : memref<2048xf32, #tpu.memory_space<vmem>>[vector<16xi32>], vector<16xf32>, vector<16xi1>
          %slice3A_260 = vector.extract_strided_slice %get3A_234 {offsets = [1], sizes = [1], strides = [1]} : vector<16xi32> to vector<1xi32>
          %squeeze3A_261 = vector.extract %slice3A_260[0] : i32 from vector<1xi32>
          %add3A_262 = vector.broadcast %squeeze3A_261 : i32 to vector<16xi32>
          %add3A_263 = arith.addi %select_n3A_49, %add3A_262 : vector<16xi32>
          tpu.vector_store_idx %arg15[%add3A_263], %gather3A_259 masked %and3A_254 {add = true} : memref<32768xf32, #tpu.memory_space<vmem>>[vector<16xi32>], vector<16xf32>, vector<16xi1>
          %mul3A_264 = arith.constant 16 : i32
          %mul3A_265 = arith.muli %while3A_227, %mul3A_264 : i32
          %add3A_266 = arith.constant 2 : i32
          %add3A_267 = arith.addi %mul3A_265, %add3A_266 : i32
          %lt3A_268 = arith.cmpi slt, %add3A_267, %scan3A_57 : i32
          %and3A_269 = vector.broadcast %lt3A_268 : i1 to vector<16xi1>
          %and3A_270 = arith.andi %lt3A_38, %and3A_269 : vector<16xi1>
          %slice3A_271 = vector.extract_strided_slice %get3A_230 {offsets = [2], sizes = [1], strides = [1]} : vector<16xi32> to vector<1xi32>
          %squeeze3A_272 = vector.extract %slice3A_271[0] : i32 from vector<1xi32>
          %add3A_273 = vector.broadcast %squeeze3A_272 : i32 to vector<16xi32>
          %add3A_274 = arith.addi %select_n3A_43, %add3A_273 : vector<16xi32>
          %gather3A_275 = tpu.vector_load_idx %arg13[%add3A_274] masked %and3A_270 : memref<2048xf32, #tpu.memory_space<vmem>>[vector<16xi32>], vector<16xf32>, vector<16xi1>
          %slice3A_276 = vector.extract_strided_slice %get3A_234 {offsets = [2], sizes = [1], strides = [1]} : vector<16xi32> to vector<1xi32>
          %squeeze3A_277 = vector.extract %slice3A_276[0] : i32 from vector<1xi32>
          %add3A_278 = vector.broadcast %squeeze3A_277 : i32 to vector<16xi32>
          %add3A_279 = arith.addi %select_n3A_49, %add3A_278 : vector<16xi32>
          tpu.vector_store_idx %arg15[%add3A_279], %gather3A_275 masked %and3A_270 {add = true} : memref<32768xf32, #tpu.memory_space<vmem>>[vector<16xi32>], vector<16xf32>, vector<16xi1>
          %mul3A_280 = arith.constant 16 : i32
          %mul3A_281 = arith.muli %while3A_227, %mul3A_280 : i32
          %add3A_282 = arith.constant 3 : i32
          %add3A_283 = arith.addi %mul3A_281, %add3A_282 : i32
          %lt3A_284 = arith.cmpi slt, %add3A_283, %scan3A_57 : i32
          %and3A_285 = vector.broadcast %lt3A_284 : i1 to vector<16xi1>
          %and3A_286 = arith.andi %lt3A_38, %and3A_285 : vector<16xi1>
          %slice3A_287 = vector.extract_strided_slice %get3A_230 {offsets = [3], sizes = [1], strides = [1]} : vector<16xi32> to vector<1xi32>
          %squeeze3A_288 = vector.extract %slice3A_287[0] : i32 from vector<1xi32>
          %add3A_289 = vector.broadcast %squeeze3A_288 : i32 to vector<16xi32>
          %add3A_290 = arith.addi %select_n3A_43, %add3A_289 : vector<16xi32>
          %gather3A_291 = tpu.vector_load_idx %arg13[%add3A_290] masked %and3A_286 : memref<2048xf32, #tpu.memory_space<vmem>>[vector<16xi32>], vector<16xf32>, vector<16xi1>
          %slice3A_292 = vector.extract_strided_slice %get3A_234 {offsets = [3], sizes = [1], strides = [1]} : vector<16xi32> to vector<1xi32>
          %squeeze3A_293 = vector.extract %slice3A_292[0] : i32 from vector<1xi32>
          %add3A_294 = vector.broadcast %squeeze3A_293 : i32 to vector<16xi32>
          %add3A_295 = arith.addi %select_n3A_49, %add3A_294 : vector<16xi32>
          tpu.vector_store_idx %arg15[%add3A_295], %gather3A_291 masked %and3A_286 {add = true} : memref<32768xf32, #tpu.memory_space<vmem>>[vector<16xi32>], vector<16xf32>, vector<16xi1>
          %mul3A_296 = arith.constant 16 : i32
          %mul3A_297 = arith.muli %while3A_227, %mul3A_296 : i32
          %add3A_298 = arith.constant 4 : i32
          %add3A_299 = arith.addi %mul3A_297, %add3A_298 : i32
          %lt3A_300 = arith.cmpi slt, %add3A_299, %scan3A_57 : i32
          %and3A_301 = vector.broadcast %lt3A_300 : i1 to vector<16xi1>
          %and3A_302 = arith.andi %lt3A_38, %and3A_301 : vector<16xi1>
          %slice3A_303 = vector.extract_strided_slice %get3A_230 {offsets = [4], sizes = [1], strides = [1]} : vector<16xi32> to vector<1xi32>
          %squeeze3A_304 = vector.extract %slice3A_303[0] : i32 from vector<1xi32>
          %add3A_305 = vector.broadcast %squeeze3A_304 : i32 to vector<16xi32>
          %add3A_306 = arith.addi %select_n3A_43, %add3A_305 : vector<16xi32>
          %gather3A_307 = tpu.vector_load_idx %arg13[%add3A_306] masked %and3A_302 : memref<2048xf32, #tpu.memory_space<vmem>>[vector<16xi32>], vector<16xf32>, vector<16xi1>
          %slice3A_308 = vector.extract_strided_slice %get3A_234 {offsets = [4], sizes = [1], strides = [1]} : vector<16xi32> to vector<1xi32>
          %squeeze3A_309 = vector.extract %slice3A_308[0] : i32 from vector<1xi32>
          %add3A_310 = vector.broadcast %squeeze3A_309 : i32 to vector<16xi32>
          %add3A_311 = arith.addi %select_n3A_49, %add3A_310 : vector<16xi32>
          tpu.vector_store_idx %arg15[%add3A_311], %gather3A_307 masked %and3A_302 {add = true} : memref<32768xf32, #tpu.memory_space<vmem>>[vector<16xi32>], vector<16xf32>, vector<16xi1>
          %mul3A_312 = arith.constant 16 : i32
          %mul3A_313 = arith.muli %while3A_227, %mul3A_312 : i32
          %add3A_314 = arith.constant 5 : i32
          %add3A_315 = arith.addi %mul3A_313, %add3A_314 : i32
          %lt3A_316 = arith.cmpi slt, %add3A_315, %scan3A_57 : i32
          %and3A_317 = vector.broadcast %lt3A_316 : i1 to vector<16xi1>
          %and3A_318 = arith.andi %lt3A_38, %and3A_317 : vector<16xi1>
          %slice3A_319 = vector.extract_strided_slice %get3A_230 {offsets = [5], sizes = [1], strides = [1]} : vector<16xi32> to vector<1xi32>
          %squeeze3A_320 = vector.extract %slice3A_319[0] : i32 from vector<1xi32>
          %add3A_321 = vector.broadcast %squeeze3A_320 : i32 to vector<16xi32>
          %add3A_322 = arith.addi %select_n3A_43, %add3A_321 : vector<16xi32>
          %gather3A_323 = tpu.vector_load_idx %arg13[%add3A_322] masked %and3A_318 : memref<2048xf32, #tpu.memory_space<vmem>>[vector<16xi32>], vector<16xf32>, vector<16xi1>
          %slice3A_324 = vector.extract_strided_slice %get3A_234 {offsets = [5], sizes = [1], strides = [1]} : vector<16xi32> to vector<1xi32>
          %squeeze3A_325 = vector.extract %slice3A_324[0] : i32 from vector<1xi32>
          %add3A_326 = vector.broadcast %squeeze3A_325 : i32 to vector<16xi32>
          %add3A_327 = arith.addi %select_n3A_49, %add3A_326 : vector<16xi32>
          tpu.vector_store_idx %arg15[%add3A_327], %gather3A_323 masked %and3A_318 {add = true} : memref<32768xf32, #tpu.memory_space<vmem>>[vector<16xi32>], vector<16xf32>, vector<16xi1>
          %mul3A_328 = arith.constant 16 : i32
          %mul3A_329 = arith.muli %while3A_227, %mul3A_328 : i32
          %add3A_330 = arith.constant 6 : i32
          %add3A_331 = arith.addi %mul3A_329, %add3A_330 : i32
          %lt3A_332 = arith.cmpi slt, %add3A_331, %scan3A_57 : i32
          %and3A_333 = vector.broadcast %lt3A_332 : i1 to vector<16xi1>
          %and3A_334 = arith.andi %lt3A_38, %and3A_333 : vector<16xi1>
          %slice3A_335 = vector.extract_strided_slice %get3A_230 {offsets = [6], sizes = [1], strides = [1]} : vector<16xi32> to vector<1xi32>
          %squeeze3A_336 = vector.extract %slice3A_335[0] : i32 from vector<1xi32>
          %add3A_337 = vector.broadcast %squeeze3A_336 : i32 to vector<16xi32>
          %add3A_338 = arith.addi %select_n3A_43, %add3A_337 : vector<16xi32>
          %gather3A_339 = tpu.vector_load_idx %arg13[%add3A_338] masked %and3A_334 : memref<2048xf32, #tpu.memory_space<vmem>>[vector<16xi32>], vector<16xf32>, vector<16xi1>
          %slice3A_340 = vector.extract_strided_slice %get3A_234 {offsets = [6], sizes = [1], strides = [1]} : vector<16xi32> to vector<1xi32>
          %squeeze3A_341 = vector.extract %slice3A_340[0] : i32 from vector<1xi32>
          %add3A_342 = vector.broadcast %squeeze3A_341 : i32 to vector<16xi32>
          %add3A_343 = arith.addi %select_n3A_49, %add3A_342 : vector<16xi32>
          tpu.vector_store_idx %arg15[%add3A_343], %gather3A_339 masked %and3A_334 {add = true} : memref<32768xf32, #tpu.memory_space<vmem>>[vector<16xi32>], vector<16xf32>, vector<16xi1>
          %mul3A_344 = arith.constant 16 : i32
          %mul3A_345 = arith.muli %while3A_227, %mul3A_344 : i32
          %add3A_346 = arith.constant 7 : i32
          %add3A_347 = arith.addi %mul3A_345, %add3A_346 : i32
          %lt3A_348 = arith.cmpi slt, %add3A_347, %scan3A_57 : i32
          %and3A_349 = vector.broadcast %lt3A_348 : i1 to vector<16xi1>
          %and3A_350 = arith.andi %lt3A_38, %and3A_349 : vector<16xi1>
          %slice3A_351 = vector.extract_strided_slice %get3A_230 {offsets = [7], sizes = [1], strides = [1]} : vector<16xi32> to vector<1xi32>
          %squeeze3A_352 = vector.extract %slice3A_351[0] : i32 from vector<1xi32>
          %add3A_353 = vector.broadcast %squeeze3A_352 : i32 to vector<16xi32>
          %add3A_354 = arith.addi %select_n3A_43, %add3A_353 : vector<16xi32>
          %gather3A_355 = tpu.vector_load_idx %arg13[%add3A_354] masked %and3A_350 : memref<2048xf32, #tpu.memory_space<vmem>>[vector<16xi32>], vector<16xf32>, vector<16xi1>
          %slice3A_356 = vector.extract_strided_slice %get3A_234 {offsets = [7], sizes = [1], strides = [1]} : vector<16xi32> to vector<1xi32>
          %squeeze3A_357 = vector.extract %slice3A_356[0] : i32 from vector<1xi32>
          %add3A_358 = vector.broadcast %squeeze3A_357 : i32 to vector<16xi32>
          %add3A_359 = arith.addi %select_n3A_49, %add3A_358 : vector<16xi32>
          tpu.vector_store_idx %arg15[%add3A_359], %gather3A_355 masked %and3A_350 {add = true} : memref<32768xf32, #tpu.memory_space<vmem>>[vector<16xi32>], vector<16xf32>, vector<16xi1>
          %mul3A_360 = arith.constant 16 : i32
          %mul3A_361 = arith.muli %while3A_227, %mul3A_360 : i32
          %add3A_362 = arith.constant 8 : i32
          %add3A_363 = arith.addi %mul3A_361, %add3A_362 : i32
          %lt3A_364 = arith.cmpi slt, %add3A_363, %scan3A_57 : i32
          %and3A_365 = vector.broadcast %lt3A_364 : i1 to vector<16xi1>
          %and3A_366 = arith.andi %lt3A_38, %and3A_365 : vector<16xi1>
          %slice3A_367 = vector.extract_strided_slice %get3A_230 {offsets = [8], sizes = [1], strides = [1]} : vector<16xi32> to vector<1xi32>
          %squeeze3A_368 = vector.extract %slice3A_367[0] : i32 from vector<1xi32>
          %add3A_369 = vector.broadcast %squeeze3A_368 : i32 to vector<16xi32>
          %add3A_370 = arith.addi %select_n3A_43, %add3A_369 : vector<16xi32>
          %gather3A_371 = tpu.vector_load_idx %arg13[%add3A_370] masked %and3A_366 : memref<2048xf32, #tpu.memory_space<vmem>>[vector<16xi32>], vector<16xf32>, vector<16xi1>
          %slice3A_372 = vector.extract_strided_slice %get3A_234 {offsets = [8], sizes = [1], strides = [1]} : vector<16xi32> to vector<1xi32>
          %squeeze3A_373 = vector.extract %slice3A_372[0] : i32 from vector<1xi32>
          %add3A_374 = vector.broadcast %squeeze3A_373 : i32 to vector<16xi32>
          %add3A_375 = arith.addi %select_n3A_49, %add3A_374 : vector<16xi32>
          tpu.vector_store_idx %arg15[%add3A_375], %gather3A_371 masked %and3A_366 {add = true} : memref<32768xf32, #tpu.memory_space<vmem>>[vector<16xi32>], vector<16xf32>, vector<16xi1>
          %mul3A_376 = arith.constant 16 : i32
          %mul3A_377 = arith.muli %while3A_227, %mul3A_376 : i32
          %add3A_378 = arith.constant 9 : i32
          %add3A_379 = arith.addi %mul3A_377, %add3A_378 : i32
          %lt3A_380 = arith.cmpi slt, %add3A_379, %scan3A_57 : i32
          %and3A_381 = vector.broadcast %lt3A_380 : i1 to vector<16xi1>
          %and3A_382 = arith.andi %lt3A_38, %and3A_381 : vector<16xi1>
          %slice3A_383 = vector.extract_strided_slice %get3A_230 {offsets = [9], sizes = [1], strides = [1]} : vector<16xi32> to vector<1xi32>
          %squeeze3A_384 = vector.extract %slice3A_383[0] : i32 from vector<1xi32>
          %add3A_385 = vector.broadcast %squeeze3A_384 : i32 to vector<16xi32>
          %add3A_386 = arith.addi %select_n3A_43, %add3A_385 : vector<16xi32>
          %gather3A_387 = tpu.vector_load_idx %arg13[%add3A_386] masked %and3A_382 : memref<2048xf32, #tpu.memory_space<vmem>>[vector<16xi32>], vector<16xf32>, vector<16xi1>
          %slice3A_388 = vector.extract_strided_slice %get3A_234 {offsets = [9], sizes = [1], strides = [1]} : vector<16xi32> to vector<1xi32>
          %squeeze3A_389 = vector.extract %slice3A_388[0] : i32 from vector<1xi32>
          %add3A_390 = vector.broadcast %squeeze3A_389 : i32 to vector<16xi32>
          %add3A_391 = arith.addi %select_n3A_49, %add3A_390 : vector<16xi32>
          tpu.vector_store_idx %arg15[%add3A_391], %gather3A_387 masked %and3A_382 {add = true} : memref<32768xf32, #tpu.memory_space<vmem>>[vector<16xi32>], vector<16xf32>, vector<16xi1>
          %mul3A_392 = arith.constant 16 : i32
          %mul3A_393 = arith.muli %while3A_227, %mul3A_392 : i32
          %add3A_394 = arith.constant 10 : i32
          %add3A_395 = arith.addi %mul3A_393, %add3A_394 : i32
          %lt3A_396 = arith.cmpi slt, %add3A_395, %scan3A_57 : i32
          %and3A_397 = vector.broadcast %lt3A_396 : i1 to vector<16xi1>
          %and3A_398 = arith.andi %lt3A_38, %and3A_397 : vector<16xi1>
          %slice3A_399 = vector.extract_strided_slice %get3A_230 {offsets = [10], sizes = [1], strides = [1]} : vector<16xi32> to vector<1xi32>
          %squeeze3A_400 = vector.extract %slice3A_399[0] : i32 from vector<1xi32>
          %add3A_401 = vector.broadcast %squeeze3A_400 : i32 to vector<16xi32>
          %add3A_402 = arith.addi %select_n3A_43, %add3A_401 : vector<16xi32>
          %gather3A_403 = tpu.vector_load_idx %arg13[%add3A_402] masked %and3A_398 : memref<2048xf32, #tpu.memory_space<vmem>>[vector<16xi32>], vector<16xf32>, vector<16xi1>
          %slice3A_404 = vector.extract_strided_slice %get3A_234 {offsets = [10], sizes = [1], strides = [1]} : vector<16xi32> to vector<1xi32>
          %squeeze3A_405 = vector.extract %slice3A_404[0] : i32 from vector<1xi32>
          %add3A_406 = vector.broadcast %squeeze3A_405 : i32 to vector<16xi32>
          %add3A_407 = arith.addi %select_n3A_49, %add3A_406 : vector<16xi32>
          tpu.vector_store_idx %arg15[%add3A_407], %gather3A_403 masked %and3A_398 {add = true} : memref<32768xf32, #tpu.memory_space<vmem>>[vector<16xi32>], vector<16xf32>, vector<16xi1>
          %mul3A_408 = arith.constant 16 : i32
          %mul3A_409 = arith.muli %while3A_227, %mul3A_408 : i32
          %add3A_410 = arith.constant 11 : i32
          %add3A_411 = arith.addi %mul3A_409, %add3A_410 : i32
          %lt3A_412 = arith.cmpi slt, %add3A_411, %scan3A_57 : i32
          %and3A_413 = vector.broadcast %lt3A_412 : i1 to vector<16xi1>
          %and3A_414 = arith.andi %lt3A_38, %and3A_413 : vector<16xi1>
          %slice3A_415 = vector.extract_strided_slice %get3A_230 {offsets = [11], sizes = [1], strides = [1]} : vector<16xi32> to vector<1xi32>
          %squeeze3A_416 = vector.extract %slice3A_415[0] : i32 from vector<1xi32>
          %add3A_417 = vector.broadcast %squeeze3A_416 : i32 to vector<16xi32>
          %add3A_418 = arith.addi %select_n3A_43, %add3A_417 : vector<16xi32>
          %gather3A_419 = tpu.vector_load_idx %arg13[%add3A_418] masked %and3A_414 : memref<2048xf32, #tpu.memory_space<vmem>>[vector<16xi32>], vector<16xf32>, vector<16xi1>
          %slice3A_420 = vector.extract_strided_slice %get3A_234 {offsets = [11], sizes = [1], strides = [1]} : vector<16xi32> to vector<1xi32>
          %squeeze3A_421 = vector.extract %slice3A_420[0] : i32 from vector<1xi32>
          %add3A_422 = vector.broadcast %squeeze3A_421 : i32 to vector<16xi32>
          %add3A_423 = arith.addi %select_n3A_49, %add3A_422 : vector<16xi32>
          tpu.vector_store_idx %arg15[%add3A_423], %gather3A_419 masked %and3A_414 {add = true} : memref<32768xf32, #tpu.memory_space<vmem>>[vector<16xi32>], vector<16xf32>, vector<16xi1>
          %mul3A_424 = arith.constant 16 : i32
          %mul3A_425 = arith.muli %while3A_227, %mul3A_424 : i32
          %add3A_426 = arith.constant 12 : i32
          %add3A_427 = arith.addi %mul3A_425, %add3A_426 : i32
          %lt3A_428 = arith.cmpi slt, %add3A_427, %scan3A_57 : i32
          %and3A_429 = vector.broadcast %lt3A_428 : i1 to vector<16xi1>
          %and3A_430 = arith.andi %lt3A_38, %and3A_429 : vector<16xi1>
          %slice3A_431 = vector.extract_strided_slice %get3A_230 {offsets = [12], sizes = [1], strides = [1]} : vector<16xi32> to vector<1xi32>
          %squeeze3A_432 = vector.extract %slice3A_431[0] : i32 from vector<1xi32>
          %add3A_433 = vector.broadcast %squeeze3A_432 : i32 to vector<16xi32>
          %add3A_434 = arith.addi %select_n3A_43, %add3A_433 : vector<16xi32>
          %gather3A_435 = tpu.vector_load_idx %arg13[%add3A_434] masked %and3A_430 : memref<2048xf32, #tpu.memory_space<vmem>>[vector<16xi32>], vector<16xf32>, vector<16xi1>
          %slice3A_436 = vector.extract_strided_slice %get3A_234 {offsets = [12], sizes = [1], strides = [1]} : vector<16xi32> to vector<1xi32>
          %squeeze3A_437 = vector.extract %slice3A_436[0] : i32 from vector<1xi32>
          %add3A_438 = vector.broadcast %squeeze3A_437 : i32 to vector<16xi32>
          %add3A_439 = arith.addi %select_n3A_49, %add3A_438 : vector<16xi32>
          tpu.vector_store_idx %arg15[%add3A_439], %gather3A_435 masked %and3A_430 {add = true} : memref<32768xf32, #tpu.memory_space<vmem>>[vector<16xi32>], vector<16xf32>, vector<16xi1>
          %mul3A_440 = arith.constant 16 : i32
          %mul3A_441 = arith.muli %while3A_227, %mul3A_440 : i32
          %add3A_442 = arith.constant 13 : i32
          %add3A_443 = arith.addi %mul3A_441, %add3A_442 : i32
          %lt3A_444 = arith.cmpi slt, %add3A_443, %scan3A_57 : i32
          %and3A_445 = vector.broadcast %lt3A_444 : i1 to vector<16xi1>
          %and3A_446 = arith.andi %lt3A_38, %and3A_445 : vector<16xi1>
          %slice3A_447 = vector.extract_strided_slice %get3A_230 {offsets = [13], sizes = [1], strides = [1]} : vector<16xi32> to vector<1xi32>
          %squeeze3A_448 = vector.extract %slice3A_447[0] : i32 from vector<1xi32>
          %add3A_449 = vector.broadcast %squeeze3A_448 : i32 to vector<16xi32>
          %add3A_450 = arith.addi %select_n3A_43, %add3A_449 : vector<16xi32>
          %gather3A_451 = tpu.vector_load_idx %arg13[%add3A_450] masked %and3A_446 : memref<2048xf32, #tpu.memory_space<vmem>>[vector<16xi32>], vector<16xf32>, vector<16xi1>
          %slice3A_452 = vector.extract_strided_slice %get3A_234 {offsets = [13], sizes = [1], strides = [1]} : vector<16xi32> to vector<1xi32>
          %squeeze3A_453 = vector.extract %slice3A_452[0] : i32 from vector<1xi32>
          %add3A_454 = vector.broadcast %squeeze3A_453 : i32 to vector<16xi32>
          %add3A_455 = arith.addi %select_n3A_49, %add3A_454 : vector<16xi32>
          tpu.vector_store_idx %arg15[%add3A_455], %gather3A_451 masked %and3A_446 {add = true} : memref<32768xf32, #tpu.memory_space<vmem>>[vector<16xi32>], vector<16xf32>, vector<16xi1>
          %mul3A_456 = arith.constant 16 : i32
          %mul3A_457 = arith.muli %while3A_227, %mul3A_456 : i32
          %add3A_458 = arith.constant 14 : i32
          %add3A_459 = arith.addi %mul3A_457, %add3A_458 : i32
          %lt3A_460 = arith.cmpi slt, %add3A_459, %scan3A_57 : i32
          %and3A_461 = vector.broadcast %lt3A_460 : i1 to vector<16xi1>
          %and3A_462 = arith.andi %lt3A_38, %and3A_461 : vector<16xi1>
          %slice3A_463 = vector.extract_strided_slice %get3A_230 {offsets = [14], sizes = [1], strides = [1]} : vector<16xi32> to vector<1xi32>
          %squeeze3A_464 = vector.extract %slice3A_463[0] : i32 from vector<1xi32>
          %add3A_465 = vector.broadcast %squeeze3A_464 : i32 to vector<16xi32>
          %add3A_466 = arith.addi %select_n3A_43, %add3A_465 : vector<16xi32>
          %gather3A_467 = tpu.vector_load_idx %arg13[%add3A_466] masked %and3A_462 : memref<2048xf32, #tpu.memory_space<vmem>>[vector<16xi32>], vector<16xf32>, vector<16xi1>
          %slice3A_468 = vector.extract_strided_slice %get3A_234 {offsets = [14], sizes = [1], strides = [1]} : vector<16xi32> to vector<1xi32>
          %squeeze3A_469 = vector.extract %slice3A_468[0] : i32 from vector<1xi32>
          %add3A_470 = vector.broadcast %squeeze3A_469 : i32 to vector<16xi32>
          %add3A_471 = arith.addi %select_n3A_49, %add3A_470 : vector<16xi32>
          tpu.vector_store_idx %arg15[%add3A_471], %gather3A_467 masked %and3A_462 {add = true} : memref<32768xf32, #tpu.memory_space<vmem>>[vector<16xi32>], vector<16xf32>, vector<16xi1>
          %mul3A_472 = arith.constant 16 : i32
          %mul3A_473 = arith.muli %while3A_227, %mul3A_472 : i32
          %add3A_474 = arith.constant 15 : i32
          %add3A_475 = arith.addi %mul3A_473, %add3A_474 : i32
          %lt3A_476 = arith.cmpi slt, %add3A_475, %scan3A_57 : i32
          %and3A_477 = vector.broadcast %lt3A_476 : i1 to vector<16xi1>
          %and3A_478 = arith.andi %lt3A_38, %and3A_477 : vector<16xi1>
          %slice3A_479 = vector.extract_strided_slice %get3A_230 {offsets = [15], sizes = [1], strides = [1]} : vector<16xi32> to vector<1xi32>
          %squeeze3A_480 = vector.extract %slice3A_479[0] : i32 from vector<1xi32>
          %add3A_481 = vector.broadcast %squeeze3A_480 : i32 to vector<16xi32>
          %add3A_482 = arith.addi %select_n3A_43, %add3A_481 : vector<16xi32>
          %gather3A_483 = tpu.vector_load_idx %arg13[%add3A_482] masked %and3A_478 : memref<2048xf32, #tpu.memory_space<vmem>>[vector<16xi32>], vector<16xf32>, vector<16xi1>
          %slice3A_484 = vector.extract_strided_slice %get3A_234 {offsets = [15], sizes = [1], strides = [1]} : vector<16xi32> to vector<1xi32>
          %squeeze3A_485 = vector.extract %slice3A_484[0] : i32 from vector<1xi32>
          %add3A_486 = vector.broadcast %squeeze3A_485 : i32 to vector<16xi32>
          %add3A_487 = arith.addi %select_n3A_49, %add3A_486 : vector<16xi32>
          tpu.vector_store_idx %arg15[%add3A_487], %gather3A_483 masked %and3A_478 {add = true} : memref<32768xf32, #tpu.memory_space<vmem>>[vector<16xi32>], vector<16xf32>, vector<16xi1>
        }
        %while3A_226 = arith.constant 1 : i32
        scf.for %while3A_227 = %while3A_224 to %while3A_220 step %while3A_226  : i32 {
          %mul3A_228 = arith.constant 16 : i32
          %mul3A_229 = arith.muli %while3A_227, %mul3A_228 : i32
          %get3A = arith.index_cast %mul3A_229 : i32 to index
          %get3A_230 = tpu.vector_load %arg10[%get3A] {strides = array<i32>} : memref<1040xi32, #tpu.memory_space<vmem>>, vector<16xi32>,
          %mul3A_231 = arith.constant 16 : i32
          %mul3A_232 = arith.muli %while3A_227, %mul3A_231 : i32
          %get3A_233 = arith.index_cast %mul3A_232 : i32 to index
          %get3A_234 = tpu.vector_load %arg11[%get3A_233] {strides = array<i32>} : memref<1040xi32, #tpu.memory_space<vmem>>, vector<16xi32>,
          %mul3A_235 = arith.constant 16 : i32
          %mul3A_236 = arith.muli %while3A_227, %mul3A_235 : i32
          %add3A_237 = arith.constant 0 : i32
          %add3A_238 = arith.addi %mul3A_236, %add3A_237 : i32
          %lt3A_239 = arith.cmpi slt, %add3A_238, %scan3A_57 : i32
          %and3A_240 = vector.broadcast %lt3A_239 : i1 to vector<16xi1>
          %and3A_241 = arith.andi %lt3A_38, %and3A_240 : vector<16xi1>
          %slice3A = vector.extract_strided_slice %get3A_230 {offsets = [0], sizes = [1], strides = [1]} : vector<16xi32> to vector<1xi32>
          %squeeze3A = vector.extract %slice3A[0] : i32 from vector<1xi32>
          %add3A_242 = vector.broadcast %squeeze3A : i32 to vector<16xi32>
          %add3A_243 = arith.addi %select_n3A_43, %add3A_242 : vector<16xi32>
          %gather3A = tpu.vector_load_idx %arg13[%add3A_243] masked %and3A_241 : memref<2048xf32, #tpu.memory_space<vmem>>[vector<16xi32>], vector<16xf32>, vector<16xi1>
          %slice3A_244 = vector.extract_strided_slice %get3A_234 {offsets = [0], sizes = [1], strides = [1]} : vector<16xi32> to vector<1xi32>
          %squeeze3A_245 = vector.extract %slice3A_244[0] : i32 from vector<1xi32>
          %add3A_246 = vector.broadcast %squeeze3A_245 : i32 to vector<16xi32>
          %add3A_247 = arith.addi %select_n3A_49, %add3A_246 : vector<16xi32>
          tpu.vector_store_idx %arg15[%add3A_247], %gather3A masked %and3A_241 {add = true} : memref<32768xf32, #tpu.memory_space<vmem>>[vector<16xi32>], vector<16xf32>, vector<16xi1>
          %mul3A_248 = arith.constant 16 : i32
          %mul3A_249 = arith.muli %while3A_227, %mul3A_248 : i32
          %add3A_250 = arith.constant 1 : i32
          %add3A_251 = arith.addi %mul3A_249, %add3A_250 : i32
          %lt3A_252 = arith.cmpi slt, %add3A_251, %scan3A_57 : i32
          %and3A_253 = vector.broadcast %lt3A_252 : i1 to vector<16xi1>
          %and3A_254 = arith.andi %lt3A_38, %and3A_253 : vector<16xi1>
          %slice3A_255 = vector.extract_strided_slice %get3A_230 {offsets = [1], sizes = [1], strides = [1]} : vector<16xi32> to vector<1xi32>
          %squeeze3A_256 = vector.extract %slice3A_255[0] : i32 from vector<1xi32>
          %add3A_257 = vector.broadcast %squeeze3A_256 : i32 to vector<16xi32>
          %add3A_258 = arith.addi %select_n3A_43, %add3A_257 : vector<16xi32>
          %gather3A_259 = tpu.vector_load_idx %arg13[%add3A_258] masked %and3A_254 : memref<2048xf32, #tpu.memory_space<vmem>>[vector<16xi32>], vector<16xf32>, vector<16xi1>
          %slice3A_260 = vector.extract_strided_slice %get3A_234 {offsets = [1], sizes = [1], strides = [1]} : vector<16xi32> to vector<1xi32>
          %squeeze3A_261 = vector.extract %slice3A_260[0] : i32 from vector<1xi32>
          %add3A_262 = vector.broadcast %squeeze3A_261 : i32 to vector<16xi32>
          %add3A_263 = arith.addi %select_n3A_49, %add3A_262 : vector<16xi32>
          tpu.vector_store_idx %arg15[%add3A_263], %gather3A_259 masked %and3A_254 {add = true} : memref<32768xf32, #tpu.memory_space<vmem>>[vector<16xi32>], vector<16xf32>, vector<16xi1>
          %mul3A_264 = arith.constant 16 : i32
          %mul3A_265 = arith.muli %while3A_227, %mul3A_264 : i32
          %add3A_266 = arith.constant 2 : i32
          %add3A_267 = arith.addi %mul3A_265, %add3A_266 : i32
          %lt3A_268 = arith.cmpi slt, %add3A_267, %scan3A_57 : i32
          %and3A_269 = vector.broadcast %lt3A_268 : i1 to vector<16xi1>
          %and3A_270 = arith.andi %lt3A_38, %and3A_269 : vector<16xi1>
          %slice3A_271 = vector.extract_strided_slice %get3A_230 {offsets = [2], sizes = [1], strides = [1]} : vector<16xi32> to vector<1xi32>
          %squeeze3A_272 = vector.extract %slice3A_271[0] : i32 from vector<1xi32>
          %add3A_273 = vector.broadcast %squeeze3A_272 : i32 to vector<16xi32>
          %add3A_274 = arith.addi %select_n3A_43, %add3A_273 : vector<16xi32>
          %gather3A_275 = tpu.vector_load_idx %arg13[%add3A_274] masked %and3A_270 : memref<2048xf32, #tpu.memory_space<vmem>>[vector<16xi32>], vector<16xf32>, vector<16xi1>
          %slice3A_276 = vector.extract_strided_slice %get3A_234 {offsets = [2], sizes = [1], strides = [1]} : vector<16xi32> to vector<1xi32>
          %squeeze3A_277 = vector.extract %slice3A_276[0] : i32 from vector<1xi32>
          %add3A_278 = vector.broadcast %squeeze3A_277 : i32 to vector<16xi32>
          %add3A_279 = arith.addi %select_n3A_49, %add3A_278 : vector<16xi32>
          tpu.vector_store_idx %arg15[%add3A_279], %gather3A_275 masked %and3A_270 {add = true} : memref<32768xf32, #tpu.memory_space<vmem>>[vector<16xi32>], vector<16xf32>, vector<16xi1>
          %mul3A_280 = arith.constant 16 : i32
          %mul3A_281 = arith.muli %while3A_227, %mul3A_280 : i32
          %add3A_282 = arith.constant 3 : i32
          %add3A_283 = arith.addi %mul3A_281, %add3A_282 : i32
          %lt3A_284 = arith.cmpi slt, %add3A_283, %scan3A_57 : i32
          %and3A_285 = vector.broadcast %lt3A_284 : i1 to vector<16xi1>
          %and3A_286 = arith.andi %lt3A_38, %and3A_285 : vector<16xi1>
          %slice3A_287 = vector.extract_strided_slice %get3A_230 {offsets = [3], sizes = [1], strides = [1]} : vector<16xi32> to vector<1xi32>
          %squeeze3A_288 = vector.extract %slice3A_287[0] : i32 from vector<1xi32>
          %add3A_289 = vector.broadcast %squeeze3A_288 : i32 to vector<16xi32>
          %add3A_290 = arith.addi %select_n3A_43, %add3A_289 : vector<16xi32>
          %gather3A_291 = tpu.vector_load_idx %arg13[%add3A_290] masked %and3A_286 : memref<2048xf32, #tpu.memory_space<vmem>>[vector<16xi32>], vector<16xf32>, vector<16xi1>
          %slice3A_292 = vector.extract_strided_slice %get3A_234 {offsets = [3], sizes = [1], strides = [1]} : vector<16xi32> to vector<1xi32>
          %squeeze3A_293 = vector.extract %slice3A_292[0] : i32 from vector<1xi32>
          %add3A_294 = vector.broadcast %squeeze3A_293 : i32 to vector<16xi32>
          %add3A_295 = arith.addi %select_n3A_49, %add3A_294 : vector<16xi32>
          tpu.vector_store_idx %arg15[%add3A_295], %gather3A_291 masked %and3A_286 {add = true} : memref<32768xf32, #tpu.memory_space<vmem>>[vector<16xi32>], vector<16xf32>, vector<16xi1>
          %mul3A_296 = arith.constant 16 : i32
          %mul3A_297 = arith.muli %while3A_227, %mul3A_296 : i32
          %add3A_298 = arith.constant 4 : i32
          %add3A_299 = arith.addi %mul3A_297, %add3A_298 : i32
          %lt3A_300 = arith.cmpi slt, %add3A_299, %scan3A_57 : i32
          %and3A_301 = vector.broadcast %lt3A_300 : i1 to vector<16xi1>
          %and3A_302 = arith.andi %lt3A_38, %and3A_301 : vector<16xi1>
          %slice3A_303 = vector.extract_strided_slice %get3A_230 {offsets = [4], sizes = [1], strides = [1]} : vector<16xi32> to vector<1xi32>
          %squeeze3A_304 = vector.extract %slice3A_303[0] : i32 from vector<1xi32>
          %add3A_305 = vector.broadcast %squeeze3A_304 : i32 to vector<16xi32>
          %add3A_306 = arith.addi %select_n3A_43, %add3A_305 : vector<16xi32>
          %gather3A_307 = tpu.vector_load_idx %arg13[%add3A_306] masked %and3A_302 : memref<2048xf32, #tpu.memory_space<vmem>>[vector<16xi32>], vector<16xf32>, vector<16xi1>
          %slice3A_308 = vector.extract_strided_slice %get3A_234 {offsets = [4], sizes = [1], strides = [1]} : vector<16xi32> to vector<1xi32>
          %squeeze3A_309 = vector.extract %slice3A_308[0] : i32 from vector<1xi32>
          %add3A_310 = vector.broadcast %squeeze3A_309 : i32 to vector<16xi32>
          %add3A_311 = arith.addi %select_n3A_49, %add3A_310 : vector<16xi32>
          tpu.vector_store_idx %arg15[%add3A_311], %gather3A_307 masked %and3A_302 {add = true} : memref<32768xf32, #tpu.memory_space<vmem>>[vector<16xi32>], vector<16xf32>, vector<16xi1>
          %mul3A_312 = arith.constant 16 : i32
          %mul3A_313 = arith.muli %while3A_227, %mul3A_312 : i32
          %add3A_314 = arith.constant 5 : i32
          %add3A_315 = arith.addi %mul3A_313, %add3A_314 : i32
          %lt3A_316 = arith.cmpi slt, %add3A_315, %scan3A_57 : i32
          %and3A_317 = vector.broadcast %lt3A_316 : i1 to vector<16xi1>
          %and3A_318 = arith.andi %lt3A_38, %and3A_317 : vector<16xi1>
          %slice3A_319 = vector.extract_strided_slice %get3A_230 {offsets = [5], sizes = [1], strides = [1]} : vector<16xi32> to vector<1xi32>
          %squeeze3A_320 = vector.extract %slice3A_319[0] : i32 from vector<1xi32>
          %add3A_321 = vector.broadcast %squeeze3A_320 : i32 to vector<16xi32>
          %add3A_322 = arith.addi %select_n3A_43, %add3A_321 : vector<16xi32>
          %gather3A_323 = tpu.vector_load_idx %arg13[%add3A_322] masked %and3A_318 : memref<2048xf32, #tpu.memory_space<vmem>>[vector<16xi32>], vector<16xf32>, vector<16xi1>
          %slice3A_324 = vector.extract_strided_slice %get3A_234 {offsets = [5], sizes = [1], strides = [1]} : vector<16xi32> to vector<1xi32>
          %squeeze3A_325 = vector.extract %slice3A_324[0] : i32 from vector<1xi32>
          %add3A_326 = vector.broadcast %squeeze3A_325 : i32 to vector<16xi32>
          %add3A_327 = arith.addi %select_n3A_49, %add3A_326 : vector<16xi32>
          tpu.vector_store_idx %arg15[%add3A_327], %gather3A_323 masked %and3A_318 {add = true} : memref<32768xf32, #tpu.memory_space<vmem>>[vector<16xi32>], vector<16xf32>, vector<16xi1>
          %mul3A_328 = arith.constant 16 : i32
          %mul3A_329 = arith.muli %while3A_227, %mul3A_328 : i32
          %add3A_330 = arith.constant 6 : i32
          %add3A_331 = arith.addi %mul3A_329, %add3A_330 : i32
          %lt3A_332 = arith.cmpi slt, %add3A_331, %scan3A_57 : i32
          %and3A_333 = vector.broadcast %lt3A_332 : i1 to vector<16xi1>
          %and3A_334 = arith.andi %lt3A_38, %and3A_333 : vector<16xi1>
          %slice3A_335 = vector.extract_strided_slice %get3A_230 {offsets = [6], sizes = [1], strides = [1]} : vector<16xi32> to vector<1xi32>
          %squeeze3A_336 = vector.extract %slice3A_335[0] : i32 from vector<1xi32>
          %add3A_337 = vector.broadcast %squeeze3A_336 : i32 to vector<16xi32>
          %add3A_338 = arith.addi %select_n3A_43, %add3A_337 : vector<16xi32>
          %gather3A_339 = tpu.vector_load_idx %arg13[%add3A_338] masked %and3A_334 : memref<2048xf32, #tpu.memory_space<vmem>>[vector<16xi32>], vector<16xf32>, vector<16xi1>
          %slice3A_340 = vector.extract_strided_slice %get3A_234 {offsets = [6], sizes = [1], strides = [1]} : vector<16xi32> to vector<1xi32>
          %squeeze3A_341 = vector.extract %slice3A_340[0] : i32 from vector<1xi32>
          %add3A_342 = vector.broadcast %squeeze3A_341 : i32 to vector<16xi32>
          %add3A_343 = arith.addi %select_n3A_49, %add3A_342 : vector<16xi32>
          tpu.vector_store_idx %arg15[%add3A_343], %gather3A_339 masked %and3A_334 {add = true} : memref<32768xf32, #tpu.memory_space<vmem>>[vector<16xi32>], vector<16xf32>, vector<16xi1>
          %mul3A_344 = arith.constant 16 : i32
          %mul3A_345 = arith.muli %while3A_227, %mul3A_344 : i32
          %add3A_346 = arith.constant 7 : i32
          %add3A_347 = arith.addi %mul3A_345, %add3A_346 : i32
          %lt3A_348 = arith.cmpi slt, %add3A_347, %scan3A_57 : i32
          %and3A_349 = vector.broadcast %lt3A_348 : i1 to vector<16xi1>
          %and3A_350 = arith.andi %lt3A_38, %and3A_349 : vector<16xi1>
          %slice3A_351 = vector.extract_strided_slice %get3A_230 {offsets = [7], sizes = [1], strides = [1]} : vector<16xi32> to vector<1xi32>
          %squeeze3A_352 = vector.extract %slice3A_351[0] : i32 from vector<1xi32>
          %add3A_353 = vector.broadcast %squeeze3A_352 : i32 to vector<16xi32>
          %add3A_354 = arith.addi %select_n3A_43, %add3A_353 : vector<16xi32>
          %gather3A_355 = tpu.vector_load_idx %arg13[%add3A_354] masked %and3A_350 : memref<2048xf32, #tpu.memory_space<vmem>>[vector<16xi32>], vector<16xf32>, vector<16xi1>
          %slice3A_356 = vector.extract_strided_slice %get3A_234 {offsets = [7], sizes = [1], strides = [1]} : vector<16xi32> to vector<1xi32>
          %squeeze3A_357 = vector.extract %slice3A_356[0] : i32 from vector<1xi32>
          %add3A_358 = vector.broadcast %squeeze3A_357 : i32 to vector<16xi32>
          %add3A_359 = arith.addi %select_n3A_49, %add3A_358 : vector<16xi32>
          tpu.vector_store_idx %arg15[%add3A_359], %gather3A_355 masked %and3A_350 {add = true} : memref<32768xf32, #tpu.memory_space<vmem>>[vector<16xi32>], vector<16xf32>, vector<16xi1>
          %mul3A_360 = arith.constant 16 : i32
          %mul3A_361 = arith.muli %while3A_227, %mul3A_360 : i32
          %add3A_362 = arith.constant 8 : i32
          %add3A_363 = arith.addi %mul3A_361, %add3A_362 : i32
          %lt3A_364 = arith.cmpi slt, %add3A_363, %scan3A_57 : i32
          %and3A_365 = vector.broadcast %lt3A_364 : i1 to vector<16xi1>
          %and3A_366 = arith.andi %lt3A_38, %and3A_365 : vector<16xi1>
          %slice3A_367 = vector.extract_strided_slice %get3A_230 {offsets = [8], sizes = [1], strides = [1]} : vector<16xi32> to vector<1xi32>
          %squeeze3A_368 = vector.extract %slice3A_367[0] : i32 from vector<1xi32>
          %add3A_369 = vector.broadcast %squeeze3A_368 : i32 to vector<16xi32>
          %add3A_370 = arith.addi %select_n3A_43, %add3A_369 : vector<16xi32>
          %gather3A_371 = tpu.vector_load_idx %arg13[%add3A_370] masked %and3A_366 : memref<2048xf32, #tpu.memory_space<vmem>>[vector<16xi32>], vector<16xf32>, vector<16xi1>
          %slice3A_372 = vector.extract_strided_slice %get3A_234 {offsets = [8], sizes = [1], strides = [1]} : vector<16xi32> to vector<1xi32>
          %squeeze3A_373 = vector.extract %slice3A_372[0] : i32 from vector<1xi32>
          %add3A_374 = vector.broadcast %squeeze3A_373 : i32 to vector<16xi32>
          %add3A_375 = arith.addi %select_n3A_49, %add3A_374 : vector<16xi32>
          tpu.vector_store_idx %arg15[%add3A_375], %gather3A_371 masked %and3A_366 {add = true} : memref<32768xf32, #tpu.memory_space<vmem>>[vector<16xi32>], vector<16xf32>, vector<16xi1>
          %mul3A_376 = arith.constant 16 : i32
          %mul3A_377 = arith.muli %while3A_227, %mul3A_376 : i32
          %add3A_378 = arith.constant 9 : i32
          %add3A_379 = arith.addi %mul3A_377, %add3A_378 : i32
          %lt3A_380 = arith.cmpi slt, %add3A_379, %scan3A_57 : i32
          %and3A_381 = vector.broadcast %lt3A_380 : i1 to vector<16xi1>
          %and3A_382 = arith.andi %lt3A_38, %and3A_381 : vector<16xi1>
          %slice3A_383 = vector.extract_strided_slice %get3A_230 {offsets = [9], sizes = [1], strides = [1]} : vector<16xi32> to vector<1xi32>
          %squeeze3A_384 = vector.extract %slice3A_383[0] : i32 from vector<1xi32>
          %add3A_385 = vector.broadcast %squeeze3A_384 : i32 to vector<16xi32>
          %add3A_386 = arith.addi %select_n3A_43, %add3A_385 : vector<16xi32>
          %gather3A_387 = tpu.vector_load_idx %arg13[%add3A_386] masked %and3A_382 : memref<2048xf32, #tpu.memory_space<vmem>>[vector<16xi32>], vector<16xf32>, vector<16xi1>
          %slice3A_388 = vector.extract_strided_slice %get3A_234 {offsets = [9], sizes = [1], strides = [1]} : vector<16xi32> to vector<1xi32>
          %squeeze3A_389 = vector.extract %slice3A_388[0] : i32 from vector<1xi32>
          %add3A_390 = vector.broadcast %squeeze3A_389 : i32 to vector<16xi32>
          %add3A_391 = arith.addi %select_n3A_49, %add3A_390 : vector<16xi32>
          tpu.vector_store_idx %arg15[%add3A_391], %gather3A_387 masked %and3A_382 {add = true} : memref<32768xf32, #tpu.memory_space<vmem>>[vector<16xi32>], vector<16xf32>, vector<16xi1>
          %mul3A_392 = arith.constant 16 : i32
          %mul3A_393 = arith.muli %while3A_227, %mul3A_392 : i32
          %add3A_394 = arith.constant 10 : i32
          %add3A_395 = arith.addi %mul3A_393, %add3A_394 : i32
          %lt3A_396 = arith.cmpi slt, %add3A_395, %scan3A_57 : i32
          %and3A_397 = vector.broadcast %lt3A_396 : i1 to vector<16xi1>
          %and3A_398 = arith.andi %lt3A_38, %and3A_397 : vector<16xi1>
          %slice3A_399 = vector.extract_strided_slice %get3A_230 {offsets = [10], sizes = [1], strides = [1]} : vector<16xi32> to vector<1xi32>
          %squeeze3A_400 = vector.extract %slice3A_399[0] : i32 from vector<1xi32>
          %add3A_401 = vector.broadcast %squeeze3A_400 : i32 to vector<16xi32>
          %add3A_402 = arith.addi %select_n3A_43, %add3A_401 : vector<16xi32>
          %gather3A_403 = tpu.vector_load_idx %arg13[%add3A_402] masked %and3A_398 : memref<2048xf32, #tpu.memory_space<vmem>>[vector<16xi32>], vector<16xf32>, vector<16xi1>
          %slice3A_404 = vector.extract_strided_slice %get3A_234 {offsets = [10], sizes = [1], strides = [1]} : vector<16xi32> to vector<1xi32>
          %squeeze3A_405 = vector.extract %slice3A_404[0] : i32 from vector<1xi32>
          %add3A_406 = vector.broadcast %squeeze3A_405 : i32 to vector<16xi32>
          %add3A_407 = arith.addi %select_n3A_49, %add3A_406 : vector<16xi32>
          tpu.vector_store_idx %arg15[%add3A_407], %gather3A_403 masked %and3A_398 {add = true} : memref<32768xf32, #tpu.memory_space<vmem>>[vector<16xi32>], vector<16xf32>, vector<16xi1>
          %mul3A_408 = arith.constant 16 : i32
          %mul3A_409 = arith.muli %while3A_227, %mul3A_408 : i32
          %add3A_410 = arith.constant 11 : i32
          %add3A_411 = arith.addi %mul3A_409, %add3A_410 : i32
          %lt3A_412 = arith.cmpi slt, %add3A_411, %scan3A_57 : i32
          %and3A_413 = vector.broadcast %lt3A_412 : i1 to vector<16xi1>
          %and3A_414 = arith.andi %lt3A_38, %and3A_413 : vector<16xi1>
          %slice3A_415 = vector.extract_strided_slice %get3A_230 {offsets = [11], sizes = [1], strides = [1]} : vector<16xi32> to vector<1xi32>
          %squeeze3A_416 = vector.extract %slice3A_415[0] : i32 from vector<1xi32>
          %add3A_417 = vector.broadcast %squeeze3A_416 : i32 to vector<16xi32>
          %add3A_418 = arith.addi %select_n3A_43, %add3A_417 : vector<16xi32>
          %gather3A_419 = tpu.vector_load_idx %arg13[%add3A_418] masked %and3A_414 : memref<2048xf32, #tpu.memory_space<vmem>>[vector<16xi32>], vector<16xf32>, vector<16xi1>
          %slice3A_420 = vector.extract_strided_slice %get3A_234 {offsets = [11], sizes = [1], strides = [1]} : vector<16xi32> to vector<1xi32>
          %squeeze3A_421 = vector.extract %slice3A_420[0] : i32 from vector<1xi32>
          %add3A_422 = vector.broadcast %squeeze3A_421 : i32 to vector<16xi32>
          %add3A_423 = arith.addi %select_n3A_49, %add3A_422 : vector<16xi32>
          tpu.vector_store_idx %arg15[%add3A_423], %gather3A_419 masked %and3A_414 {add = true} : memref<32768xf32, #tpu.memory_space<vmem>>[vector<16xi32>], vector<16xf32>, vector<16xi1>
          %mul3A_424 = arith.constant 16 : i32
          %mul3A_425 = arith.muli %while3A_227, %mul3A_424 : i32
          %add3A_426 = arith.constant 12 : i32
          %add3A_427 = arith.addi %mul3A_425, %add3A_426 : i32
          %lt3A_428 = arith.cmpi slt, %add3A_427, %scan3A_57 : i32
          %and3A_429 = vector.broadcast %lt3A_428 : i1 to vector<16xi1>
          %and3A_430 = arith.andi %lt3A_38, %and3A_429 : vector<16xi1>
          %slice3A_431 = vector.extract_strided_slice %get3A_230 {offsets = [12], sizes = [1], strides = [1]} : vector<16xi32> to vector<1xi32>
          %squeeze3A_432 = vector.extract %slice3A_431[0] : i32 from vector<1xi32>
          %add3A_433 = vector.broadcast %squeeze3A_432 : i32 to vector<16xi32>
          %add3A_434 = arith.addi %select_n3A_43, %add3A_433 : vector<16xi32>
          %gather3A_435 = tpu.vector_load_idx %arg13[%add3A_434] masked %and3A_430 : memref<2048xf32, #tpu.memory_space<vmem>>[vector<16xi32>], vector<16xf32>, vector<16xi1>
          %slice3A_436 = vector.extract_strided_slice %get3A_234 {offsets = [12], sizes = [1], strides = [1]} : vector<16xi32> to vector<1xi32>
          %squeeze3A_437 = vector.extract %slice3A_436[0] : i32 from vector<1xi32>
          %add3A_438 = vector.broadcast %squeeze3A_437 : i32 to vector<16xi32>
          %add3A_439 = arith.addi %select_n3A_49, %add3A_438 : vector<16xi32>
          tpu.vector_store_idx %arg15[%add3A_439], %gather3A_435 masked %and3A_430 {add = true} : memref<32768xf32, #tpu.memory_space<vmem>>[vector<16xi32>], vector<16xf32>, vector<16xi1>
          %mul3A_440 = arith.constant 16 : i32
          %mul3A_441 = arith.muli %while3A_227, %mul3A_440 : i32
          %add3A_442 = arith.constant 13 : i32
          %add3A_443 = arith.addi %mul3A_441, %add3A_442 : i32
          %lt3A_444 = arith.cmpi slt, %add3A_443, %scan3A_57 : i32
          %and3A_445 = vector.broadcast %lt3A_444 : i1 to vector<16xi1>
          %and3A_446 = arith.andi %lt3A_38, %and3A_445 : vector<16xi1>
          %slice3A_447 = vector.extract_strided_slice %get3A_230 {offsets = [13], sizes = [1], strides = [1]} : vector<16xi32> to vector<1xi32>
          %squeeze3A_448 = vector.extract %slice3A_447[0] : i32 from vector<1xi32>
          %add3A_449 = vector.broadcast %squeeze3A_448 : i32 to vector<16xi32>
          %add3A_450 = arith.addi %select_n3A_43, %add3A_449 : vector<16xi32>
          %gather3A_451 = tpu.vector_load_idx %arg13[%add3A_450] masked %and3A_446 : memref<2048xf32, #tpu.memory_space<vmem>>[vector<16xi32>], vector<16xf32>, vector<16xi1>
          %slice3A_452 = vector.extract_strided_slice %get3A_234 {offsets = [13], sizes = [1], strides = [1]} : vector<16xi32> to vector<1xi32>
          %squeeze3A_453 = vector.extract %slice3A_452[0] : i32 from vector<1xi32>
          %add3A_454 = vector.broadcast %squeeze3A_453 : i32 to vector<16xi32>
          %add3A_455 = arith.addi %select_n3A_49, %add3A_454 : vector<16xi32>
          tpu.vector_store_idx %arg15[%add3A_455], %gather3A_451 masked %and3A_446 {add = true} : memref<32768xf32, #tpu.memory_space<vmem>>[vector<16xi32>], vector<16xf32>, vector<16xi1>
          %mul3A_456 = arith.constant 16 : i32
          %mul3A_457 = arith.muli %while3A_227, %mul3A_456 : i32
          %add3A_458 = arith.constant 14 : i32
          %add3A_459 = arith.addi %mul3A_457, %add3A_458 : i32
          %lt3A_460 = arith.cmpi slt, %add3A_459, %scan3A_57 : i32
          %and3A_461 = vector.broadcast %lt3A_460 : i1 to vector<16xi1>
          %and3A_462 = arith.andi %lt3A_38, %and3A_461 : vector<16xi1>
          %slice3A_463 = vector.extract_strided_slice %get3A_230 {offsets = [14], sizes = [1], strides = [1]} : vector<16xi32> to vector<1xi32>
          %squeeze3A_464 = vector.extract %slice3A_463[0] : i32 from vector<1xi32>
          %add3A_465 = vector.broadcast %squeeze3A_464 : i32 to vector<16xi32>
          %add3A_466 = arith.addi %select_n3A_43, %add3A_465 : vector<16xi32>
          %gather3A_467 = tpu.vector_load_idx %arg13[%add3A_466] masked %and3A_462 : memref<2048xf32, #tpu.memory_space<vmem>>[vector<16xi32>], vector<16xf32>, vector<16xi1>
          %slice3A_468 = vector.extract_strided_slice %get3A_234 {offsets = [14], sizes = [1], strides = [1]} : vector<16xi32> to vector<1xi32>
          %squeeze3A_469 = vector.extract %slice3A_468[0] : i32 from vector<1xi32>
          %add3A_470 = vector.broadcast %squeeze3A_469 : i32 to vector<16xi32>
          %add3A_471 = arith.addi %select_n3A_49, %add3A_470 : vector<16xi32>
          tpu.vector_store_idx %arg15[%add3A_471], %gather3A_467 masked %and3A_462 {add = true} : memref<32768xf32, #tpu.memory_space<vmem>>[vector<16xi32>], vector<16xf32>, vector<16xi1>
          %mul3A_472 = arith.constant 16 : i32
          %mul3A_473 = arith.muli %while3A_227, %mul3A_472 : i32
          %add3A_474 = arith.constant 15 : i32
          %add3A_475 = arith.addi %mul3A_473, %add3A_474 : i32
          %lt3A_476 = arith.cmpi slt, %add3A_475, %scan3A_57 : i32
          %and3A_477 = vector.broadcast %lt3A_476 : i1 to vector<16xi1>
          %and3A_478 = arith.andi %lt3A_38, %and3A_477 : vector<16xi1>
          %slice3A_479 = vector.extract_strided_slice %get3A_230 {offsets = [15], sizes = [1], strides = [1]} : vector<16xi32> to vector<1xi32>
          %squeeze3A_480 = vector.extract %slice3A_479[0] : i32 from vector<1xi32>
          %add3A_481 = vector.broadcast %squeeze3A_480 : i32 to vector<16xi32>
          %add3A_482 = arith.addi %select_n3A_43, %add3A_481 : vector<16xi32>
          %gather3A_483 = tpu.vector_load_idx %arg13[%add3A_482] masked %and3A_478 : memref<2048xf32, #tpu.memory_space<vmem>>[vector<16xi32>], vector<16xf32>, vector<16xi1>
          %slice3A_484 = vector.extract_strided_slice %get3A_234 {offsets = [15], sizes = [1], strides = [1]} : vector<16xi32> to vector<1xi32>
          %squeeze3A_485 = vector.extract %slice3A_484[0] : i32 from vector<1xi32>
          %add3A_486 = vector.broadcast %squeeze3A_485 : i32 to vector<16xi32>
          %add3A_487 = arith.addi %select_n3A_49, %add3A_486 : vector<16xi32>
          tpu.vector_store_idx %arg15[%add3A_487], %gather3A_483 masked %and3A_478 {add = true} : memref<32768xf32, #tpu.memory_space<vmem>>[vector<16xi32>], vector<16xf32>, vector<16xi1>
        }
      } else {
      }
      %dma_start3A_190 = tpu.memref_slice %arg5[%mul3A_152] : memref<33554432xf32, #tpu.memory_space<hbm>> -> memref<32768xf32, #tpu.memory_space<hbm>>
      %dma_start3A_191 = tpu.memref_slice %arg5[%mul3A_152] : memref<33554432xf32, #tpu.memory_space<hbm>> -> memref<32768xf32, #tpu.memory_space<hbm>>
      tpu.enqueue_dma source(%arg15 : memref<32768xf32, #tpu.memory_space<vmem>>) target(%dma_start3A_191 : memref<32768xf32, #tpu.memory_space<hbm>>) target_semaphore(%arg19 : memref<!tpu.dma_semaphore, #tpu.memory_space<semaphore_mem>>)
    }
    %scan3A_75 = arith.constant 16 : i32
    %dma_wait3A = arith.constant 0 : i32
    %dma_wait3A_76 = tpu.memref_slice %arg5[%dma_wait3A] : memref<33554432xf32, #tpu.memory_space<hbm>> -> memref<32768xf32, #tpu.memory_space<hbm>>
    %dma_wait3A_77 = arith.constant 0 : i32
    %dma_wait3A_78 = tpu.memref_slice %arg5[%dma_wait3A_77] : memref<33554432xf32, #tpu.memory_space<hbm>> -> memref<32768xf32, #tpu.memory_space<hbm>>
    tpu.wait_dma2 semaphore(%arg18 : memref<!tpu.dma_semaphore, #tpu.memory_space<semaphore_mem>>) src(%arg14 : memref<32768xf32, #tpu.memory_space<vmem>>) dst(%dma_wait3A_78 : memref<32768xf32, #tpu.memory_space<hbm>>)
    %dma_wait3A_79 = arith.constant 0 : i32
    %dma_wait3A_80 = tpu.memref_slice %arg5[%dma_wait3A_79] : memref<33554432xf32, #tpu.memory_space<hbm>> -> memref<32768xf32, #tpu.memory_space<hbm>>
    %dma_wait3A_81 = arith.constant 0 : i32
    %dma_wait3A_82 = tpu.memref_slice %arg5[%dma_wait3A_81] : memref<33554432xf32, #tpu.memory_space<hbm>> -> memref<32768xf32, #tpu.memory_space<hbm>>
    tpu.wait_dma2 semaphore(%arg19 : memref<!tpu.dma_semaphore, #tpu.memory_space<semaphore_mem>>) src(%arg15 : memref<32768xf32, #tpu.memory_space<vmem>>) dst(%dma_wait3A_82 : memref<32768xf32, #tpu.memory_space<hbm>>)
    %dma_wait3A_83 = arith.constant 0 : i32
    %dma_wait3A_84 = tpu.memref_slice %arg2[%select_n3A, %dma_wait3A_83] : memref<8x262144xf32, #tpu.memory_space<hbm>> -> memref<1x2048xf32, #tpu.memory_space<hbm>>
    %dma_wait3A_85 = tpu.memref_squeeze %dma_wait3A_84 : memref<1x2048xf32, #tpu.memory_space<hbm>> -> memref<2048xf32, #tpu.memory_space<hbm>>
    %dma_wait3A_86 = arith.constant 0 : i32
    %dma_wait3A_87 = tpu.memref_slice %arg2[%select_n3A, %dma_wait3A_86] : memref<8x262144xf32, #tpu.memory_space<hbm>> -> memref<1x2048xf32, #tpu.memory_space<hbm>>
    %dma_wait3A_88 = tpu.memref_squeeze %dma_wait3A_87 : memref<1x2048xf32, #tpu.memory_space<hbm>> -> memref<2048xf32, #tpu.memory_space<hbm>>
    tpu.wait_dma2 semaphore(%arg16 : memref<!tpu.dma_semaphore, #tpu.memory_space<semaphore_mem>>) src(%dma_wait3A_88 : memref<2048xf32, #tpu.memory_space<hbm>>) dst(%arg12 : memref<2048xf32, #tpu.memory_space<vmem>>)
    return
  }
}

</mosaic_0001>

<sc_bundles>
// kernel: kernel.3.cloned.1.call-start
scs
__scs_entry_jumppad:
0x0: {  	(pc) =	sbr.rel $0x88, $3  }
0x1: {  	(tag) =	ssettag $0x0;
	lr =	simm.s32 $0x1  }
0x2: {  	[smem:$0x3F9F] =	sst lr;
	_ =	strace $0xD0000000  }
0x3: {  	_ = 	snop  }
0x4: {  	_ = 	snop  }
0x5: {  	_ = 	snop  }
0x6: {  	_ = 	snop  }
0x7: {  	_ = 	snop  }
__scs_overlays_trampoline_lowered:
0x8: {  	[smem:$0x3FAE] =	sst s0  }
0x9: {  	[smem:$0x3FAF] =	sst s1  }
0xa: {  	[smem:$0x3FB0] =	sst s2  }
0xb: {  	[smem:$0x3FB1] =	sst s3  }
0xc: {  	[smem:$0x3FB2] =	sst s4  }
0xd: {  	[smem:$0x3FB3] =	sst s5  }
0xe: {  	[smem:$0x3FB4] =	sst s6  }
0xf: {  	[smem:$0x3FB5] =	sst s7  }
0x10: {  	[smem:$0x3FB6] =	sst s8  }
0x11: {  	[smem:$0x3FB7] =	sst s9;
	s0 =	simm.s32 @!p0 $0x0  }
0x12: {  	s1 =	sld [smem:$0x3F9D];
	s0 =	simm.s32 @p0 $0x1  }
0x13: {  	[smem:$0x3FB8] =	sst s0;
	s0 =	simm.s32 @!p1 $0x0  }
0x14: {  	s2 =	sld [smem:$0x3F9C];
	s0 =	simm.s32 @p1 $0x1  }
0x15: {  	[smem:$0x3FB9] =	sst s0;
	s0 =	simm.s32 @!p2 $0x0  }
0x16: {  	s3 =	sld [smem:$0x3FDB];
	s0 =	simm.s32 @p2 $0x1  }
0x17: {  	s4 =	simm.s32 $0x1BF5;
	[smem:$0x3FBB] =	sst s0  }
0x18: {  	s0 =	sld [smem:$0x3F9E];
	_ =	swait.ge [sflag:s4], $0x0  }
0x19: {  	s7 =	sld [smem:$0x3F9F]  }
0x1a: {  	s8 =	sadd.s32 $0xFFFFE003, lr  }
0x1b: {  	s9 =	sadd.s32 $0xFFFFFEF7, lr;
	s5 =	simm.s32 $0xFFFFFFFF;
	p2 =	slt.u32 s8, $0xFFFFF086  }
0x1c: {  	p1 =	slt.u32 s9, $0xF7A;
	s5 =	simm.s32 @!p2 $0x0  }
0x1d: {  	s5 =	simm.s32 @p1 $0x1;
	p0 =	seq.s32 s7, s2  }
0x1e: {  	s7 =	smul.u32 @!p0 $0xF7A, s2;
	p2 =	seq.s32 @!p0 s5, $0x0  }
0x1f: {  	s9 =	smul.u32 $0xF7A, s1;
	s8 =	simm.s32 @!p0 $0x1BF5;
	p2 =	por !p2, p0  }
0x20: {  	[sflag:s8] =	ssyncset.s32 @!p0 $0xFFFFF086;
	s6 =	sadd.s32 @!p0 s3, s7;
	s7 =	simm.s32 @!p0 $0x108  }
0x21: {  	s3 =	sadd.s32 s3, s9;
	s6 =	sadd.s32 @!p0 $0x88, s6;
	s7 =	simm.s32 @p2 $0x1082  }
0x22: {  	[simem:s7], [sflag:s8] =	dma.local @!p0 [hbm:s6], $0xF7A  }
0x23: {  	s9 =	sor.u32 $0xD0000000, s2;
	s6 =	simm.s32 $0x108;
	_ =	swait.ge @!p0 [sflag:s8], $0x0  }
0x24: {  	s3 =	sadd.s32 $0x88, s3;
	s6 =	simm.s32 @!p1 $0x1082;
	[sflag:s4] =	ssyncset.s32 $0xFFFFF086  }
0x25: {  	[simem:s6], [sflag:s4] =	dma.local [hbm:s3], $0xF7A  }
0x26: {  	[smem:$0x3F9F] =	sst s1;
	(tag) =	ssettag s2;
	_ =	strace s9  }
0x27: {  	s1 =	sld [smem:$0x3FAF]  }
0x28: {  	s2 =	sld [smem:$0x3FB0]  }
0x29: {  	s4 =	sld [smem:$0x3FB2]  }
0x2a: {  	p0 =	seq.s32 s5, $0x0;
	s5 =	sld [smem:$0x3FB3]  }
0x2b: {  	s6 =	sld [smem:$0x3FB4]  }
0x2c: {  	s7 =	sld [smem:$0x3FB5]  }
0x2d: {  	s3 =	simm.s32 $0x108;
	s8 =	sld [smem:$0x3FB6]  }
0x2e: {  	s3 =	simm.s32 @!p0 $0x1082;
	s9 =	sld [smem:$0x3FB7]  }
0x2f: {  	lr =	sadd.s32 s0, s3;
	s0 =	sld [smem:$0x3FAE]  }
0x30: {  	s3 =	sld [smem:$0x3FB1]  }
0x31: {  	[smem:$0x3FBA] =	sst s10  }
0x32: {  	s10 =	sld [smem:$0x3FB8];
	_ =	sdelay $0x3  }
0x33: {  	p0 =	seq.s32 s10, $0x1;
	s10 =	sld [smem:$0x3FBA];
	_ =	sdelay $0x3  }
0x34: {  	[smem:$0x3FBA] =	sst s10  }
0x35: {  	s10 =	sld [smem:$0x3FB9];
	_ =	sdelay $0x3  }
0x36: {  	p1 =	seq.s32 s10, $0x1;
	s10 =	sld [smem:$0x3FBA];
	_ =	sdelay $0x3  }
0x37: {  	[smem:$0x3FBA] =	sst s10  }
0x38: {  	s10 =	sld [smem:$0x3FBB]  }
0x39: {  	_ = 	snop;
	(pc) =	sbr.ind lr, $3  }
0x3a: {  	_ = 	snop  }
0x3b: {  	_ = 	snop  }
0x3c: {  	p2 =	seq.s32 s10, $0x1;
	s10 =	sld [smem:$0x3FBA]  }
0x3d: {  	_ =	shalt  }
0x3e: {  	_ =	shalt  }
0x3f: {  	_ =	shalt  }
0x40: {  	_ =	shalt  }
0x41: {  	_ =	shalt  }
0x42: {  	_ =	shalt  }
0x43: {  	_ =	shalt  }
0x44: {  	_ =	shalt  }
0x45: {  	_ =	shalt  }
0x46: {  	_ =	shalt  }
0x47: {  	_ =	shalt  }
0x48: {  	_ =	shalt  }
0x49: {  	_ =	shalt  }
0x4a: {  	_ =	shalt  }
0x4b: {  	_ =	shalt  }
0x4c: {  	_ =	shalt  }
0x4d: {  	_ =	shalt  }
0x4e: {  	_ =	shalt  }
0x4f: {  	_ =	shalt  }
0x50: {  	_ =	shalt  }
0x51: {  	_ =	shalt  }
0x52: {  	_ =	shalt  }
0x53: {  	_ =	shalt  }
0x54: {  	_ =	shalt  }
0x55: {  	_ =	shalt  }
0x56: {  	_ =	shalt  }
0x57: {  	_ =	shalt  }
0x58: {  	_ =	shalt  }
0x59: {  	_ =	shalt  }
0x5a: {  	_ =	shalt  }
0x5b: {  	_ =	shalt  }
0x5c: {  	_ =	shalt  }
0x5d: {  	_ =	shalt  }
0x5e: {  	_ =	shalt  }
0x5f: {  	_ =	shalt  }
0x60: {  	_ =	shalt  }
0x61: {  	_ =	shalt  }
0x62: {  	_ =	shalt  }
0x63: {  	_ =	shalt  }
0x64: {  	_ =	shalt  }
0x65: {  	_ =	shalt  }
0x66: {  	_ =	shalt  }
0x67: {  	_ =	shalt  }
0x68: {  	_ =	shalt  }
0x69: {  	_ =	shalt  }
0x6a: {  	_ =	shalt  }
0x6b: {  	_ =	shalt  }
0x6c: {  	_ =	shalt  }
0x6d: {  	_ =	shalt  }
0x6e: {  	_ =	shalt  }
0x6f: {  	_ =	shalt  }
0x70: {  	_ =	shalt  }
0x71: {  	_ =	shalt  }
0x72: {  	_ =	shalt  }
0x73: {  	_ =	shalt  }
0x74: {  	_ =	shalt  }
0x75: {  	_ =	shalt  }
0x76: {  	_ =	shalt  }
0x77: {  	_ =	shalt  }
0x78: {  	_ =	shalt  }
0x79: {  	_ =	shalt  }
0x7a: {  	_ =	shalt  }
0x7b: {  	_ =	shalt  }
0x7c: {  	_ =	shalt  }
0x7d: {  	_ =	shalt  }
0x7e: {  	_ =	shalt  }
0x7f: {  	_ =	shalt  }
0x80: {  	_ =	shalt  }
0x81: {  	_ =	shalt  }
0x82: {  	_ =	shalt  }
0x83: {  	_ =	shalt  }
0x84: {  	_ =	shalt  }
0x85: {  	_ =	shalt  }
0x86: {  	_ =	shalt  }
0x87: {  	_ =	shalt  }
.Lfunc_end0:
.L_simem_size_0:
called_computation_lowered:
.L_overlay_start_0:
0x88: {  	s2 =	sld [smem:$0x3FD9]  }
0x89: {  	s3 =	sld [smem:$0x3FFE];
	_ =	sdelay $0x1  }
0x8a: {  	s1 =	srdreg.scid  }
0x8b: {  	s0 =	sand.u32 $0x1, s1  }
0x8c: {  	s17 =	sshll.u32 s0, $0xA;
	s2 =	sadd.s32 s3, s2  }
0x8d: {  	s2 =	sadd.s32 s2, s17  }
0x8e: {  	[smem:$0x3FC6] =	sst s2  }
0x8f: {  	_ = 	snop  }
0x90: {  	s2 =	sld [smem:$0x3FD0];
	(tm) =	ssettm $0x1  }
0x91: {  	s18 =	sld [smem:$0x3FFB];
	_ =	sdelay $0x3  }
0x92: {  	_ =	strace s18  }
0x93: {  	s3 =	sld [smem:$0x3FFC];
	_ =	sdelay $0x3  }
0x94: {  	_ =	strace s3  }
0x95: {  	s3 =	sld [smem:$0x3FFD];
	_ =	sdelay $0x3  }
0x96: {  	_ =	strace s3  }
0x97: {  	_ =	strace $0x8FFFFFFF  }
0x98: {  	s19 =	sld [smem:$0x3FDB];
	_ =	sdelay $0x1  }
0x99: {  	s4 =	simm.s32 $_scs_section_size  }
0x9a: {  	s5 =	simm.s32 $_size__tile_overlayer_lowered;
	s6 =	simm.s32 $_tile_overlayer_lowered  }
0x9b: {  	s22 =	simm.s32 $0x1BFF;
	s21 =	sshll.u32 s6, $0x1;
	s3 =	sadd.s32 s4, s19  }
0x9c: {  	s7 =	simm.s32 $0x0;
	s20 =	sshll.u32 s5, $0x1;
	s5 =	sadd.s32 s21, s3  }
0x9d: {  	[timem:s7], [sflag:s22] =	dma.local [hbm:s5], s20  }
0x9e: {  	_ =	swait.ge [sflag:s22], s20  }
0x9f: {  	s4 =	ssub.s32 $0x0, s20;
	[sflag:s22] =	ssyncset.done $0x0  }
0xa0: {  	[sflag:s22] =	ssyncadd.s32 s4;
	_ =	sdelay $0x1  }
0xa1: {  	s23 =	simm.s32 $0x1B8B  }
0xa2: {  	_ =	swait.ge [sflag:s23], $0x1  }
0xa3: {  	[sflag:s23] =	ssyncset.done $0x0  }
0xa4: {  	s25 =	simm.s32 $0x1B8E;
	s24 =	sld [smem:$0x3FFE];
	[sflag:s23] =	ssyncadd.s32 $0xFFFFFFFF  }
0xa5: {  	s26 =	simm.s32 $execute0_lowered;
	[smem:$0x3FD2] =	sst s25  }
0xa6: {  	s5 =	sshll.u32 s26, $0x1;
	_ =	strace $0x80000046;
	[dreg:$0x1] =	wrdreg $0xFFFFFFFF  }
0xa7: {  	s28 =	simm.s32 $_size_execute0_lowered;
	s3 =	sadd.s32 s3, s5;
	[dreg:$0x0] =	wrdreg $0x0  }
0xa8: {  	s5 =	sshll.u32 s28, $0x1;
	[dreg:$0x2] =	wrdreg s3  }
0xa9: {  	[dreg:$0x3] =	wrdreg s5  }
0xaa: {  	[dreg:$0x4] =	wrdreg $0xC0  }
0xab: {  	_ =	task [dreg:s7], $0x5FFFF  }
0xac: {  	[dreg:$0x1] =	wrdreg $0xFFFFFFFF  }
0xad: {  	[dreg:$0x0] =	wrdreg $0x60  }
0xae: {  	[dreg:$0x2] =	wrdreg s24  }
0xaf: {  	[dreg:$0x3] =	wrdreg s2  }
0xb0: {  	[dreg:$0x4] =	wrdreg $0x9  }
0xb1: {  	_ =	task.clear_ibuf [dreg:s7], $0x5FFFF;
	_ =	strace $0x90000046  }
0xb2: {  	s29 =	simm.s32 $0x9;
	_ =	strace $0x80000048  }
0xb3: {  	_ =	swait.ge [sflag:s29], $0x1  }
0xb4: {  	[sflag:s29] =	ssyncadd.s32 $0xFFFFFFFF  }
0xb5: {  	_ =	strace $0x90000048  }
0xb6: {  	_ =	sfence  }
0xb7: {  	s30 =	sld [smem:$0x0];
	_ =	sdelay $0x2  }
0xb8: {  	s31 =	sshll.u32 s1, $0xD;
	s1 =	sshrl.u32 s1, $0x2  }
0xb9: {  	s3 =	sand.u32 $0x4000, s31;
	s1 =	sadd.s32 s1, s30  }
0xba: {  	s0 =	sor.u32 s3, s0;
	s1 =	sshll.u32 s1, $0x11  }
0xbb: {  	s0 =	sor.u32 s1, s0  }
0xbc: {  	s0 =	sadd.s32 $0x8F2B, s0  }
0xbd: {  	[sflag:s0] =	ssyncadd.remote.s32 $0x1  }
0xbe: {  	_ =	sfence.sel $0xFFFF  }
0xbf: {  	[dreg:$0x0] =	wrdreg $0xFFFFFFFF;
	(pc) =	sbr.abs _section_cstart, $3  }
0xc0: {  	[dreg:$0x1] =	wrdreg $0xFFFFFFFF  }
0xc1: {  	_ =	task.clear_ibuf [dreg:s7], $0x2FFFF;
	_ =	strace $0x9FFFFFFF  }
0xc2: {  	(tm) =	ssettm $0x7FFFFFFF  }
0xc3: {  	_ =	shalt  }
tec
execute0_lowered:
.L_overlay_start_1:
0x0: {  	(tag) =	ssettag $0x1  }
0x1: {  	s0 =	srdreg.scid;
	s2 =	stileid.u32  }
0x2: {  	s8 =	rddreg [dreg:$0x0];
	s3 =	simm.s32 $0x1;
	s15 =	simm.s32 $0x80  }
0x3: {  	s16 =	simm.s32 $0x400;
	s17 =	simm.s32 $0x5;
	s18 =	simm.s32 $0x1900  }
0x4: {  	s19 =	simm.s32 $0x2100;
	s20 =	simm.s32 $0x2900;
	s0 =	sand.u32 $0x1, s0  }
0x5: {  	s21 =	simm.s32 $0xA900;
	s22 =	simm.s32 $0x2;
	s1 =	sshll.u32 s0, $0x4  }
0x6: {  	s24 =	simm.s32 $0x4;
	s7 =	sand.u32 $0x3, s2;
	s1 =	sor.u32 s2, s1  }
0x7: {  	s25 =	simm.s32 $0x0;
	p1 =	sne.s32 s7, $0x0;
	p0 =	seq.s32 s1, $0x0  }
0x8: {  	s0 =	ssub.s32 $0x2, s0;
	s11 =	sshll.u32 s7, $0x13;
	p0 =	por !p1, !p0  }
0x9: {  	s2 =	rddreg [dreg:$0x1];
	s26 =	sshrl.u32 s0, $0x1;
	p0 =	por !p0, !p0  }
0xa: {  	s1 =	sshrl.u32 s1, $0x2;
	s0 =	ssub.s32 s0, s26;
	s3 =	simm.s32 @!p0 $0x0  }
0xb: {  	s0 =	smax.u32 s0, $0x1;
	s1 =	ssub.s32 s1, s3;
	s3 =	simm.s32 $0x0  }
0xc: {  	s6 =	sshrl.u32 s1, $0x3;
	s4 =	sshll.u32 s1, $0x7;
	[smem:$0x7FF] =	sst s3  }
0xd: {  	s9 =	sand.u32 $0x380, s4;
	s5 =	sshll.u32 s6, $0xD;
	_ =	strace $0x80000047  }
0xe: {  	s4 =	sadd.s32 $0x800, s8;
	s6 =	sshll.u32 s6, $0x15;
	s10 =	sor.u32 s9, s5  }
0xf: {  	[dreg:$0x6] =	wrdreg s0;
	s5 =	simm.s32 $0x1;
	s10 =	sshrl.u32 s10, $0x3  }
.Ltmp0:
0x10: {  	s6 =	sor.u32 s9, s6;
	s8 =	sadd.s32 s10, s8;
	(pc) =	sbr.rel .LBB2_1-.Ltmp0, $4  }
0x11: {  	s28 =	sor.u32 s11, s6;
	s11 =	sshll.u32 s1, $0x16;
	s29 =	sadd.s32 $0x40C00, s8  }
0x12: {  	v0 =	vimm.s32 $0x0;
	v1 =	vlaneseq.u32;
	s30 =	sshrl.u32 s28, $0x3;
	s8 =	sadd.s32 $0x40800, s8;
	[dreg:$0x3] =	wrdreg s29  }
0x13: {  	v2 =	vimm.f32 $0.0e+00;
	vm0 =	vmxor vm0, vm0;
	vm2 =	vcmask $0x704;
	s10 =	sshll.u32 s7, $0x5;
	s31 =	sadd.s32 s4, s30;
	[dreg:$0x4] =	wrdreg s8  }
0x14: {  	vm1 =	vmmov $0x3;
	v3 =	vsel vm2, $0x400, v0;
	v4 =	vsel vm2, $0x4000, v0;
	s12 =	sor.u32 $0x1, s10;
	s13 =	sor.u32 $0x2, s10;
	[dreg:$0x5] =	wrdreg s31  }
.LBB2_25:
0x15: {  	s0 =	simm.s32 $0x3  }
0x16: {  	_ =	swait.ge [sflag:s0], $0x8000  }
0x17: {  	[sflag:s0] =	ssyncset.done $0x0  }
0x18: {  	[sflag:s0] =	ssyncadd.s32 $0xFFFF8000  }
0x19: {  	_ =	swait.ge [sflag:s24], $0x8000  }
0x1a: {  	[sflag:s24] =	ssyncset.done $0x0  }
0x1b: {  	[sflag:s24] =	ssyncadd.s32 $0xFFFF8000  }
0x1c: {  	_ =	swait.ge [sflag:s5], $0x800  }
0x1d: {  	s25 =	sadd.s32 $0x1, s25;
	s31 =	rddreg [dreg:$0x6]  }
0x1e: {  	p0 =	sne.s32 s25, s31  }
.Ltmp1:
0x1f: {  	_ = 	snop;
	(pc) =	sbr.rel @!p0 .LBB2_26-.Ltmp1, $3  }
0x20: {  	_ =	sdelay $0x1  }
0x21: {  	[sflag:s5] =	ssyncset.done $0x0  }
0x22: {  	[sflag:s5] =	ssyncadd.s32 $0xFFFFF800  }
.LBB2_1:
0x23: {  	s0 =	rddreg [dreg:$0x3]  }
0x24: {  	[tilespmem:s3], [sflag:$0x5] =	stream.strided.gather [hbm4b:s0+s15], $0x400, s16, s15, $0x38;
	[tilespmem:$0x12900] =	vst v63  }
0x25: {  	_ =	swait.ge [sflag:s17], $0x400  }
0x26: {  	[sflag:s17] =	ssyncset.done $0x0  }
0x27: {  	s31 =	rddreg [dreg:$0x4];
	[sflag:s17] =	ssyncadd.s32 $0xFFFFFC00  }
0x28: {  	[tilespmem:s16], [sflag:$0x5] =	stream.strided.gather [hbm4b:s31+s15], $0x400, s16, s15, $0x38;
	[tilespmem:$0x12900] =	vst v63  }
0x29: {  	_ =	swait.ge [sflag:s17], $0x400  }
0x2a: {  	[sflag:s17] =	ssyncset.done $0x0  }
0x2b: {  	s0 =	simm.s32 $0x0;
	[sflag:s17] =	ssyncadd.s32 $0xFFFFFC00  }
0x2c: {  	v5 =	vld [tilespmem:s0+$0x0]  }
0x2d: {  	s1 =	simm.s32 $0x40;
	v6 =	vld [tilespmem:s0+$0x400]  }
.LBB2_2:
0x2e: {  	p0 =	sne.s32 s1, $0xFC0  }
.Ltmp2:
0x2f: {  	_ = 	snop;
	(pc) =	sbr.rel @p0 .LBB2_2-.Ltmp2, $4  }
0x30: {  	_ = 	snop  }
0x31: {  	s7 =	sshra.s32 s1, $0x2;
	s1 =	sadd.s32 $0x40, s1;
	v7 =	vshll.u32 v5, $0x7  }
0x32: {  	v5 =	vld [tilespmem:s7+$0x0];
	v7 =	vadd.s32 v6, v7  }
0x33: {  	v6 =	vld [tilespmem:s7+$0x400];
	[tilespmem:s0+$0x800] =	vst v7;
	s0 =	smov.u32 s7  }
0x34: {  	_ =	sdelay $0x2  }
0x35: {  	v5 =	vshll.u32 v5, $0x7  }
0x36: {  	v5 =	vadd.s32 v6, v5  }
0x37: {  	s31 =	simm.s32 $0x800;
	[tilespmem:s0+$0x800] =	vst v5  }
0x38: {  	v5 =	vld [tilespmem:s31+$0x0];
	_ =	sdelay $0x4  }
0x39: {  	(xrf1) =	vunique.msk.u32 $0xffff, v5;
	_ =	sdelay $0xd  }
0x3a: {  	_, v6, vm2 =	vpop (xrf1)  }
0x3b: {  	vm3 =	vmneg vm2  }
0x3c: {  	v6 =	vmpcnt.ones.xlane vm3;
	_ =	sdelay $0x1  }
0x3d: {  	s1 =	simm.s32 $0xC00;
	s0 =	simm.s32 $0x0;
	(v2sf) =	vpush v6, $0x0;
	v6 =	vsel vm2, $0xFFFFFFFF, v0  }
0x3e: {  	[tilespmem:s1+$0x0] =	vst v6;
	v6 =	vor.u32 s0, v1  }
0x3f: {  	[tilespmem:s0+$0x1000] =	vst.msk vm3, v6  }
0x40: {  	s8 =	simm.s32 $0x810;
	[tilespmem:s0+$0x1480] =	vst.msk vm3, v5  }
0x41: {  	v5 =	vld [tilespmem:s8+$0x0];
	_ =	sdelay $0x4  }
0x42: {  	(xrf1) =	vunique.msk.u32 $0xffff, v5;
	_ =	sdelay $0x8  }
0x43: {  	s7 =	simm.s32 $0x10;
	s9 =	simm.s32 $0x20;
	s14 =	spop (v2sf)  }
.LBB2_4:
0x44: {  	p0 =	sne.s32 s9, $0x3F0;
	s0 =	sadd.s32 s0, s14;
	s1 =	sadd.s32 $0x10, s1  }
0x45: {  	s14 =	smov.u32 s9;
	s9 =	sadd.s32 $0x10, s9;
	_ =	sdelay $0x2  }
0x46: {  	_, v6, vm2 =	vpop (xrf1)  }
0x47: {  	v6 =	vsel vm2, $0xFFFFFFFF, v0;
	vm2 =	vmneg vm2  }
0x48: {  	v7 =	vor.u32 s7, v1;
	s7 =	smov.u32 s14;
	[tilespmem:s1+$0x0] =	vst v6;
	v6 =	vmpcnt.ones.xlane vm2  }
0x49: {  	[tilespmem:s0+$0x1000] =	vst.msk vm2, v7  }
0x4a: {  	s8 =	sadd.s32 $0x10, s8;
	[tilespmem:s0+$0x1480] =	vst.msk vm2, v5;
	(v2sf) =	vpush v6, $0x0  }
0x4b: {  	v5 =	vld [tilespmem:s8+$0x0];
	_ =	sdelay $0x4  }
0x4c: {  	(xrf1) =	vunique.msk.u32 $0xffff, v5;
	_ =	sdelay $0x4  }
.Ltmp3:
0x4d: {  	(pc) =	sbr.rel @p0 .LBB2_4-.Ltmp3, $2  }
0x4e: {  	_ =	sdelay $0x2  }
0x4f: {  	s14 =	spop (v2sf)  }
0x50: {  	_ =	sdelay $0x3  }
0x51: {  	_, v6, vm2 =	vpop (xrf1)  }
0x52: {  	s1 =	sadd.s32 $0x10, s1;
	v6 =	vsel vm2, $0xFFFFFFFF, v0  }
0x53: {  	s8 =	sadd.s32 s0, s14;
	vm2 =	vmneg vm2;
	[tilespmem:s1+$0x0] =	vst v6;
	v6 =	vor.u32 s7, v1  }
0x54: {  	[tilespmem:s8+$0x1000] =	vst.msk vm2, v6  }
0x55: {  	s30 =	simm.s32 $0x2980;
	[tilespmem:s8+$0x1480] =	vst.msk vm2, v5  }
0x56: {  	[tilespmem:s30+$0xFFFFFF90] =	vst v2  }
0x57: {  	[tilespmem:s30+$0xFFFFFFA0] =	vst v2  }
0x58: {  	[tilespmem:s30+$0xFFFFFFB0] =	vst v2  }
0x59: {  	[tilespmem:s30+$0xFFFFFFC0] =	vst v2  }
0x5a: {  	[tilespmem:s30+$0xFFFFFFD0] =	vst v2  }
0x5b: {  	[tilespmem:s30+$0xFFFFFFE0] =	vst v2  }
0x5c: {  	[tilespmem:s30+$0xFFFFFFF0] =	vst v2  }
0x5d: {  	[tilespmem:s30+$0x0] =	vst v2  }
0x5e: {  	[tilespmem:s30+$0x10] =	vst v2  }
0x5f: {  	[tilespmem:s30+$0x20] =	vst v2  }
0x60: {  	[tilespmem:s30+$0x30] =	vst v2  }
0x61: {  	[tilespmem:s30+$0x40] =	vst v2  }
0x62: {  	[tilespmem:s30+$0x50] =	vst v2  }
0x63: {  	v5 =	vmpcnt.ones.xlane vm2;
	[tilespmem:s30+$0x60] =	vst v2  }
0x64: {  	[tilespmem:s30+$0x70] =	vst v2  }
0x65: {  	s0 =	simm.s32 $0xA980;
	[tilespmem:s30+$0xFFFFFF80] =	vst v2;
	(v2sf) =	vpush v5, $0x0  }
0x66: {  	[tilespmem:s0+$0xFFFFFF90] =	vst v2  }
0x67: {  	[tilespmem:s0+$0xFFFFFFA0] =	vst v2  }
0x68: {  	[tilespmem:s0+$0xFFFFFFB0] =	vst v2  }
0x69: {  	[tilespmem:s0+$0xFFFFFFC0] =	vst v2  }
0x6a: {  	[tilespmem:s0+$0xFFFFFFD0] =	vst v2  }
0x6b: {  	[tilespmem:s0+$0xFFFFFFE0] =	vst v2  }
0x6c: {  	[tilespmem:s0+$0xFFFFFFF0] =	vst v2  }
0x6d: {  	[tilespmem:s0+$0x0] =	vst v2  }
0x6e: {  	[tilespmem:s0+$0x10] =	vst v2  }
0x6f: {  	[tilespmem:s0+$0x20] =	vst v2  }
0x70: {  	[tilespmem:s0+$0x30] =	vst v2  }
0x71: {  	[tilespmem:s0+$0x40] =	vst v2  }
0x72: {  	[tilespmem:s0+$0x50] =	vst v2  }
0x73: {  	[tilespmem:s0+$0x60] =	vst v2  }
0x74: {  	[tilespmem:s0+$0x70] =	vst v2;
	s31 =	spop (v2sf)  }
0x75: {  	s1 =	simm.s32 $0x0;
	s7 =	simm.s32 $0x2A80;
	[tilespmem:s0+$0xFFFFFF80] =	vst v2;
	s26 =	sadd.s32 s8, s31  }
.LBB2_6:
0x76: {  	[tilespmem:s7+$0xFFFFFF90] =	vst v2;
	s0 =	sadd.s32 $0x100, s0  }
0x77: {  	[tilespmem:s0+$0xFFFFFF90] =	vst v2  }
0x78: {  	[tilespmem:s7+$0xFFFFFFA0] =	vst v2  }
0x79: {  	[tilespmem:s0+$0xFFFFFFA0] =	vst v2  }
0x7a: {  	[tilespmem:s7+$0xFFFFFFB0] =	vst v2  }
0x7b: {  	[tilespmem:s0+$0xFFFFFFB0] =	vst v2  }
0x7c: {  	[tilespmem:s7+$0xFFFFFFC0] =	vst v2  }
0x7d: {  	[tilespmem:s0+$0xFFFFFFC0] =	vst v2  }
0x7e: {  	[tilespmem:s7+$0xFFFFFFD0] =	vst v2  }
0x7f: {  	[tilespmem:s0+$0xFFFFFFD0] =	vst v2  }
0x80: {  	[tilespmem:s7+$0xFFFFFFE0] =	vst v2  }
0x81: {  	[tilespmem:s0+$0xFFFFFFE0] =	vst v2  }
0x82: {  	[tilespmem:s7+$0xFFFFFFF0] =	vst v2  }
0x83: {  	[tilespmem:s0+$0xFFFFFFF0] =	vst v2  }
0x84: {  	[tilespmem:s7+$0x0] =	vst v2  }
0x85: {  	[tilespmem:s0+$0x0] =	vst v2  }
0x86: {  	[tilespmem:s7+$0x10] =	vst v2  }
0x87: {  	[tilespmem:s0+$0x10] =	vst v2  }
0x88: {  	[tilespmem:s7+$0x20] =	vst v2  }
0x89: {  	[tilespmem:s0+$0x20] =	vst v2  }
0x8a: {  	[tilespmem:s7+$0x30] =	vst v2  }
0x8b: {  	[tilespmem:s0+$0x30] =	vst v2  }
0x8c: {  	[tilespmem:s7+$0x40] =	vst v2  }
0x8d: {  	[tilespmem:s0+$0x40] =	vst v2  }
0x8e: {  	[tilespmem:s7+$0x50] =	vst v2  }
0x8f: {  	s1 =	sadd.s32 $0x10, s1;
	[tilespmem:s0+$0x50] =	vst v2  }
0x90: {  	p0 =	slt.u32 s1, $0x7F0;
	[tilespmem:s7+$0x60] =	vst v2  }
.Ltmp4:
0x91: {  	[tilespmem:s0+$0x60] =	vst v2;
	(pc) =	sbr.rel @p0 .LBB2_6-.Ltmp4, $4  }
0x92: {  	[tilespmem:s7+$0x70] =	vst v2  }
0x93: {  	[tilespmem:s0+$0x70] =	vst v2  }
0x94: {  	[tilespmem:s7+$0xFFFFFF80] =	vst v2  }
0x95: {  	s7 =	sadd.s32 $0x100, s7;
	[tilespmem:s0+$0xFFFFFF80] =	vst v2  }
0x96: {  	s0 =	rddreg [dreg:$0x5];
	s30 =	sadd.s32 $0xF, s26  }
0x97: {  	[tilespmem:s18], [sflag:$0x1] =	stream.strided.gather [hbm4b:s0+s15], $0x800, s16, s15, $0x38;
	[tilespmem:$0x12900] =	vst v63  }
0x98: {  	s1 =	sand.u32 $0xF, s30;
	s31 =	sshra.s32 s30, $0x1F  }
0x99: {  	p1 =	slt.s32 s30, $0x0;
	p0 =	sne.s32 s1, $0x0;
	s1 =	sshrl.u32 s31, $0x1C  }
0x9a: {  	p0 =	por !p1, !p0;
	s0 =	sadd.s32 s1, s30  }
.Ltmp5:
0x9b: {  	s1 =	simm.s32 $0x1;
	p0 =	por !p0, !p0;
	(pc) =	sbr.rel .LBB2_8-.Ltmp5, $4  }
0x9c: {  	s0 =	sshra.s32 s0, $0x4;
	s1 =	simm.s32 @!p0 $0x0  }
0x9d: {  	s28 =	ssub.s32 s0, s1  }
0x9e: {  	p5 =	slt.s32 s26, $0x1;
	p6 =	slt.s32 s28, $0x1  }
0x9f: {  	s29 =	simm.s32 $0x0;
	p0 =	por p5, p6  }
.LBB2_23:
0xa0: {  	_ =	sdelay $0x4  }
0xa1: {  	[tilespmem:v5+s21+$0x0] =	vst.idx.add.f32.msk vm2, v6  }
.LBB2_24:
0xa2: {  	s29 =	sadd.s32 $0x1, s29  }
0xa3: {  	p1 =	sne.s32 s29, $0x10  }
.Ltmp6:
0xa4: {  	_ = 	snop;
	(pc) =	sbr.rel @!p1 .LBB2_25-.Ltmp6, $4  }
0xa5: {  	_ = 	snop  }
0xa6: {  	s0 =	sshrl.u32 s1, $0x3  }
0xa7: {  	s0 =	sadd.s32 s2, s0  }
0xa8: {  	[hbm4b:s0+s3] =	stream.linear.scatter [tilespmem:s21], [sflag:$0x4], $0x8000, $0x38;
	[tilespmem:$0x12900] =	vst v63  }
.LBB2_8:
0xa9: {  	s31 =	sshll.u32 s29, $0x1  }
0xaa: {  	s30 =	sor.u32 s12, s31  }
0xab: {  	s0 =	sshll.u32 s30, $0xE  }
0xac: {  	s0 =	sadd.s32 s6, s0  }
0xad: {  	s0 =	sshrl.u32 s0, $0x3  }
0xae: {  	p1 =	seq.s32 s29, $0x0;
	s0 =	sadd.s32 s4, s0  }
0xaf: {  	[tilespmem:s19], [sflag:$0x2] =	stream.strided.gather [hbm4b:s0+s15], $0x800, s16, s15, $0x38;
	[tilespmem:$0x12900] =	vst v63  }
0xb0: {  	s0 =	simm.s32 @!p1 $0x3  }
0xb1: {  	_ =	swait.ge @!p1 [sflag:s0], $0x8000  }
0xb2: {  	[sflag:s0] =	ssyncset.done @!p1 $0x0  }
0xb3: {  	s14 =	simm.s32 $0x840;
	[sflag:s0] =	ssyncadd.s32 @!p1 $0xFFFF8000  }
0xb4: {  	v5 =	vld [tilespmem:s14+$0xFFFFFFC0]  }
0xb5: {  	v12 =	vld [tilespmem:s14+$0x20]  }
0xb6: {  	v6 =	vld [tilespmem:s14+$0xFFFFFFF0]  }
0xb7: {  	v8 =	vld [tilespmem:s14+$0x30];
	_ =	sdelay $0x1  }
0xb8: {  	v11 =	vld [tilespmem:s14+$0x0]  }
0xb9: {  	v10 =	vld [tilespmem:s14+$0xFFFFFFD0]  }
0xba: {  	v13 =	vld [tilespmem:s14+$0xFFFFFFE0];
	v9 =	vadd.s32 $0x4000, v5  }
0xbb: {  	v7 =	vld [tilespmem:s14+$0x10];
	[tilespmem:v5+s20+$0x0] =	vst.idx.msk $0xffff, v2  }
0xbc: {  	[tilespmem:v12+s20+$0x0] =	vst.idx.msk $0xffff, v2  }
0xbd: {  	[tilespmem:v6+s20+$0x0] =	vst.idx.msk $0xffff, v2  }
0xbe: {  	[tilespmem:v8+s20+$0x0] =	vst.idx.msk $0xffff, v2  }
0xbf: {  	[tilespmem:v9+s20+$0x0] =	vst.idx.msk $0xffff, v2;
	v9 =	vadd.s32 $0x4000, v8  }
0xc0: {  	s23 =	sadd.s32 s10, s31;
	v5 =	vadd.s32 $0x4000, v6;
	v6 =	vadd.s32 $0x4000, v11;
	[tilespmem:v11+s20+$0x0] =	vst.idx.msk $0xffff, v2;
	v11 =	vadd.s32 $0x4000, v7  }
0xc1: {  	s0 =	sshll.u32 s23, $0xF;
	[tilespmem:v10+s20+$0x0] =	vst.idx.msk $0xffff, v2;
	v12 =	vadd.s32 $0x4000, v12  }
0xc2: {  	s7 =	simm.s32 $0x8C0;
	s1 =	sadd.s32 s11, s0;
	s0 =	simm.s32 $0x0;
	v10 =	vadd.s32 $0x4000, v10;
	[tilespmem:v13+s20+$0x0] =	vst.idx.msk $0xffff, v2;
	v8 =	vadd.s32 $0x4000, v13  }
.LBB2_9:
0xc3: {  	v13 =	vld [tilespmem:s7+$0xFFFFFFC0];
	s0 =	sadd.s32 $0x8, s0;
	[tilespmem:v7+s20+$0x0] =	vst.idx.msk $0xffff, v2  }
0xc4: {  	v14 =	vld [tilespmem:s7+$0x20];
	p2 =	slt.u32 s0, $0x38;
	[tilespmem:v9+s20+$0x0] =	vst.idx.msk $0xffff, v2  }
0xc5: {  	v15 =	vld [tilespmem:s7+$0xFFFFFFF0];
	[tilespmem:v11+s20+$0x0] =	vst.idx.msk $0xffff, v2  }
0xc6: {  	v11 =	vld [tilespmem:s7+$0x30];
	[tilespmem:v12+s20+$0x0] =	vst.idx.msk $0xffff, v2  }
0xc7: {  	v12 =	vld [tilespmem:s7+$0xFFFFFFD0];
	[tilespmem:v8+s20+$0x0] =	vst.idx.msk $0xffff, v2  }
0xc8: {  	v8 =	vadd.s32 $0x4000, v13;
	v16 =	vld [tilespmem:s7+$0x0];
	[tilespmem:v10+s20+$0x0] =	vst.idx.msk $0xffff, v2  }
0xc9: {  	v7 =	vld [tilespmem:s7+$0x10];
	[tilespmem:v6+s20+$0x0] =	vst.idx.msk $0xffff, v2  }
0xca: {  	v17 =	vld [tilespmem:s7+$0xFFFFFFE0];
	[tilespmem:v5+s20+$0x0] =	vst.idx.msk $0xffff, v2  }
0xcb: {  	v5 =	vadd.s32 $0x4000, v15;
	[tilespmem:v13+s20+$0x0] =	vst.idx.msk $0xffff, v2;
	v9 =	vadd.s32 $0x4000, v11  }
0xcc: {  	[tilespmem:v14+s20+$0x0] =	vst.idx.msk $0xffff, v2  }
0xcd: {  	[tilespmem:v15+s20+$0x0] =	vst.idx.msk $0xffff, v2;
	v6 =	vadd.s32 $0x4000, v16  }
.Ltmp7:
0xce: {  	[tilespmem:v8+s20+$0x0] =	vst.idx.msk $0xffff, v2;
	(pc) =	sbr.rel @p2 .LBB2_9-.Ltmp7, $4  }
0xcf: {  	v8 =	vadd.s32 $0x4000, v17;
	[tilespmem:v11+s20+$0x0] =	vst.idx.msk $0xffff, v2  }
0xd0: {  	v10 =	vadd.s32 $0x4000, v12;
	v11 =	vadd.s32 $0x4000, v7;
	[tilespmem:v12+s20+$0x0] =	vst.idx.msk $0xffff, v2  }
0xd1: {  	v12 =	vadd.s32 $0x4000, v14;
	[tilespmem:v16+s20+$0x0] =	vst.idx.msk $0xffff, v2  }
0xd2: {  	s7 =	sadd.s32 $0x80, s7;
	[tilespmem:v17+s20+$0x0] =	vst.idx.msk $0xffff, v2  }
0xd3: {  	_ =	sdelay $0x3  }
0xd4: {  	[tilespmem:v7+s20+$0x0] =	vst.idx.msk $0xffff, v2  }
0xd5: {  	[tilespmem:v9+s20+$0x0] =	vst.idx.msk $0xffff, v2  }
0xd6: {  	[tilespmem:v12+s20+$0x0] =	vst.idx.msk $0xffff, v2  }
0xd7: {  	[tilespmem:v8+s20+$0x0] =	vst.idx.msk $0xffff, v2  }
0xd8: {  	[tilespmem:v10+s20+$0x0] =	vst.idx.msk $0xffff, v2  }
0xd9: {  	[tilespmem:v6+s20+$0x0] =	vst.idx.msk $0xffff, v2  }
0xda: {  	[tilespmem:v5+s20+$0x0] =	vst.idx.msk $0xffff, v2  }
0xdb: {  	[tilespmem:v11+s20+$0x0] =	vst.idx.msk $0xffff, v2  }
0xdc: {  	_ =	swait.ge [sflag:s5], $0x800  }
0xdd: {  	[sflag:s5] =	ssyncset.done $0x0  }
0xde: {  	s7 =	simm.s32 $0xC20;
	[sflag:s5] =	ssyncadd.s32 $0xFFFFF800  }
0xdf: {  	v5 =	vld [tilespmem:s7+$0x10]  }
0xe0: {  	s0 =	simm.s32 $0x820;
	v6 =	vld [tilespmem:s7+$0xFFFFFFF0]  }
0xe1: {  	v8 =	vld [tilespmem:s0+$0x10]  }
0xe2: {  	v9 =	vld [tilespmem:s7+$0xFFFFFFE0]  }
0xe3: {  	v7 =	vld [tilespmem:s7+$0x0]  }
0xe4: {  	s7 =	simm.s32 $0x1900;
	v10 =	vld [tilespmem:s0+$0xFFFFFFE0];
	vm2 =	vne.s32 v5, $0x0  }
0xe5: {  	v5 =	vld [tilespmem:s7+$0x30]  }
0xe6: {  	v11 =	vld [tilespmem:s0+$0xFFFFFFF0]  }
0xe7: {  	v63 =	vld [tilespmem:s0+$0x0];
	vm3 =	vne.s32 v9, $0x0  }
0xe8: {  	v9 =	vld [tilespmem:s7+$0x0];
	vm4 =	vne.s32 v6, $0x0  }
0xe9: {  	v6 =	vld [tilespmem:s7+$0x10]  }
0xea: {  	vm5 =	vne.s32 v7, $0x0;
	[tilespmem:v8+s20+$0x0] =	vst.idx.add.f32.msk vm2, v5  }
0xeb: {  	v7 =	vadd.s32 $0x4000, v8;
	v8 =	vld [tilespmem:s7+$0x20]  }
0xec: {  	v5 =	vld [tilespmem:s7+$0x430]  }
0xed: {  	[tilespmem:v10+s20+$0x0] =	vst.idx.add.f32.msk vm3, v9  }
0xee: {  	[tilespmem:v11+s20+$0x0] =	vst.idx.add.f32.msk vm4, v6  }
0xef: {  	v9 =	vld [tilespmem:s7+$0x410]  }
0xf0: {  	[tilespmem:v63+s20+$0x0] =	vst.idx.add.f32.msk vm5, v8  }
0xf1: {  	[tilespmem:v7+s20+$0x0] =	vst.idx.add.f32.msk vm2, v5  }
0xf2: {  	s8 =	simm.s32 $0x0;
	v5 =	vadd.s32 $0x4000, v10;
	v10 =	vld [tilespmem:s7+$0x420]  }
0xf3: {  	s9 =	sand.u32 $0x3C0, s8;
	v6 =	vadd.s32 $0x4000, v11;
	v7 =	vadd.s32 $0x4000, v63  }
0xf4: {  	s14 =	simm.s32 $0xC60;
	v8 =	vld [tilespmem:s9+$0x1D00];
	s9 =	simm.s32 $0x0;
	vm2 =	vmmov vm3;
	vm3 =	vmmov vm4;
	vm4 =	vmmov vm5  }
.LBB2_11:
0xf5: {  	v11 =	vld [tilespmem:s14+$0x10];
	s9 =	sadd.s32 $0x4, s9  }
0xf6: {  	v12 =	vld [tilespmem:s14+$0xFFFFFFF0];
	p2 =	slt.u32 s9, $0x3C;
	v13 =	vmov v9  }
0xf7: {  	s0 =	sadd.s32 $0x40, s0;
	v9 =	vld [tilespmem:s14+$0x0];
	v14 =	vmov v10  }
0xf8: {  	v10 =	vld [tilespmem:s0+$0x10]  }
0xf9: {  	v15 =	vld [tilespmem:s14+$0xFFFFFFE0]  }
0xfa: {  	s7 =	sadd.s32 $0x40, s7;
	v16 =	vld [tilespmem:s0+$0xFFFFFFE0];
	vm7 =	vne.s32 v11, $0x0  }
0xfb: {  	vm6 =	vne.s32 v12, $0x0;
	v11 =	vld [tilespmem:s7+$0x30]  }
0xfc: {  	v12 =	vld [tilespmem:s0+$0xFFFFFFF0];
	vm5 =	vne.s32 v9, $0x0  }
0xfd: {  	v9 =	vld [tilespmem:s0+$0x0]  }
0xfe: {  	vm8 =	vne.s32 v15, $0x0;
	v15 =	vld [tilespmem:s7+$0x0]  }
0xff: {  	v17 =	vadd.s32 $0x4000, v16;
	v18 =	vld [tilespmem:s7+$0x10]  }
0x100: {  	[tilespmem:v10+s20+$0x0] =	vst.idx.add.f32.msk vm7, v11  }
0x101: {  	v10 =	vadd.s32 $0x4000, v10;
	v11 =	vadd.s32 $0x4000, v12;
	v19 =	vld [tilespmem:s7+$0x430]  }
0x102: {  	v20 =	vld [tilespmem:s7+$0x20];
	v21 =	vadd.s32 $0x4000, v9  }
0x103: {  	[tilespmem:v5+s20+$0x0] =	vst.idx.add.f32.msk vm2, v8;
	v5 =	vmov v17;
	vm2 =	vmmov vm8  }
0x104: {  	[tilespmem:v16+s20+$0x0] =	vst.idx.add.f32.msk vm8, v15  }
0x105: {  	[tilespmem:v12+s20+$0x0] =	vst.idx.add.f32.msk vm6, v18  }
0x106: {  	s8 =	sadd.s32 $0x40, s8;
	[tilespmem:v10+s20+$0x0] =	vst.idx.add.f32.msk vm7, v19  }
0x107: {  	s23 =	sand.u32 $0x3C0, s8;
	[tilespmem:v9+s20+$0x0] =	vst.idx.add.f32.msk vm5, v20  }
.Ltmp8:
0x108: {  	v8 =	vld [tilespmem:s23+$0x1D00];
	(pc) =	sbr.rel @p2 .LBB2_11-.Ltmp8, $4  }
0x109: {  	v9 =	vld [tilespmem:s7+$0x410]  }
0x10a: {  	v10 =	vld [tilespmem:s7+$0x420]  }
0x10b: {  	[tilespmem:v6+s20+$0x0] =	vst.idx.add.f32.msk vm3, v13;
	v6 =	vmov v11;
	vm3 =	vmmov vm6  }
0x10c: {  	s14 =	sadd.s32 $0x40, s14;
	[tilespmem:v7+s20+$0x0] =	vst.idx.add.f32.msk vm4, v14;
	v7 =	vmov v21;
	vm4 =	vmmov vm5  }
0x10d: {  	_ =	sdelay $0x2  }
.Ltmp9:
0x10e: {  	_ = 	snop;
	(pc) =	sbr.rel @p0 .LBB2_16-.Ltmp9, $4  }
0x10f: {  	_ = 	snop  }
0x110: {  	[tilespmem:v5+s20+$0x0] =	vst.idx.add.f32.msk vm2, v8  }
0x111: {  	[tilespmem:v6+s20+$0x0] =	vst.idx.add.f32.msk vm3, v9  }
0x112: {  	[tilespmem:v7+s20+$0x0] =	vst.idx.add.f32.msk vm4, v10  }
0x113: {  	s0 =	simm.s32 $0x1000  }
0x114: {  	v5 =	vld [tilespmem:s0+$0x0];
	_ =	sdelay $0x3  }
0x115: {  	s7 =	simm.s32 $0x1480;
	p2 =	sgt.s32 s26, $0x0;
	vm2 =	vmmov vm0  }
0x116: {  	vm2 =	vmneg @p2 vm2;
	v6 =	vld [tilespmem:s7+$0x0];
	v7 =	vbroadcast v5, $0x0  }
0x117: {  	vm2 =	vmand vm2, vm1  }
0x118: {  	v7 =	vadd.s32 v3, v7;
	_ =	sdelay $0x2  }
0x119: {  	vm3 =	vmmov vm0;
	p2 =	sgt.s32 s26, $0x1;
	v8 =	vbroadcast v6, $0x0  }
0x11a: {  	vm3 =	vmneg @p2 vm3;
	v9 =	vbroadcast v5, $0x1  }
0x11b: {  	vm3 =	vmand vm3, vm1;
	v8 =	vadd.s32 v4, v8;
	v7 =	vld.idx.msk [tilespmem:v7+s18+$0x0], vm2  }
0x11c: {  	v9 =	vadd.s32 v3, v9;
	_ =	sdelay $0x2  }
0x11d: {  	vm4 =	vmmov vm0;
	p2 =	sgt.s32 s26, $0x2;
	v10 =	vbroadcast v6, $0x1  }
0x11e: {  	vm4 =	vmneg @p2 vm4;
	v11 =	vbroadcast v5, $0x2;
	[tilespmem:v8+s20+$0x0] =	vst.idx.add.f32.msk vm2, v7  }
0x11f: {  	v8 =	vadd.s32 v4, v10;
	vm2 =	vmand vm4, vm1;
	v7 =	vld.idx.msk [tilespmem:v9+s18+$0x0], vm3  }
0x120: {  	v25 =	vadd.s32 v3, v11;
	_ =	sdelay $0x2  }
0x121: {  	p2 =	sgt.s32 s26, $0x3;
	v26 =	vbroadcast v6, $0x2;
	vm4 =	vmmov vm0  }
0x122: {  	v27 =	vbroadcast v5, $0x3;
	vm4 =	vmneg @p2 vm4;
	[tilespmem:v8+s20+$0x0] =	vst.idx.add.f32.msk vm3, v7  }
0x123: {  	v8 =	vadd.s32 v4, v26;
	vm3 =	vmand vm4, vm1;
	v7 =	vld.idx.msk [tilespmem:v25+s18+$0x0], vm2  }
0x124: {  	v28 =	vadd.s32 v3, v27;
	_ =	sdelay $0x2  }
0x125: {  	v29 =	vbroadcast v6, $0x3;
	p2 =	sgt.s32 s26, $0x4;
	vm4 =	vmmov vm0  }
0x126: {  	v30 =	vbroadcast v5, $0x4;
	vm4 =	vmneg @p2 vm4;
	[tilespmem:v8+s20+$0x0] =	vst.idx.add.f32.msk vm2, v7  }
0x127: {  	v8 =	vadd.s32 v4, v29;
	vm2 =	vmand vm4, vm1;
	v7 =	vld.idx.msk [tilespmem:v28+s18+$0x0], vm3  }
0x128: {  	v31 =	vadd.s32 v3, v30;
	_ =	sdelay $0x2  }
0x129: {  	v32 =	vbroadcast v6, $0x4;
	p2 =	sgt.s32 s26, $0x5;
	vm4 =	vmmov vm0  }
0x12a: {  	v33 =	vbroadcast v5, $0x5;
	vm4 =	vmneg @p2 vm4;
	[tilespmem:v8+s20+$0x0] =	vst.idx.add.f32.msk vm3, v7  }
0x12b: {  	v8 =	vadd.s32 v4, v32;
	vm3 =	vmand vm4, vm1;
	v7 =	vld.idx.msk [tilespmem:v31+s18+$0x0], vm2  }
0x12c: {  	v34 =	vadd.s32 v3, v33;
	_ =	sdelay $0x2  }
0x12d: {  	v35 =	vbroadcast v6, $0x5;
	p2 =	sgt.s32 s26, $0x6;
	vm4 =	vmmov vm0  }
0x12e: {  	v36 =	vbroadcast v5, $0x6;
	vm4 =	vmneg @p2 vm4;
	[tilespmem:v8+s20+$0x0] =	vst.idx.add.f32.msk vm2, v7  }
0x12f: {  	v8 =	vadd.s32 v4, v35;
	vm2 =	vmand vm4, vm1;
	v7 =	vld.idx.msk [tilespmem:v34+s18+$0x0], vm3  }
0x130: {  	v37 =	vadd.s32 v3, v36;
	_ =	sdelay $0x2  }
0x131: {  	v38 =	vbroadcast v6, $0x6;
	p2 =	sgt.s32 s26, $0x7;
	vm4 =	vmmov vm0  }
0x132: {  	v39 =	vbroadcast v5, $0x7;
	vm4 =	vmneg @p2 vm4;
	[tilespmem:v8+s20+$0x0] =	vst.idx.add.f32.msk vm3, v7  }
0x133: {  	v8 =	vadd.s32 v4, v38;
	vm3 =	vmand vm4, vm1;
	v7 =	vld.idx.msk [tilespmem:v37+s18+$0x0], vm2  }
0x134: {  	v40 =	vadd.s32 v3, v39;
	_ =	sdelay $0x2  }
0x135: {  	v41 =	vbroadcast v6, $0x7;
	p2 =	sgt.s32 s26, $0x8;
	vm4 =	vmmov vm0  }
0x136: {  	v42 =	vbroadcast v5, $0x8;
	vm4 =	vmneg @p2 vm4;
	[tilespmem:v8+s20+$0x0] =	vst.idx.add.f32.msk vm2, v7  }
0x137: {  	v8 =	vadd.s32 v4, v41;
	vm2 =	vmand vm4, vm1;
	v7 =	vld.idx.msk [tilespmem:v40+s18+$0x0], vm3  }
0x138: {  	v43 =	vadd.s32 v3, v42;
	_ =	sdelay $0x2  }
0x139: {  	v44 =	vbroadcast v6, $0x8;
	p2 =	sgt.s32 s26, $0x9;
	vm4 =	vmmov vm0  }
0x13a: {  	v45 =	vbroadcast v5, $0x9;
	vm4 =	vmneg @p2 vm4;
	[tilespmem:v8+s20+$0x0] =	vst.idx.add.f32.msk vm3, v7  }
0x13b: {  	v8 =	vadd.s32 v4, v44;
	vm3 =	vmand vm4, vm1;
	v7 =	vld.idx.msk [tilespmem:v43+s18+$0x0], vm2  }
0x13c: {  	v46 =	vadd.s32 v3, v45;
	_ =	sdelay $0x2  }
0x13d: {  	v47 =	vbroadcast v6, $0x9;
	p2 =	sgt.s32 s26, $0xA;
	vm4 =	vmmov vm0  }
0x13e: {  	v48 =	vbroadcast v5, $0xA;
	vm4 =	vmneg @p2 vm4;
	[tilespmem:v8+s20+$0x0] =	vst.idx.add.f32.msk vm2, v7  }
0x13f: {  	v8 =	vadd.s32 v4, v47;
	vm2 =	vmand vm4, vm1;
	v7 =	vld.idx.msk [tilespmem:v46+s18+$0x0], vm3  }
0x140: {  	v49 =	vadd.s32 v3, v48;
	_ =	sdelay $0x2  }
0x141: {  	v50 =	vbroadcast v6, $0xA;
	p2 =	sgt.s32 s26, $0xB;
	vm4 =	vmmov vm0  }
0x142: {  	v51 =	vbroadcast v5, $0xB;
	vm4 =	vmneg @p2 vm4;
	[tilespmem:v8+s20+$0x0] =	vst.idx.add.f32.msk vm3, v7  }
0x143: {  	v8 =	vadd.s32 v4, v50;
	vm3 =	vmand vm4, vm1;
	v7 =	vld.idx.msk [tilespmem:v49+s18+$0x0], vm2  }
0x144: {  	v52 =	vadd.s32 v3, v51;
	_ =	sdelay $0x2  }
0x145: {  	v53 =	vbroadcast v6, $0xB;
	p2 =	sgt.s32 s26, $0xC;
	vm4 =	vmmov vm0  }
0x146: {  	v54 =	vbroadcast v5, $0xC;
	vm4 =	vmneg @p2 vm4;
	[tilespmem:v8+s20+$0x0] =	vst.idx.add.f32.msk vm2, v7  }
0x147: {  	v8 =	vadd.s32 v4, v53;
	vm2 =	vmand vm4, vm1;
	v7 =	vld.idx.msk [tilespmem:v52+s18+$0x0], vm3  }
0x148: {  	v55 =	vadd.s32 v3, v54;
	_ =	sdelay $0x2  }
0x149: {  	v56 =	vbroadcast v6, $0xC;
	p2 =	sgt.s32 s26, $0xD;
	vm4 =	vmmov vm0  }
0x14a: {  	v57 =	vbroadcast v5, $0xD;
	vm4 =	vmneg @p2 vm4;
	[tilespmem:v8+s20+$0x0] =	vst.idx.add.f32.msk vm3, v7  }
0x14b: {  	v8 =	vadd.s32 v4, v56;
	vm3 =	vmand vm4, vm1;
	v7 =	vld.idx.msk [tilespmem:v55+s18+$0x0], vm2  }
0x14c: {  	v58 =	vadd.s32 v3, v57;
	_ =	sdelay $0x2  }
0x14d: {  	v59 =	vbroadcast v6, $0xD;
	p2 =	sgt.s32 s26, $0xE;
	vm4 =	vmmov vm0  }
0x14e: {  	v60 =	vbroadcast v5, $0xE;
	vm4 =	vmneg @p2 vm4;
	[tilespmem:v8+s20+$0x0] =	vst.idx.add.f32.msk vm2, v7  }
0x14f: {  	vm4 =	vmand vm4, vm1;
	v8 =	vadd.s32 v4, v59;
	v7 =	vld.idx.msk [tilespmem:v58+s18+$0x0], vm3  }
0x150: {  	v61 =	vadd.s32 v3, v60;
	_ =	sdelay $0x2  }
0x151: {  	v62 =	vbroadcast v6, $0xE;
	p2 =	sgt.s32 s26, $0xF;
	vm2 =	vmmov vm0  }
0x152: {  	v5 =	vbroadcast v5, $0xF;
	vm2 =	vmneg @p2 vm2;
	[tilespmem:v8+s20+$0x0] =	vst.idx.add.f32.msk vm3, v7  }
0x153: {  	vm2 =	vmand vm2, vm1;
	v8 =	vadd.s32 v4, v62;
	v7 =	vld.idx.msk [tilespmem:v61+s18+$0x0], vm4  }
0x154: {  	v5 =	vadd.s32 v3, v5;
	p2 =	sne.s32 s28, $0x1  }
.Ltmp10:
0x155: {  	_ = 	snop;
	(pc) =	sbr.rel @!p2 .LBB2_15-.Ltmp10, $4  }
0x156: {  	_ = 	snop  }
0x157: {  	v63 =	vbroadcast v6, $0xF  }
0x158: {  	[tilespmem:v8+s20+$0x0] =	vst.idx.add.f32.msk vm4, v7  }
0x159: {  	s8 =	simm.s32 $0xF;
	s9 =	sadd.s32 $0xFFFFFFFF, s28;
	v6 =	vld.idx.msk [tilespmem:v5+s18+$0x0], vm2;
	v5 =	vadd.s32 v4, v63  }
.LBB2_14:
0x15a: {  	_ =	sdelay $0x3  }
0x15b: {  	s8 =	sadd.s32 $0x10, s8;
	s0 =	sadd.s32 $0x10, s0;
	s7 =	sadd.s32 $0x10, s7;
	[tilespmem:v5+s20+$0x0] =	vst.idx.add.f32.msk vm2, v6  }
0x15c: {  	p2 =	sne.s32 s9, $0x1;
	s9 =	sadd.s32 $0xFFFFFFFF, s9;
	v5 =	vld [tilespmem:s0+$0x0];
	_ =	sdelay $0x2  }
0x15d: {  	s14 =	sadd.s32 $0xFFFFFFF1, s8  }
0x15e: {  	p3 =	slt.s32 s14, s26;
	vm2 =	vmmov vm0  }
0x15f: {  	vm2 =	vmneg @p3 vm2;
	v6 =	vbroadcast v5, $0x0;
	v7 =	vbroadcast v5, $0x1  }
0x160: {  	vm2 =	vmand vm2, vm1;
	v23 =	vbroadcast v5, $0x2;
	v24 =	vbroadcast v5, $0x3;
	v22 =	vld [tilespmem:s7+$0x0]  }
0x161: {  	v25 =	vbroadcast v5, $0x4;
	v26 =	vbroadcast v5, $0x5;
	v6 =	vadd.s32 v3, v6  }
0x162: {  	v27 =	vbroadcast v5, $0x6;
	v21 =	vbroadcast v5, $0x7  }
0x163: {  	v19 =	vbroadcast v5, $0x8;
	v17 =	vbroadcast v5, $0x9  }
0x164: {  	s14 =	sadd.s32 $0xFFFFFFF2, s8;
	v15 =	vbroadcast v5, $0xA;
	v10 =	vbroadcast v5, $0xB  }
0x165: {  	vm3 =	vmmov vm0;
	p3 =	slt.s32 s14, s26;
	v8 =	vbroadcast v22, $0x0;
	v28 =	vbroadcast v22, $0x1  }
0x166: {  	vm3 =	vmneg @p3 vm3;
	v29 =	vbroadcast v22, $0x2;
	v30 =	vbroadcast v22, $0x3;
	v6 =	vld.idx.msk [tilespmem:v6+s18+$0x0], vm2  }
0x167: {  	vm3 =	vmand vm3, vm1;
	v31 =	vbroadcast v22, $0x4;
	v8 =	vadd.s32 v4, v8  }
0x168: {  	v7 =	vadd.s32 v3, v7;
	v32 =	vbroadcast v22, $0x5;
	v33 =	vbroadcast v22, $0x6  }
0x169: {  	v34 =	vbroadcast v22, $0x7;
	v20 =	vbroadcast v22, $0x8  }
0x16a: {  	v18 =	vbroadcast v22, $0x9;
	v16 =	vbroadcast v22, $0xA  }
0x16b: {  	s14 =	sadd.s32 $0xFFFFFFF3, s8;
	v13 =	vbroadcast v5, $0xC;
	v14 =	vbroadcast v22, $0xB  }
0x16c: {  	p3 =	slt.s32 s14, s26;
	v11 =	vbroadcast v5, $0xD;
	v12 =	vbroadcast v22, $0xC;
	[tilespmem:v8+s20+$0x0] =	vst.idx.add.f32.msk vm2, v6;
	vm2 =	vmmov vm0  }
0x16d: {  	v9 =	vbroadcast v22, $0xD;
	v8 =	vbroadcast v5, $0xE;
	v35 =	vld.idx.msk [tilespmem:v7+s18+$0x0], vm3;
	vm2 =	vmneg @p3 vm2  }
0x16e: {  	v28 =	vadd.s32 v4, v28;
	v6 =	vbroadcast v22, $0xE;
	vm2 =	vmand vm2, vm1  }
0x16f: {  	v23 =	vadd.s32 v3, v23;
	v7 =	vbroadcast v5, $0xF;
	v5 =	vbroadcast v22, $0xF;
	_ =	sdelay $0x2  }
0x170: {  	s14 =	sadd.s32 $0xFFFFFFF4, s8  }
0x171: {  	p3 =	slt.s32 s14, s26;
	[tilespmem:v28+s20+$0x0] =	vst.idx.add.f32.msk vm3, v35;
	vm3 =	vmmov vm0  }
0x172: {  	v22 =	vld.idx.msk [tilespmem:v23+s18+$0x0], vm2;
	vm3 =	vmneg @p3 vm3  }
0x173: {  	v23 =	vadd.s32 v4, v29;
	vm3 =	vmand vm3, vm1  }
0x174: {  	v24 =	vadd.s32 v3, v24;
	_ =	sdelay $0x2  }
0x175: {  	s14 =	sadd.s32 $0xFFFFFFF5, s8  }
0x176: {  	p3 =	slt.s32 s14, s26;
	[tilespmem:v23+s20+$0x0] =	vst.idx.add.f32.msk vm2, v22;
	vm2 =	vmmov vm0  }
0x177: {  	v22 =	vld.idx.msk [tilespmem:v24+s18+$0x0], vm3;
	vm2 =	vmneg @p3 vm2  }
0x178: {  	v23 =	vadd.s32 v4, v30;
	vm2 =	vmand vm2, vm1  }
0x179: {  	v24 =	vadd.s32 v3, v25;
	_ =	sdelay $0x2  }
0x17a: {  	s14 =	sadd.s32 $0xFFFFFFF6, s8  }
0x17b: {  	p3 =	slt.s32 s14, s26;
	[tilespmem:v23+s20+$0x0] =	vst.idx.add.f32.msk vm3, v22;
	vm3 =	vmmov vm0  }
0x17c: {  	v22 =	vld.idx.msk [tilespmem:v24+s18+$0x0], vm2;
	vm3 =	vmneg @p3 vm3  }
0x17d: {  	v23 =	vadd.s32 v4, v31;
	vm3 =	vmand vm3, vm1  }
0x17e: {  	v24 =	vadd.s32 v3, v26;
	_ =	sdelay $0x2  }
0x17f: {  	s14 =	sadd.s32 $0xFFFFFFF7, s8  }
0x180: {  	p3 =	slt.s32 s14, s26;
	[tilespmem:v23+s20+$0x0] =	vst.idx.add.f32.msk vm2, v22;
	vm2 =	vmmov vm0  }
0x181: {  	v22 =	vld.idx.msk [tilespmem:v24+s18+$0x0], vm3;
	vm2 =	vmneg @p3 vm2  }
0x182: {  	v23 =	vadd.s32 v4, v32;
	vm2 =	vmand vm2, vm1  }
0x183: {  	v24 =	vadd.s32 v3, v27;
	_ =	sdelay $0x2  }
0x184: {  	s14 =	sadd.s32 $0xFFFFFFF8, s8  }
0x185: {  	p3 =	slt.s32 s14, s26;
	[tilespmem:v23+s20+$0x0] =	vst.idx.add.f32.msk vm3, v22;
	vm3 =	vmmov vm0  }
0x186: {  	v22 =	vld.idx.msk [tilespmem:v24+s18+$0x0], vm2;
	vm3 =	vmneg @p3 vm3  }
0x187: {  	v23 =	vadd.s32 v4, v33;
	vm3 =	vmand vm3, vm1  }
0x188: {  	v21 =	vadd.s32 v3, v21;
	_ =	sdelay $0x2  }
0x189: {  	s14 =	sadd.s32 $0xFFFFFFF9, s8  }
0x18a: {  	p3 =	slt.s32 s14, s26;
	[tilespmem:v23+s20+$0x0] =	vst.idx.add.f32.msk vm2, v22;
	vm2 =	vmmov vm0  }
0x18b: {  	v21 =	vld.idx.msk [tilespmem:v21+s18+$0x0], vm3;
	vm2 =	vmneg @p3 vm2  }
0x18c: {  	v22 =	vadd.s32 v4, v34;
	vm2 =	vmand vm2, vm1  }
0x18d: {  	v19 =	vadd.s32 v3, v19;
	_ =	sdelay $0x2  }
0x18e: {  	s14 =	sadd.s32 $0xFFFFFFFA, s8  }
0x18f: {  	p3 =	slt.s32 s14, s26;
	[tilespmem:v22+s20+$0x0] =	vst.idx.add.f32.msk vm3, v21;
	vm3 =	vmmov vm0  }
0x190: {  	v19 =	vld.idx.msk [tilespmem:v19+s18+$0x0], vm2;
	vm3 =	vmneg @p3 vm3  }
0x191: {  	v20 =	vadd.s32 v4, v20;
	vm3 =	vmand vm3, vm1  }
0x192: {  	v17 =	vadd.s32 v3, v17;
	_ =	sdelay $0x2  }
0x193: {  	s14 =	sadd.s32 $0xFFFFFFFB, s8  }
0x194: {  	p3 =	slt.s32 s14, s26;
	[tilespmem:v20+s20+$0x0] =	vst.idx.add.f32.msk vm2, v19;
	vm2 =	vmmov vm0  }
0x195: {  	v17 =	vld.idx.msk [tilespmem:v17+s18+$0x0], vm3;
	vm2 =	vmneg @p3 vm2  }
0x196: {  	v18 =	vadd.s32 v4, v18;
	vm2 =	vmand vm2, vm1  }
0x197: {  	v15 =	vadd.s32 v3, v15;
	_ =	sdelay $0x2  }
0x198: {  	s14 =	sadd.s32 $0xFFFFFFFC, s8  }
0x199: {  	p3 =	slt.s32 s14, s26;
	[tilespmem:v18+s20+$0x0] =	vst.idx.add.f32.msk vm3, v17;
	vm3 =	vmmov vm0  }
0x19a: {  	v15 =	vld.idx.msk [tilespmem:v15+s18+$0x0], vm2;
	vm3 =	vmneg @p3 vm3  }
0x19b: {  	v16 =	vadd.s32 v4, v16;
	vm3 =	vmand vm3, vm1  }
0x19c: {  	v10 =	vadd.s32 v3, v10;
	_ =	sdelay $0x2  }
0x19d: {  	s14 =	sadd.s32 $0xFFFFFFFD, s8  }
0x19e: {  	p3 =	slt.s32 s14, s26;
	[tilespmem:v16+s20+$0x0] =	vst.idx.add.f32.msk vm2, v15;
	vm2 =	vmmov vm0  }
0x19f: {  	v10 =	vld.idx.msk [tilespmem:v10+s18+$0x0], vm3;
	vm2 =	vmneg @p3 vm2  }
0x1a0: {  	v14 =	vadd.s32 v4, v14;
	vm2 =	vmand vm2, vm1  }
0x1a1: {  	v13 =	vadd.s32 v3, v13;
	_ =	sdelay $0x2  }
0x1a2: {  	s14 =	sadd.s32 $0xFFFFFFFE, s8  }
0x1a3: {  	p3 =	slt.s32 s14, s26;
	[tilespmem:v14+s20+$0x0] =	vst.idx.add.f32.msk vm3, v10;
	vm3 =	vmmov vm0  }
0x1a4: {  	v10 =	vld.idx.msk [tilespmem:v13+s18+$0x0], vm2;
	vm3 =	vmneg @p3 vm3  }
0x1a5: {  	v12 =	vadd.s32 v4, v12;
	vm3 =	vmand vm3, vm1  }
0x1a6: {  	v11 =	vadd.s32 v3, v11;
	_ =	sdelay $0x2  }
0x1a7: {  	s14 =	sadd.s32 $0xFFFFFFFF, s8  }
0x1a8: {  	p3 =	slt.s32 s14, s26;
	[tilespmem:v12+s20+$0x0] =	vst.idx.add.f32.msk vm2, v10;
	vm2 =	vmmov vm0  }
0x1a9: {  	v10 =	vld.idx.msk [tilespmem:v11+s18+$0x0], vm3;
	vm2 =	vmneg @p3 vm2  }
0x1aa: {  	v9 =	vadd.s32 v4, v9;
	vm4 =	vmand vm2, vm1  }
0x1ab: {  	v8 =	vadd.s32 v3, v8;
	_ =	sdelay $0x3  }
0x1ac: {  	p3 =	slt.s32 s8, s26;
	vm2 =	vmmov vm0;
	[tilespmem:v9+s20+$0x0] =	vst.idx.add.f32.msk vm3, v10  }
0x1ad: {  	vm2 =	vmneg @p3 vm2;
	v8 =	vld.idx.msk [tilespmem:v8+s18+$0x0], vm4  }
0x1ae: {  	v6 =	vadd.s32 v4, v6;
	vm2 =	vmand vm2, vm1  }
0x1af: {  	v7 =	vadd.s32 v3, v7;
	_ =	sdelay $0x1  }
.Ltmp11:
0x1b0: {  	(pc) =	sbr.rel @p2 .LBB2_14-.Ltmp11, $4  }
0x1b1: {  	_ = 	snop  }
0x1b2: {  	[tilespmem:v6+s20+$0x0] =	vst.idx.add.f32.msk vm4, v8  }
0x1b3: {  	v6 =	vld.idx.msk [tilespmem:v7+s18+$0x0], vm2  }
0x1b4: {  	v5 =	vadd.s32 v4, v5  }
.LBB2_15:
0x1b5: {  	_ =	sdelay $0x4  }
0x1b6: {  	[tilespmem:v5+s20+$0x0] =	vst.idx.add.f32.msk vm2, v6  }
.LBB2_16:
0x1b7: {  	s0 =	sshrl.u32 s1, $0x3  }
0x1b8: {  	s14 =	smin.u32 s31, $0x1D;
	s0 =	sadd.s32 s2, s0  }
0x1b9: {  	[hbm4b:s0+s3] =	stream.linear.scatter [tilespmem:s20], [sflag:$0x3], $0x8000, $0x38;
	[tilespmem:$0x12900] =	vst v63  }
0x1ba: {  	s0 =	sadd.s32 s14, s13  }
0x1bb: {  	s0 =	sshll.u32 s0, $0xE  }
0x1bc: {  	s0 =	sadd.s32 s6, s0  }
0x1bd: {  	s0 =	sshrl.u32 s0, $0x3  }
0x1be: {  	s0 =	sadd.s32 s4, s0  }
0x1bf: {  	[tilespmem:s18], [sflag:$0x1] =	stream.strided.gather [hbm4b:s0+s15], $0x800, s16, s15, $0x38;
	[tilespmem:$0x12900] =	vst v63  }
0x1c0: {  	s0 =	simm.s32 @!p1 $0x4  }
0x1c1: {  	_ =	swait.ge @!p1 [sflag:s0], $0x8000  }
0x1c2: {  	[sflag:s0] =	ssyncset.done @!p1 $0x0  }
0x1c3: {  	s23 =	simm.s32 $0x840;
	[sflag:s0] =	ssyncadd.s32 @!p1 $0xFFFF8000  }
0x1c4: {  	v5 =	vld [tilespmem:s23+$0xFFFFFFC0]  }
0x1c5: {  	v12 =	vld [tilespmem:s23+$0x20]  }
0x1c6: {  	v6 =	vld [tilespmem:s23+$0xFFFFFFF0]  }
0x1c7: {  	v8 =	vld [tilespmem:s23+$0x30];
	_ =	sdelay $0x1  }
0x1c8: {  	v11 =	vld [tilespmem:s23+$0x0]  }
0x1c9: {  	v10 =	vld [tilespmem:s23+$0xFFFFFFD0]  }
0x1ca: {  	v13 =	vld [tilespmem:s23+$0xFFFFFFE0];
	v9 =	vadd.s32 $0x4000, v5  }
0x1cb: {  	v7 =	vld [tilespmem:s23+$0x10];
	[tilespmem:v5+s21+$0x0] =	vst.idx.msk $0xffff, v2  }
0x1cc: {  	[tilespmem:v12+s21+$0x0] =	vst.idx.msk $0xffff, v2  }
0x1cd: {  	[tilespmem:v6+s21+$0x0] =	vst.idx.msk $0xffff, v2  }
0x1ce: {  	[tilespmem:v8+s21+$0x0] =	vst.idx.msk $0xffff, v2  }
0x1cf: {  	[tilespmem:v9+s21+$0x0] =	vst.idx.msk $0xffff, v2;
	v9 =	vadd.s32 $0x4000, v8  }
0x1d0: {  	v5 =	vadd.s32 $0x4000, v6;
	v6 =	vadd.s32 $0x4000, v11;
	[tilespmem:v11+s21+$0x0] =	vst.idx.msk $0xffff, v2;
	v11 =	vadd.s32 $0x4000, v7  }
0x1d1: {  	s31 =	sshll.u32 s30, $0xF;
	[tilespmem:v10+s21+$0x0] =	vst.idx.msk $0xffff, v2;
	v12 =	vadd.s32 $0x4000, v12  }
0x1d2: {  	s7 =	simm.s32 $0x8C0;
	s1 =	sadd.s32 s11, s31;
	s0 =	simm.s32 $0x0;
	v10 =	vadd.s32 $0x4000, v10;
	[tilespmem:v13+s21+$0x0] =	vst.idx.msk $0xffff, v2;
	v8 =	vadd.s32 $0x4000, v13  }
.LBB2_17:
0x1d3: {  	v13 =	vld [tilespmem:s7+$0xFFFFFFC0];
	s0 =	sadd.s32 $0x8, s0;
	[tilespmem:v7+s21+$0x0] =	vst.idx.msk $0xffff, v2  }
0x1d4: {  	v14 =	vld [tilespmem:s7+$0x20];
	p1 =	slt.u32 s0, $0x38;
	[tilespmem:v9+s21+$0x0] =	vst.idx.msk $0xffff, v2  }
0x1d5: {  	v15 =	vld [tilespmem:s7+$0xFFFFFFF0];
	[tilespmem:v11+s21+$0x0] =	vst.idx.msk $0xffff, v2  }
0x1d6: {  	v11 =	vld [tilespmem:s7+$0x30];
	[tilespmem:v12+s21+$0x0] =	vst.idx.msk $0xffff, v2  }
0x1d7: {  	v12 =	vld [tilespmem:s7+$0xFFFFFFD0];
	[tilespmem:v8+s21+$0x0] =	vst.idx.msk $0xffff, v2  }
0x1d8: {  	v8 =	vadd.s32 $0x4000, v13;
	v16 =	vld [tilespmem:s7+$0x0];
	[tilespmem:v10+s21+$0x0] =	vst.idx.msk $0xffff, v2  }
0x1d9: {  	v7 =	vld [tilespmem:s7+$0x10];
	[tilespmem:v6+s21+$0x0] =	vst.idx.msk $0xffff, v2  }
0x1da: {  	v17 =	vld [tilespmem:s7+$0xFFFFFFE0];
	[tilespmem:v5+s21+$0x0] =	vst.idx.msk $0xffff, v2  }
0x1db: {  	v5 =	vadd.s32 $0x4000, v15;
	[tilespmem:v13+s21+$0x0] =	vst.idx.msk $0xffff, v2;
	v9 =	vadd.s32 $0x4000, v11  }
0x1dc: {  	[tilespmem:v14+s21+$0x0] =	vst.idx.msk $0xffff, v2  }
0x1dd: {  	[tilespmem:v15+s21+$0x0] =	vst.idx.msk $0xffff, v2;
	v6 =	vadd.s32 $0x4000, v16  }
.Ltmp12:
0x1de: {  	[tilespmem:v8+s21+$0x0] =	vst.idx.msk $0xffff, v2;
	(pc) =	sbr.rel @p1 .LBB2_17-.Ltmp12, $4  }
0x1df: {  	v8 =	vadd.s32 $0x4000, v17;
	[tilespmem:v11+s21+$0x0] =	vst.idx.msk $0xffff, v2  }
0x1e0: {  	v10 =	vadd.s32 $0x4000, v12;
	v11 =	vadd.s32 $0x4000, v7;
	[tilespmem:v12+s21+$0x0] =	vst.idx.msk $0xffff, v2  }
0x1e1: {  	v12 =	vadd.s32 $0x4000, v14;
	[tilespmem:v16+s21+$0x0] =	vst.idx.msk $0xffff, v2  }
0x1e2: {  	s7 =	sadd.s32 $0x80, s7;
	[tilespmem:v17+s21+$0x0] =	vst.idx.msk $0xffff, v2  }
0x1e3: {  	_ =	sdelay $0x3  }
0x1e4: {  	[tilespmem:v7+s21+$0x0] =	vst.idx.msk $0xffff, v2  }
0x1e5: {  	[tilespmem:v9+s21+$0x0] =	vst.idx.msk $0xffff, v2  }
0x1e6: {  	[tilespmem:v12+s21+$0x0] =	vst.idx.msk $0xffff, v2  }
0x1e7: {  	[tilespmem:v8+s21+$0x0] =	vst.idx.msk $0xffff, v2  }
0x1e8: {  	[tilespmem:v10+s21+$0x0] =	vst.idx.msk $0xffff, v2  }
0x1e9: {  	[tilespmem:v6+s21+$0x0] =	vst.idx.msk $0xffff, v2  }
0x1ea: {  	[tilespmem:v5+s21+$0x0] =	vst.idx.msk $0xffff, v2  }
0x1eb: {  	[tilespmem:v11+s21+$0x0] =	vst.idx.msk $0xffff, v2  }
0x1ec: {  	_ =	swait.ge [sflag:s22], $0x800  }
0x1ed: {  	[sflag:s22] =	ssyncset.done $0x0  }
0x1ee: {  	s7 =	simm.s32 $0xC20;
	[sflag:s22] =	ssyncadd.s32 $0xFFFFF800  }
0x1ef: {  	v5 =	vld [tilespmem:s7+$0x10]  }
0x1f0: {  	s0 =	simm.s32 $0x820;
	v6 =	vld [tilespmem:s7+$0xFFFFFFF0]  }
0x1f1: {  	v8 =	vld [tilespmem:s0+$0x10]  }
0x1f2: {  	v9 =	vld [tilespmem:s7+$0xFFFFFFE0]  }
0x1f3: {  	v7 =	vld [tilespmem:s7+$0x0]  }
0x1f4: {  	s7 =	simm.s32 $0x2100;
	v10 =	vld [tilespmem:s0+$0xFFFFFFE0];
	vm2 =	vne.s32 v5, $0x0  }
0x1f5: {  	v5 =	vld [tilespmem:s7+$0x30]  }
0x1f6: {  	v11 =	vld [tilespmem:s0+$0xFFFFFFF0]  }
0x1f7: {  	v63 =	vld [tilespmem:s0+$0x0];
	vm3 =	vne.s32 v9, $0x0  }
0x1f8: {  	v9 =	vld [tilespmem:s7+$0x0];
	vm4 =	vne.s32 v6, $0x0  }
0x1f9: {  	v6 =	vld [tilespmem:s7+$0x10]  }
0x1fa: {  	vm5 =	vne.s32 v7, $0x0;
	[tilespmem:v8+s21+$0x0] =	vst.idx.add.f32.msk vm2, v5  }
0x1fb: {  	v7 =	vadd.s32 $0x4000, v8;
	v8 =	vld [tilespmem:s7+$0x20]  }
0x1fc: {  	v5 =	vld [tilespmem:s7+$0x430]  }
0x1fd: {  	[tilespmem:v10+s21+$0x0] =	vst.idx.add.f32.msk vm3, v9  }
0x1fe: {  	[tilespmem:v11+s21+$0x0] =	vst.idx.add.f32.msk vm4, v6  }
0x1ff: {  	v9 =	vld [tilespmem:s7+$0x410]  }
0x200: {  	[tilespmem:v63+s21+$0x0] =	vst.idx.add.f32.msk vm5, v8  }
0x201: {  	[tilespmem:v7+s21+$0x0] =	vst.idx.add.f32.msk vm2, v5  }
0x202: {  	s8 =	simm.s32 $0x0;
	v5 =	vadd.s32 $0x4000, v10;
	v10 =	vld [tilespmem:s7+$0x420]  }
0x203: {  	s9 =	sand.u32 $0x3C0, s8;
	v6 =	vadd.s32 $0x4000, v11;
	v7 =	vadd.s32 $0x4000, v63  }
0x204: {  	s14 =	simm.s32 $0xC60;
	v8 =	vld [tilespmem:s9+$0x2500];
	s9 =	simm.s32 $0x0;
	vm2 =	vmmov vm3;
	vm3 =	vmmov vm4;
	vm4 =	vmmov vm5  }
.LBB2_19:
0x205: {  	v11 =	vld [tilespmem:s14+$0x10];
	s9 =	sadd.s32 $0x4, s9  }
0x206: {  	v12 =	vld [tilespmem:s14+$0xFFFFFFF0];
	p1 =	slt.u32 s9, $0x3C;
	v13 =	vmov v9  }
0x207: {  	s0 =	sadd.s32 $0x40, s0;
	v9 =	vld [tilespmem:s14+$0x0];
	v14 =	vmov v10  }
0x208: {  	v10 =	vld [tilespmem:s0+$0x10]  }
0x209: {  	v15 =	vld [tilespmem:s14+$0xFFFFFFE0]  }
0x20a: {  	s7 =	sadd.s32 $0x40, s7;
	v16 =	vld [tilespmem:s0+$0xFFFFFFE0];
	vm7 =	vne.s32 v11, $0x0  }
0x20b: {  	vm6 =	vne.s32 v12, $0x0;
	v11 =	vld [tilespmem:s7+$0x30]  }
0x20c: {  	v12 =	vld [tilespmem:s0+$0xFFFFFFF0];
	vm5 =	vne.s32 v9, $0x0  }
0x20d: {  	v9 =	vld [tilespmem:s0+$0x0]  }
0x20e: {  	vm8 =	vne.s32 v15, $0x0;
	v15 =	vld [tilespmem:s7+$0x0]  }
0x20f: {  	v17 =	vadd.s32 $0x4000, v16;
	v18 =	vld [tilespmem:s7+$0x10]  }
0x210: {  	[tilespmem:v10+s21+$0x0] =	vst.idx.add.f32.msk vm7, v11  }
0x211: {  	v10 =	vadd.s32 $0x4000, v10;
	v11 =	vadd.s32 $0x4000, v12;
	v19 =	vld [tilespmem:s7+$0x430]  }
0x212: {  	v20 =	vld [tilespmem:s7+$0x20];
	v21 =	vadd.s32 $0x4000, v9  }
0x213: {  	[tilespmem:v5+s21+$0x0] =	vst.idx.add.f32.msk vm2, v8;
	v5 =	vmov v17;
	vm2 =	vmmov vm8  }
0x214: {  	[tilespmem:v16+s21+$0x0] =	vst.idx.add.f32.msk vm8, v15  }
0x215: {  	[tilespmem:v12+s21+$0x0] =	vst.idx.add.f32.msk vm6, v18  }
0x216: {  	s8 =	sadd.s32 $0x40, s8;
	[tilespmem:v10+s21+$0x0] =	vst.idx.add.f32.msk vm7, v19  }
0x217: {  	s23 =	sand.u32 $0x3C0, s8;
	[tilespmem:v9+s21+$0x0] =	vst.idx.add.f32.msk vm5, v20  }
.Ltmp13:
0x218: {  	v8 =	vld [tilespmem:s23+$0x2500];
	(pc) =	sbr.rel @p1 .LBB2_19-.Ltmp13, $4  }
0x219: {  	v9 =	vld [tilespmem:s7+$0x410]  }
0x21a: {  	v10 =	vld [tilespmem:s7+$0x420]  }
0x21b: {  	[tilespmem:v6+s21+$0x0] =	vst.idx.add.f32.msk vm3, v13;
	v6 =	vmov v11;
	vm3 =	vmmov vm6  }
0x21c: {  	s14 =	sadd.s32 $0x40, s14;
	[tilespmem:v7+s21+$0x0] =	vst.idx.add.f32.msk vm4, v14;
	v7 =	vmov v21;
	vm4 =	vmmov vm5  }
0x21d: {  	_ =	sdelay $0x2  }
.Ltmp14:
0x21e: {  	_ = 	snop;
	(pc) =	sbr.rel @p0 .LBB2_24-.Ltmp14, $4  }
0x21f: {  	_ = 	snop  }
0x220: {  	[tilespmem:v5+s21+$0x0] =	vst.idx.add.f32.msk vm2, v8  }
0x221: {  	[tilespmem:v6+s21+$0x0] =	vst.idx.add.f32.msk vm3, v9  }
0x222: {  	[tilespmem:v7+s21+$0x0] =	vst.idx.add.f32.msk vm4, v10  }
0x223: {  	s0 =	simm.s32 $0x1000  }
0x224: {  	v5 =	vld [tilespmem:s0+$0x0];
	_ =	sdelay $0x3  }
0x225: {  	s7 =	simm.s32 $0x1480;
	p1 =	sgt.s32 s26, $0x0;
	vm2 =	vmmov vm0  }
0x226: {  	vm2 =	vmneg @p1 vm2;
	v6 =	vld [tilespmem:s7+$0x0];
	v7 =	vbroadcast v5, $0x0  }
0x227: {  	vm2 =	vmand vm2, vm1  }
0x228: {  	v7 =	vadd.s32 v3, v7;
	_ =	sdelay $0x2  }
0x229: {  	vm3 =	vmmov vm0;
	p1 =	sgt.s32 s26, $0x1;
	v8 =	vbroadcast v6, $0x0  }
0x22a: {  	vm3 =	vmneg @p1 vm3;
	v9 =	vbroadcast v5, $0x1  }
0x22b: {  	vm3 =	vmand vm3, vm1;
	v8 =	vadd.s32 v4, v8;
	v7 =	vld.idx.msk [tilespmem:v7+s19+$0x0], vm2  }
0x22c: {  	v9 =	vadd.s32 v3, v9;
	_ =	sdelay $0x2  }
0x22d: {  	vm4 =	vmmov vm0;
	p1 =	sgt.s32 s26, $0x2;
	v10 =	vbroadcast v6, $0x1  }
0x22e: {  	vm4 =	vmneg @p1 vm4;
	v11 =	vbroadcast v5, $0x2;
	[tilespmem:v8+s21+$0x0] =	vst.idx.add.f32.msk vm2, v7  }
0x22f: {  	v8 =	vadd.s32 v4, v10;
	vm2 =	vmand vm4, vm1;
	v7 =	vld.idx.msk [tilespmem:v9+s19+$0x0], vm3  }
0x230: {  	v25 =	vadd.s32 v3, v11;
	_ =	sdelay $0x2  }
0x231: {  	p1 =	sgt.s32 s26, $0x3;
	v26 =	vbroadcast v6, $0x2;
	vm4 =	vmmov vm0  }
0x232: {  	v27 =	vbroadcast v5, $0x3;
	vm4 =	vmneg @p1 vm4;
	[tilespmem:v8+s21+$0x0] =	vst.idx.add.f32.msk vm3, v7  }
0x233: {  	v8 =	vadd.s32 v4, v26;
	vm3 =	vmand vm4, vm1;
	v7 =	vld.idx.msk [tilespmem:v25+s19+$0x0], vm2  }
0x234: {  	v28 =	vadd.s32 v3, v27;
	_ =	sdelay $0x2  }
0x235: {  	v29 =	vbroadcast v6, $0x3;
	p1 =	sgt.s32 s26, $0x4;
	vm4 =	vmmov vm0  }
0x236: {  	v30 =	vbroadcast v5, $0x4;
	vm4 =	vmneg @p1 vm4;
	[tilespmem:v8+s21+$0x0] =	vst.idx.add.f32.msk vm2, v7  }
0x237: {  	v8 =	vadd.s32 v4, v29;
	vm2 =	vmand vm4, vm1;
	v7 =	vld.idx.msk [tilespmem:v28+s19+$0x0], vm3  }
0x238: {  	v31 =	vadd.s32 v3, v30;
	_ =	sdelay $0x2  }
0x239: {  	v32 =	vbroadcast v6, $0x4;
	p1 =	sgt.s32 s26, $0x5;
	vm4 =	vmmov vm0  }
0x23a: {  	v33 =	vbroadcast v5, $0x5;
	vm4 =	vmneg @p1 vm4;
	[tilespmem:v8+s21+$0x0] =	vst.idx.add.f32.msk vm3, v7  }
0x23b: {  	v8 =	vadd.s32 v4, v32;
	vm3 =	vmand vm4, vm1;
	v7 =	vld.idx.msk [tilespmem:v31+s19+$0x0], vm2  }
0x23c: {  	v34 =	vadd.s32 v3, v33;
	_ =	sdelay $0x2  }
0x23d: {  	v35 =	vbroadcast v6, $0x5;
	p1 =	sgt.s32 s26, $0x6;
	vm4 =	vmmov vm0  }
0x23e: {  	v36 =	vbroadcast v5, $0x6;
	vm4 =	vmneg @p1 vm4;
	[tilespmem:v8+s21+$0x0] =	vst.idx.add.f32.msk vm2, v7  }
0x23f: {  	v8 =	vadd.s32 v4, v35;
	vm2 =	vmand vm4, vm1;
	v7 =	vld.idx.msk [tilespmem:v34+s19+$0x0], vm3  }
0x240: {  	v37 =	vadd.s32 v3, v36;
	_ =	sdelay $0x2  }
0x241: {  	v38 =	vbroadcast v6, $0x6;
	p1 =	sgt.s32 s26, $0x7;
	vm4 =	vmmov vm0  }
0x242: {  	v39 =	vbroadcast v5, $0x7;
	vm4 =	vmneg @p1 vm4;
	[tilespmem:v8+s21+$0x0] =	vst.idx.add.f32.msk vm3, v7  }
0x243: {  	v8 =	vadd.s32 v4, v38;
	vm3 =	vmand vm4, vm1;
	v7 =	vld.idx.msk [tilespmem:v37+s19+$0x0], vm2  }
0x244: {  	v40 =	vadd.s32 v3, v39;
	_ =	sdelay $0x2  }
0x245: {  	v41 =	vbroadcast v6, $0x7;
	p1 =	sgt.s32 s26, $0x8;
	vm4 =	vmmov vm0  }
0x246: {  	v42 =	vbroadcast v5, $0x8;
	vm4 =	vmneg @p1 vm4;
	[tilespmem:v8+s21+$0x0] =	vst.idx.add.f32.msk vm2, v7  }
0x247: {  	v8 =	vadd.s32 v4, v41;
	vm2 =	vmand vm4, vm1;
	v7 =	vld.idx.msk [tilespmem:v40+s19+$0x0], vm3  }
0x248: {  	v43 =	vadd.s32 v3, v42;
	_ =	sdelay $0x2  }
0x249: {  	v44 =	vbroadcast v6, $0x8;
	p1 =	sgt.s32 s26, $0x9;
	vm4 =	vmmov vm0  }
0x24a: {  	v45 =	vbroadcast v5, $0x9;
	vm4 =	vmneg @p1 vm4;
	[tilespmem:v8+s21+$0x0] =	vst.idx.add.f32.msk vm3, v7  }
0x24b: {  	v8 =	vadd.s32 v4, v44;
	vm3 =	vmand vm4, vm1;
	v7 =	vld.idx.msk [tilespmem:v43+s19+$0x0], vm2  }
0x24c: {  	v46 =	vadd.s32 v3, v45;
	_ =	sdelay $0x2  }
0x24d: {  	v47 =	vbroadcast v6, $0x9;
	p1 =	sgt.s32 s26, $0xA;
	vm4 =	vmmov vm0  }
0x24e: {  	v48 =	vbroadcast v5, $0xA;
	vm4 =	vmneg @p1 vm4;
	[tilespmem:v8+s21+$0x0] =	vst.idx.add.f32.msk vm2, v7  }
0x24f: {  	v8 =	vadd.s32 v4, v47;
	vm2 =	vmand vm4, vm1;
	v7 =	vld.idx.msk [tilespmem:v46+s19+$0x0], vm3  }
0x250: {  	v49 =	vadd.s32 v3, v48;
	_ =	sdelay $0x2  }
0x251: {  	v50 =	vbroadcast v6, $0xA;
	p1 =	sgt.s32 s26, $0xB;
	vm4 =	vmmov vm0  }
0x252: {  	v51 =	vbroadcast v5, $0xB;
	vm4 =	vmneg @p1 vm4;
	[tilespmem:v8+s21+$0x0] =	vst.idx.add.f32.msk vm3, v7  }
0x253: {  	v8 =	vadd.s32 v4, v50;
	vm3 =	vmand vm4, vm1;
	v7 =	vld.idx.msk [tilespmem:v49+s19+$0x0], vm2  }
0x254: {  	v52 =	vadd.s32 v3, v51;
	_ =	sdelay $0x2  }
0x255: {  	v53 =	vbroadcast v6, $0xB;
	p1 =	sgt.s32 s26, $0xC;
	vm4 =	vmmov vm0  }
0x256: {  	v54 =	vbroadcast v5, $0xC;
	vm4 =	vmneg @p1 vm4;
	[tilespmem:v8+s21+$0x0] =	vst.idx.add.f32.msk vm2, v7  }
0x257: {  	v8 =	vadd.s32 v4, v53;
	vm2 =	vmand vm4, vm1;
	v7 =	vld.idx.msk [tilespmem:v52+s19+$0x0], vm3  }
0x258: {  	v55 =	vadd.s32 v3, v54;
	_ =	sdelay $0x2  }
0x259: {  	v56 =	vbroadcast v6, $0xC;
	p1 =	sgt.s32 s26, $0xD;
	vm4 =	vmmov vm0  }
0x25a: {  	v57 =	vbroadcast v5, $0xD;
	vm4 =	vmneg @p1 vm4;
	[tilespmem:v8+s21+$0x0] =	vst.idx.add.f32.msk vm3, v7  }
0x25b: {  	v8 =	vadd.s32 v4, v56;
	vm3 =	vmand vm4, vm1;
	v7 =	vld.idx.msk [tilespmem:v55+s19+$0x0], vm2  }
0x25c: {  	v58 =	vadd.s32 v3, v57;
	_ =	sdelay $0x2  }
0x25d: {  	v59 =	vbroadcast v6, $0xD;
	p1 =	sgt.s32 s26, $0xE;
	vm4 =	vmmov vm0  }
0x25e: {  	v60 =	vbroadcast v5, $0xE;
	vm4 =	vmneg @p1 vm4;
	[tilespmem:v8+s21+$0x0] =	vst.idx.add.f32.msk vm2, v7  }
0x25f: {  	vm4 =	vmand vm4, vm1;
	v8 =	vadd.s32 v4, v59;
	v7 =	vld.idx.msk [tilespmem:v58+s19+$0x0], vm3  }
0x260: {  	v61 =	vadd.s32 v3, v60;
	_ =	sdelay $0x2  }
0x261: {  	v62 =	vbroadcast v6, $0xE;
	p1 =	sgt.s32 s26, $0xF;
	vm2 =	vmmov vm0  }
0x262: {  	v5 =	vbroadcast v5, $0xF;
	vm2 =	vmneg @p1 vm2;
	[tilespmem:v8+s21+$0x0] =	vst.idx.add.f32.msk vm3, v7  }
0x263: {  	vm2 =	vmand vm2, vm1;
	v8 =	vadd.s32 v4, v62;
	v7 =	vld.idx.msk [tilespmem:v61+s19+$0x0], vm4  }
0x264: {  	v5 =	vadd.s32 v3, v5;
	_ =	sdelay $0x2  }
0x265: {  	v63 =	vbroadcast v6, $0xF  }
0x266: {  	p1 =	sne.s32 s28, $0x1;
	[tilespmem:v8+s21+$0x0] =	vst.idx.add.f32.msk vm4, v7  }
.Ltmp15:
0x267: {  	v6 =	vld.idx.msk [tilespmem:v5+s19+$0x0], vm2;
	v5 =	vadd.s32 v4, v63;
	(pc) =	sbr.rel @!p1 .LBB2_23-.Ltmp15, $2  }
0x268: {  	_ =	sdelay $0x2  }
0x269: {  	s8 =	simm.s32 $0xF;
	s9 =	sadd.s32 $0xFFFFFFFF, s28  }
.LBB2_22:
0x26a: {  	[tilespmem:v5+s21+$0x0] =	vst.idx.add.f32.msk vm2, v6;
	s8 =	sadd.s32 $0x10, s8;
	s0 =	sadd.s32 $0x10, s0;
	s7 =	sadd.s32 $0x10, s7  }
0x26b: {  	p1 =	sne.s32 s9, $0x1;
	s9 =	sadd.s32 $0xFFFFFFFF, s9;
	v5 =	vld [tilespmem:s0+$0x0];
	_ =	sdelay $0x2  }
0x26c: {  	s14 =	sadd.s32 $0xFFFFFFF1, s8  }
0x26d: {  	vm2 =	vmmov vm0;
	p2 =	slt.s32 s14, s26  }
0x26e: {  	vm2 =	vmneg @p2 vm2;
	v6 =	vbroadcast v5, $0x0;
	v7 =	vbroadcast v5, $0x1  }
0x26f: {  	vm2 =	vmand vm2, vm1;
	v23 =	vbroadcast v5, $0x2;
	v24 =	vbroadcast v5, $0x3;
	v22 =	vld [tilespmem:s7+$0x0]  }
0x270: {  	v25 =	vbroadcast v5, $0x4;
	v26 =	vbroadcast v5, $0x5;
	v6 =	vadd.s32 v3, v6  }
0x271: {  	v27 =	vbroadcast v5, $0x6;
	v21 =	vbroadcast v5, $0x7  }
0x272: {  	v19 =	vbroadcast v5, $0x8;
	v17 =	vbroadcast v5, $0x9  }
0x273: {  	s14 =	sadd.s32 $0xFFFFFFF2, s8;
	v15 =	vbroadcast v5, $0xA;
	v10 =	vbroadcast v5, $0xB  }
0x274: {  	vm3 =	vmmov vm0;
	p2 =	slt.s32 s14, s26;
	v8 =	vbroadcast v22, $0x0;
	v28 =	vbroadcast v22, $0x1  }
0x275: {  	vm3 =	vmneg @p2 vm3;
	v29 =	vbroadcast v22, $0x2;
	v30 =	vbroadcast v22, $0x3;
	v6 =	vld.idx.msk [tilespmem:v6+s19+$0x0], vm2  }
0x276: {  	vm3 =	vmand vm3, vm1;
	v31 =	vbroadcast v22, $0x4;
	v8 =	vadd.s32 v4, v8  }
0x277: {  	v7 =	vadd.s32 v3, v7;
	v32 =	vbroadcast v22, $0x5;
	v33 =	vbroadcast v22, $0x6  }
0x278: {  	v34 =	vbroadcast v22, $0x7;
	v20 =	vbroadcast v22, $0x8  }
0x279: {  	v18 =	vbroadcast v22, $0x9;
	v16 =	vbroadcast v22, $0xA  }
0x27a: {  	s14 =	sadd.s32 $0xFFFFFFF3, s8;
	v13 =	vbroadcast v5, $0xC;
	v14 =	vbroadcast v22, $0xB  }
0x27b: {  	p2 =	slt.s32 s14, s26;
	v11 =	vbroadcast v5, $0xD;
	v12 =	vbroadcast v22, $0xC;
	[tilespmem:v8+s21+$0x0] =	vst.idx.add.f32.msk vm2, v6;
	vm2 =	vmmov vm0  }
0x27c: {  	v9 =	vbroadcast v22, $0xD;
	v8 =	vbroadcast v5, $0xE;
	v35 =	vld.idx.msk [tilespmem:v7+s19+$0x0], vm3;
	vm2 =	vmneg @p2 vm2  }
0x27d: {  	v28 =	vadd.s32 v4, v28;
	v6 =	vbroadcast v22, $0xE;
	vm2 =	vmand vm2, vm1  }
0x27e: {  	v23 =	vadd.s32 v3, v23;
	v7 =	vbroadcast v5, $0xF;
	v5 =	vbroadcast v22, $0xF;
	_ =	sdelay $0x2  }
0x27f: {  	s14 =	sadd.s32 $0xFFFFFFF4, s8  }
0x280: {  	p2 =	slt.s32 s14, s26;
	[tilespmem:v28+s21+$0x0] =	vst.idx.add.f32.msk vm3, v35;
	vm3 =	vmmov vm0  }
0x281: {  	v22 =	vld.idx.msk [tilespmem:v23+s19+$0x0], vm2;
	vm3 =	vmneg @p2 vm3  }
0x282: {  	v23 =	vadd.s32 v4, v29;
	vm3 =	vmand vm3, vm1  }
0x283: {  	v24 =	vadd.s32 v3, v24;
	_ =	sdelay $0x2  }
0x284: {  	s14 =	sadd.s32 $0xFFFFFFF5, s8  }
0x285: {  	p2 =	slt.s32 s14, s26;
	[tilespmem:v23+s21+$0x0] =	vst.idx.add.f32.msk vm2, v22;
	vm2 =	vmmov vm0  }
0x286: {  	v22 =	vld.idx.msk [tilespmem:v24+s19+$0x0], vm3;
	vm2 =	vmneg @p2 vm2  }
0x287: {  	v23 =	vadd.s32 v4, v30;
	vm2 =	vmand vm2, vm1  }
0x288: {  	v24 =	vadd.s32 v3, v25;
	_ =	sdelay $0x2  }
0x289: {  	s14 =	sadd.s32 $0xFFFFFFF6, s8  }
0x28a: {  	p2 =	slt.s32 s14, s26;
	[tilespmem:v23+s21+$0x0] =	vst.idx.add.f32.msk vm3, v22;
	vm3 =	vmmov vm0  }
0x28b: {  	v22 =	vld.idx.msk [tilespmem:v24+s19+$0x0], vm2;
	vm3 =	vmneg @p2 vm3  }
0x28c: {  	v23 =	vadd.s32 v4, v31;
	vm3 =	vmand vm3, vm1  }
0x28d: {  	v24 =	vadd.s32 v3, v26;
	_ =	sdelay $0x2  }
0x28e: {  	s14 =	sadd.s32 $0xFFFFFFF7, s8  }
0x28f: {  	p2 =	slt.s32 s14, s26;
	[tilespmem:v23+s21+$0x0] =	vst.idx.add.f32.msk vm2, v22;
	vm2 =	vmmov vm0  }
0x290: {  	v22 =	vld.idx.msk [tilespmem:v24+s19+$0x0], vm3;
	vm2 =	vmneg @p2 vm2  }
0x291: {  	v23 =	vadd.s32 v4, v32;
	vm2 =	vmand vm2, vm1  }
0x292: {  	v24 =	vadd.s32 v3, v27;
	_ =	sdelay $0x2  }
0x293: {  	s14 =	sadd.s32 $0xFFFFFFF8, s8  }
0x294: {  	p2 =	slt.s32 s14, s26;
	[tilespmem:v23+s21+$0x0] =	vst.idx.add.f32.msk vm3, v22;
	vm3 =	vmmov vm0  }
0x295: {  	v22 =	vld.idx.msk [tilespmem:v24+s19+$0x0], vm2;
	vm3 =	vmneg @p2 vm3  }
0x296: {  	v23 =	vadd.s32 v4, v33;
	vm3 =	vmand vm3, vm1  }
0x297: {  	v21 =	vadd.s32 v3, v21;
	_ =	sdelay $0x2  }
0x298: {  	s14 =	sadd.s32 $0xFFFFFFF9, s8  }
0x299: {  	p2 =	slt.s32 s14, s26;
	[tilespmem:v23+s21+$0x0] =	vst.idx.add.f32.msk vm2, v22;
	vm2 =	vmmov vm0  }
0x29a: {  	v21 =	vld.idx.msk [tilespmem:v21+s19+$0x0], vm3;
	vm2 =	vmneg @p2 vm2  }
0x29b: {  	v22 =	vadd.s32 v4, v34;
	vm2 =	vmand vm2, vm1  }
0x29c: {  	v19 =	vadd.s32 v3, v19;
	_ =	sdelay $0x2  }
0x29d: {  	s14 =	sadd.s32 $0xFFFFFFFA, s8  }
0x29e: {  	p2 =	slt.s32 s14, s26;
	[tilespmem:v22+s21+$0x0] =	vst.idx.add.f32.msk vm3, v21;
	vm3 =	vmmov vm0  }
0x29f: {  	v19 =	vld.idx.msk [tilespmem:v19+s19+$0x0], vm2;
	vm3 =	vmneg @p2 vm3  }
0x2a0: {  	v20 =	vadd.s32 v4, v20;
	vm3 =	vmand vm3, vm1  }
0x2a1: {  	v17 =	vadd.s32 v3, v17;
	_ =	sdelay $0x2  }
0x2a2: {  	s14 =	sadd.s32 $0xFFFFFFFB, s8  }
0x2a3: {  	p2 =	slt.s32 s14, s26;
	[tilespmem:v20+s21+$0x0] =	vst.idx.add.f32.msk vm2, v19;
	vm2 =	vmmov vm0  }
0x2a4: {  	v17 =	vld.idx.msk [tilespmem:v17+s19+$0x0], vm3;
	vm2 =	vmneg @p2 vm2  }
0x2a5: {  	v18 =	vadd.s32 v4, v18;
	vm2 =	vmand vm2, vm1  }
0x2a6: {  	v15 =	vadd.s32 v3, v15;
	_ =	sdelay $0x2  }
0x2a7: {  	s14 =	sadd.s32 $0xFFFFFFFC, s8  }
0x2a8: {  	p2 =	slt.s32 s14, s26;
	[tilespmem:v18+s21+$0x0] =	vst.idx.add.f32.msk vm3, v17;
	vm3 =	vmmov vm0  }
0x2a9: {  	v15 =	vld.idx.msk [tilespmem:v15+s19+$0x0], vm2;
	vm3 =	vmneg @p2 vm3  }
0x2aa: {  	v16 =	vadd.s32 v4, v16;
	vm3 =	vmand vm3, vm1  }
0x2ab: {  	v10 =	vadd.s32 v3, v10;
	_ =	sdelay $0x2  }
0x2ac: {  	s14 =	sadd.s32 $0xFFFFFFFD, s8  }
0x2ad: {  	p2 =	slt.s32 s14, s26;
	[tilespmem:v16+s21+$0x0] =	vst.idx.add.f32.msk vm2, v15;
	vm2 =	vmmov vm0  }
0x2ae: {  	v10 =	vld.idx.msk [tilespmem:v10+s19+$0x0], vm3;
	vm2 =	vmneg @p2 vm2  }
0x2af: {  	v14 =	vadd.s32 v4, v14;
	vm2 =	vmand vm2, vm1  }
0x2b0: {  	v13 =	vadd.s32 v3, v13;
	_ =	sdelay $0x2  }
0x2b1: {  	s14 =	sadd.s32 $0xFFFFFFFE, s8  }
0x2b2: {  	p2 =	slt.s32 s14, s26;
	[tilespmem:v14+s21+$0x0] =	vst.idx.add.f32.msk vm3, v10;
	vm3 =	vmmov vm0  }
0x2b3: {  	v10 =	vld.idx.msk [tilespmem:v13+s19+$0x0], vm2;
	vm3 =	vmneg @p2 vm3  }
0x2b4: {  	v12 =	vadd.s32 v4, v12;
	vm3 =	vmand vm3, vm1  }
0x2b5: {  	v11 =	vadd.s32 v3, v11;
	_ =	sdelay $0x2  }
0x2b6: {  	s14 =	sadd.s32 $0xFFFFFFFF, s8  }
0x2b7: {  	p2 =	slt.s32 s14, s26;
	[tilespmem:v12+s21+$0x0] =	vst.idx.add.f32.msk vm2, v10;
	vm2 =	vmmov vm0  }
0x2b8: {  	v10 =	vld.idx.msk [tilespmem:v11+s19+$0x0], vm3;
	vm2 =	vmneg @p2 vm2  }
0x2b9: {  	v9 =	vadd.s32 v4, v9;
	vm4 =	vmand vm2, vm1  }
0x2ba: {  	v8 =	vadd.s32 v3, v8;
	_ =	sdelay $0x3  }
0x2bb: {  	p2 =	slt.s32 s8, s26;
	vm2 =	vmmov vm0;
	[tilespmem:v9+s21+$0x0] =	vst.idx.add.f32.msk vm3, v10  }
0x2bc: {  	vm2 =	vmneg @p2 vm2;
	v8 =	vld.idx.msk [tilespmem:v8+s19+$0x0], vm4  }
0x2bd: {  	v6 =	vadd.s32 v4, v6;
	vm2 =	vmand vm2, vm1  }
0x2be: {  	v7 =	vadd.s32 v3, v7;
	_ =	sdelay $0x1  }
.Ltmp16:
0x2bf: {  	(pc) =	sbr.rel @p1 .LBB2_22-.Ltmp16, $4  }
0x2c0: {  	_ = 	snop  }
0x2c1: {  	[tilespmem:v6+s21+$0x0] =	vst.idx.add.f32.msk vm4, v8  }
0x2c2: {  	v6 =	vld.idx.msk [tilespmem:v7+s19+$0x0], vm2  }
0x2c3: {  	v5 =	vadd.s32 v4, v5  }
.Ltmp17:
0x2c4: {  	_ = 	snop;
	(pc) =	sbr.rel .LBB2_23-.Ltmp17, $1  }
0x2c5: {  	_ =	sdelay $0x3  }
.LBB2_26:
0x2c6: {  	_ =	sfence.sel $0x180000  }
0x2c7: {  	[bflag:$0x0] =	sbarrier.arrive $0xFFFF  }
0x2c8: {  	_ =	strace $0x90000047  }
0x2c9: {  	s0 =	stileid.u32;
	[bflag:$0x2] =	sbarrier.arrive $0xFFFF  }
0x2ca: {  	p0 =	sne.s32 s0, $0x0;
	s0 =	rddreg [dreg:$0x2]  }
0x2cb: {  	s0 =	sadd.s32 @!p0 $0x100000, s0  }
0x2cc: {  	[sflag:s0] =	ssyncadd.tile.s32 @!p0 $0x1;
	_ =	shalt  }
.Lfunc_end2:
_tile_overlayer_lowered:
.L_overlay_start_2:
0x2cd: {  	(tag) =	ssettag $0x2  }
0x2ce: {  	s0 =	rddreg [dreg:$0x0];
	s2 =	stileid.u32  }
0x2cf: {  	s1 =	rddreg [dreg:$0x1];
	p0 =	sne.s32 s2, $0x0  }
0x2d0: {  	s3 =	rddreg [dreg:$0x2];
	[bflag:$0x3] =	sbarrier.arrive $0xFFFF;
	s2 =	simm.s32 @!p0 $0x1C05  }
0x2d1: {  	[timem:s3], [sflag:s2] =	dma.local @!p0 [hbm:s0], s1  }
0x2d2: {  	s0 =	simm.s32 @!p0 $0x5  }
0x2d3: {  	_ =	swait.ge @!p0 [sflag:s0], s1  }
0x2d4: {  	s1 =	ssub.s32 @!p0 $0x0, s1;
	[sflag:s0] =	ssyncset.done @!p0 $0x0  }
0x2d5: {  	[sflag:s0] =	ssyncadd.s32 @!p0 s1  }
0x2d6: {  	[bflag:$0x3] =	sbarrier.arrive $0xFFFF  }
0x2d7: {  	_ =	shalt  }

</sc_bundles>
